<compile_context>
chip_gen: v7x
topology: tpu7x:2x2x1
jax: 0.10.2.dev20260603
libtpu: 0.0.44.dev20260713+nightly
codegen_flags: <defaults>
</compile_context>

<pallas_src>
import functools

import jax
import jax.numpy as jnp
from jax import lax
from jax.experimental import pallas as pl
from jax.experimental.pallas import tpu as pltpu
from jax.experimental.pallas import tpu_sc as plsc

NC = 2
NS = 16
L = 16
NW = NC * NS
CHUNK = 64


def _sc_partials(o2d, b2d, n_rows, n_ch):
    rows_per_worker = n_rows // NW
    n_chunks = rows_per_worker // CHUNK

    mesh = plsc.VectorSubcoreMesh(core_axis_name="c", subcore_axis_name="s")

    @functools.partial(
        pl.kernel,
        mesh=mesh,
        out_type=jax.ShapeDtypeStruct((NC, NS, L), jnp.float32),
        compiler_params=pltpu.CompilerParams(needs_layout_passes=False),
        scratch_types=[
            pltpu.VMEM((CHUNK, n_ch), jnp.float32),
            pltpu.VMEM((CHUNK, n_ch), jnp.float32),
            pltpu.VMEM((CHUNK, n_ch), jnp.float32),
            pltpu.VMEM((CHUNK, n_ch), jnp.float32),
            pltpu.VMEM((L,), jnp.float32),
            pltpu.SemaphoreType.DMA,
            pltpu.SemaphoreType.DMA,
            pltpu.SemaphoreType.DMA,
            pltpu.SemaphoreType.DMA,
        ],
    )
    def sc_kernel(o_hbm, b_hbm, out_hbm, o0, o1, b0, b1, stage,
                  so0, so1, sb0, sb1):
        cid = lax.axis_index("c")
        sid = lax.axis_index("s")
        wid = sid * NC + cid
        base_row = wid * rows_per_worker
        obufs = (o0, o1)
        bbufs = (b0, b1)
        osems = (so0, so1)
        bsems = (sb0, sb1)

        def dma_pair(g, par):
            r0 = base_row + g * CHUNK
            oc = pltpu.make_async_copy(
                o_hbm.at[pl.ds(r0, CHUNK), :], obufs[par], osems[par])
            bc = pltpu.make_async_copy(
                b_hbm.at[pl.ds(r0, CHUNK), :], bbufs[par], bsems[par])
            return oc, bc

        def start(g, par):
            oc, bc = dma_pair(g, par)
            oc.start()
            bc.start()

        def wait(g, par):
            oc, bc = dma_pair(g, par)
            oc.wait()
            bc.wait()

        start(0, 0)
        start(1, 1)

        lanes = lax.iota(jnp.int32, L)
        neg_inf = jnp.full((L,), -jnp.inf, jnp.float32)
        zeros = jnp.zeros((L,), jnp.float32)

        def chunk_compute(par, loss):
            for gr in range(CHUNK // L):
                rows = gr * L + lanes

                def body1(t, carry):
                    cols, rb, ro, rm = carry
                    vb = plsc.load_gather(bbufs[par], [rows, cols])
                    vo = plsc.load_gather(obufs[par], [rows, cols])
                    upd = vb > rb
                    return (cols + 1,
                            jnp.maximum(rb, vb),
                            jnp.where(upd, vo, ro),
                            jnp.maximum(rm, vo))

                cols, rbA, roA, rm = lax.fori_loop(
                    0, n_ch - L, body1, (lanes, neg_inf, zeros, neg_inf),
                    unroll=8)

                def body2(t, carry):
                    cols, wr, rbA, roA, rbB, roB, rm = carry
                    vb = plsc.load_gather(bbufs[par], [rows, cols])
                    vo = plsc.load_gather(obufs[par], [rows, cols])
                    updA = (vb > rbA) & (~wr)
                    updB = (vb > rbB) & wr
                    cols1 = cols + 1
                    wrapnow = cols1 >= n_ch
                    return (jnp.where(wrapnow, cols1 - n_ch, cols1),
                            wr | wrapnow,
                            jnp.where(updA, vb, rbA),
                            jnp.where(updA, vo, roA),
                            jnp.where(updB, vb, rbB),
                            jnp.where(updB, vo, roB),
                            jnp.maximum(rm, vo))

                wr0 = jnp.zeros((L,), jnp.bool_)
                _, _, rbA, roA, rbB, roB, rm = lax.fori_loop(
                    0, L, body2,
                    (cols, wr0, rbA, roA, neg_inf, zeros, rm))

                useB = rbB >= rbA
                ro = jnp.where(useB, roB, roA)
                loss = loss + (1.0 - ro / rm)
            return loss

        def loop_body(i, loss):
            for par in range(2):
                g = 2 * i + par
                wait(g, par)

                @pl.when(g + 2 < n_chunks)
                def _():
                    start(g + 2, par)

                loss = chunk_compute(par, loss)
            return loss

        loss = lax.fori_loop(0, n_chunks // 2, loop_body, zeros)
        stage[...] = loss
        pltpu.sync_copy(stage, out_hbm.at[cid, sid])

    return sc_kernel(o2d, b2d)


TC_BLOCK = 512


def _tc_partial(o2d, b2d, row0, n_rows_tc, n_ch):
    grid = (n_rows_tc // TC_BLOCK,)

    def body(o_ref, b_ref, out_ref):
        @pl.when(pl.program_id(0) == 0)
        def _():
            out_ref[0, 0] = 0.0

        o = o_ref[...]
        b = b_ref[...]
        bmax = jnp.max(b, axis=-1, keepdims=True)
        cols = jax.lax.broadcasted_iota(jnp.int32, (TC_BLOCK, n_ch), 1)
        idx = jnp.min(jnp.where(b == bmax, cols, n_ch), axis=-1,
                      keepdims=True)
        lookup = jnp.max(jnp.where(cols == idx, o, -jnp.inf), axis=-1)
        omax = jnp.max(o, axis=-1)
        out_ref[0, 0] += jnp.sum(1.0 - lookup / omax)

    out = pl.pallas_call(
        body,
        grid=grid,
        in_specs=[
            pl.BlockSpec((TC_BLOCK, n_ch),
                         lambda i: (row0 // TC_BLOCK + i, 0)),
            pl.BlockSpec((TC_BLOCK, n_ch),
                         lambda i: (row0 // TC_BLOCK + i, 0)),
        ],
        out_specs=pl.BlockSpec(memory_space=pltpu.SMEM),
        out_shape=jax.ShapeDtypeStruct((1, 1), jnp.float32),
    )(o2d, b2d)
    return out


def _tc_sum(partials, tc_part):
    def body(x_ref, t_ref, o_ref):
        o_ref[0, 0] = jnp.sum(x_ref[...]) + t_ref[0, 0]

    out = pl.pallas_call(
        body,
        out_shape=jax.ShapeDtypeStruct((1, 1), jnp.float32),
        in_specs=[pl.BlockSpec(memory_space=pltpu.VMEM),
                  pl.BlockSpec(memory_space=pltpu.SMEM)],
        out_specs=pl.BlockSpec(memory_space=pltpu.SMEM),
    )(partials, tc_part)
    return out[0, 0]


SC_ROWS = 86016


def kernel(original, boosted):
    n_ch = original.shape[-1]
    n_rows = original.size // n_ch
    o2d = original.reshape(n_rows, n_ch)
    b2d = boosted.reshape(n_rows, n_ch)
    assert SC_ROWS % (NW * CHUNK) == 0
    assert (n_rows - SC_ROWS) % TC_BLOCK == 0
    partials = _sc_partials(o2d, b2d, SC_ROWS, n_ch)
    tc_part = _tc_partial(o2d, b2d, SC_ROWS, n_rows - SC_ROWS, n_ch)
    return _tc_sum(partials, tc_part)

# --- scband reference (transcript-rebuilt; emitter-appended) ---
"""Pipeline reference for scband-color-regularizer-1047972020408 (READ-ONLY COPY).

The authoritative reference and input builder live on the scoring server;
editing this copy changes nothing except your own understanding.
"""

import jax, jax.numpy as jnp
import numpy as np


def setup_inputs(seed: int = 0) -> dict:
    key = jax.random.key(seed)
    k1, k2 = jax.random.split(key)
    original = jax.random.uniform(k1, (32, 64, 64, 313), dtype=jnp.float32, minval=1e-3, maxval=1.0)
    boosted = jax.random.uniform(k2, (32, 64, 64, 313), dtype=jnp.float32)
    return {"original": original, "boosted": boosted}


def reference(original, boosted):
    # Flatten all leading dims, keep channel (color-bin) dim
    C_o = original.shape[-1]
    C_b = boosted.shape[-1]
    o = original.reshape(-1, C_o)
    b = boosted.reshape(-1, C_b)
    # argmax of boosted distribution per row
    boosted_idx = jnp.argmax(b, axis=-1)
    # gather original value at boosted argmax (gather_nd equivalent)
    original_lookup = jnp.take_along_axis(o, boosted_idx[:, None], axis=1)[:, 0]
    # per-row max of original
    original_max = jnp.max(o, axis=-1)
    loss = jnp.sum(1.0 - original_lookup / original_max)
    return loss

if __name__ == "__main__":
    import jax
    _d = setup_inputs()
    print(jax.jit(kernel)(*tuple(_d.values())))

</pallas_src>

<mosaic_0001>
#map = affine_map<(d0, d1) -> (0, 0)>
#map1 = affine_map<(d0, d1) -> (0, 0, 0)>
module attributes {stable_mosaic.version = 14 : i64} {
  func.func @sc_kernel(%arg0: i32, %arg1: i32, %arg2: memref<131072x313xf32, #tpu.memory_space<hbm>>, %arg3: memref<131072x313xf32, #tpu.memory_space<hbm>>, %arg4: memref<2x16x16xf32, #tpu.memory_space<hbm>>, %arg5: memref<64x313xf32, #tpu.memory_space<vmem>>, %arg6: memref<64x313xf32, #tpu.memory_space<vmem>>, %arg7: memref<64x313xf32, #tpu.memory_space<vmem>>, %arg8: memref<64x313xf32, #tpu.memory_space<vmem>>, %arg9: memref<16xf32, #tpu.memory_space<vmem>>, %arg10: memref<!tpu.dma_semaphore, #tpu.memory_space<semaphore_mem>>, %arg11: memref<!tpu.dma_semaphore, #tpu.memory_space<semaphore_mem>>, %arg12: memref<!tpu.dma_semaphore, #tpu.memory_space<semaphore_mem>>, %arg13: memref<!tpu.dma_semaphore, #tpu.memory_space<semaphore_mem>>) attributes {dimension_semantics = [#tpu.dimension_semantics<core_parallel>, #tpu.dimension_semantics<subcore_parallel>], iteration_bounds = array<i64: 2, 16>, scalar_prefetch = 0 : i64, scratch_operands = 9 : i64, tpu.core_type = #tpu.core_type<sc_vector_subcore>, window_params = [{transform_indices = #map}, {transform_indices = #map}, {transform_indices = #map1}]} {
    %mul3A = arith.constant 2 : i32
    %mul3A_0 = arith.muli %arg1, %mul3A : i32
    %add3A = arith.addi %mul3A_0, %arg0 : i32
    %mul3A_1 = arith.constant 2688 : i32
    %mul3A_2 = arith.muli %add3A, %mul3A_1 : i32
    %add3A_3 = arith.constant 0 : i32
    %add3A_4 = arith.addi %mul3A_2, %add3A_3 : i32
    %dma_start3A = arith.constant 0 : i32
    %dma_start3A_5 = tpu.memref_slice %arg2[%add3A_4, %dma_start3A] : memref<131072x313xf32, #tpu.memory_space<hbm>> -> memref<64x313xf32, #tpu.memory_space<hbm>>
    %dma_start3A_6 = arith.constant 0 : i32
    %dma_start3A_7 = tpu.memref_slice %arg2[%add3A_4, %dma_start3A_6] : memref<131072x313xf32, #tpu.memory_space<hbm>> -> memref<64x313xf32, #tpu.memory_space<hbm>>
    tpu.enqueue_dma source(%dma_start3A_7 : memref<64x313xf32, #tpu.memory_space<hbm>>) target(%arg5 : memref<64x313xf32, #tpu.memory_space<vmem>>) target_semaphore(%arg10 : memref<!tpu.dma_semaphore, #tpu.memory_space<semaphore_mem>>)
    %dma_start3A_8 = arith.constant 0 : i32
    %dma_start3A_9 = tpu.memref_slice %arg3[%add3A_4, %dma_start3A_8] : memref<131072x313xf32, #tpu.memory_space<hbm>> -> memref<64x313xf32, #tpu.memory_space<hbm>>
    %dma_start3A_10 = arith.constant 0 : i32
    %dma_start3A_11 = tpu.memref_slice %arg3[%add3A_4, %dma_start3A_10] : memref<131072x313xf32, #tpu.memory_space<hbm>> -> memref<64x313xf32, #tpu.memory_space<hbm>>
    tpu.enqueue_dma source(%dma_start3A_11 : memref<64x313xf32, #tpu.memory_space<hbm>>) target(%arg7 : memref<64x313xf32, #tpu.memory_space<vmem>>) target_semaphore(%arg12 : memref<!tpu.dma_semaphore, #tpu.memory_space<semaphore_mem>>)
    %add3A_12 = arith.constant 64 : i32
    %add3A_13 = arith.addi %mul3A_2, %add3A_12 : i32
    %dma_start3A_14 = arith.constant 0 : i32
    %dma_start3A_15 = tpu.memref_slice %arg2[%add3A_13, %dma_start3A_14] : memref<131072x313xf32, #tpu.memory_space<hbm>> -> memref<64x313xf32, #tpu.memory_space<hbm>>
    %dma_start3A_16 = arith.constant 0 : i32
    %dma_start3A_17 = tpu.memref_slice %arg2[%add3A_13, %dma_start3A_16] : memref<131072x313xf32, #tpu.memory_space<hbm>> -> memref<64x313xf32, #tpu.memory_space<hbm>>
    tpu.enqueue_dma source(%dma_start3A_17 : memref<64x313xf32, #tpu.memory_space<hbm>>) target(%arg6 : memref<64x313xf32, #tpu.memory_space<vmem>>) target_semaphore(%arg11 : memref<!tpu.dma_semaphore, #tpu.memory_space<semaphore_mem>>)
    %dma_start3A_18 = arith.constant 0 : i32
    %dma_start3A_19 = tpu.memref_slice %arg3[%add3A_13, %dma_start3A_18] : memref<131072x313xf32, #tpu.memory_space<hbm>> -> memref<64x313xf32, #tpu.memory_space<hbm>>
    %dma_start3A_20 = arith.constant 0 : i32
    %dma_start3A_21 = tpu.memref_slice %arg3[%add3A_13, %dma_start3A_20] : memref<131072x313xf32, #tpu.memory_space<hbm>> -> memref<64x313xf32, #tpu.memory_space<hbm>>
    tpu.enqueue_dma source(%dma_start3A_21 : memref<64x313xf32, #tpu.memory_space<hbm>>) target(%arg8 : memref<64x313xf32, #tpu.memory_space<vmem>>) target_semaphore(%arg13 : memref<!tpu.dma_semaphore, #tpu.memory_space<semaphore_mem>>)
    %iota3A = tpu.iota {dimensions = array<i32: 0>} : vector<16xi32>
    %broadcast_in_dim3A = arith.constant 0xFF800000 : f32
    %broadcast_in_dim3A_22 = vector.broadcast %broadcast_in_dim3A : f32 to vector<16xf32>
    %broadcast_in_dim3A_23 = arith.constant 0.000000e+00 : f32
    %broadcast_in_dim3A_24 = vector.broadcast %broadcast_in_dim3A_23 : f32 to vector<16xf32>
    %scan3A = arith.constant 0 : i32
    %scan3A_25 = arith.constant 21 : i32
    %scan3A_26 = arith.addi %scan3A, %scan3A_25 : i32
    %scan3A_27 = arith.constant 1 : i32
    %scan3A_28 = scf.for %scan3A_31 = %scan3A to %scan3A_26 step %scan3A_27 iter_args(%scan3A_32 = %broadcast_in_dim3A_24) -> (vector<16xf32>)  : i32 {
      %mul3A_33 = arith.constant 2 : i32
      %mul3A_34 = arith.muli %mul3A_33, %scan3A_31 : i32
      %add3A_35 = arith.constant 0 : i32
      %add3A_36 = arith.addi %mul3A_34, %add3A_35 : i32
      %mul3A_37 = arith.constant 64 : i32
      %mul3A_38 = arith.muli %add3A_36, %mul3A_37 : i32
      %add3A_39 = arith.addi %mul3A_2, %mul3A_38 : i32
      %dma_wait3A = arith.constant 0 : i32
      %dma_wait3A_40 = tpu.memref_slice %arg2[%add3A_39, %dma_wait3A] : memref<131072x313xf32, #tpu.memory_space<hbm>> -> memref<64x313xf32, #tpu.memory_space<hbm>>
      %dma_wait3A_41 = arith.constant 0 : i32
      %dma_wait3A_42 = tpu.memref_slice %arg2[%add3A_39, %dma_wait3A_41] : memref<131072x313xf32, #tpu.memory_space<hbm>> -> memref<64x313xf32, #tpu.memory_space<hbm>>
      tpu.wait_dma2 semaphore(%arg10 : memref<!tpu.dma_semaphore, #tpu.memory_space<semaphore_mem>>) src(%dma_wait3A_42 : memref<64x313xf32, #tpu.memory_space<hbm>>) dst(%arg5 : memref<64x313xf32, #tpu.memory_space<vmem>>)
      %dma_wait3A_43 = arith.constant 0 : i32
      %dma_wait3A_44 = tpu.memref_slice %arg3[%add3A_39, %dma_wait3A_43] : memref<131072x313xf32, #tpu.memory_space<hbm>> -> memref<64x313xf32, #tpu.memory_space<hbm>>
      %dma_wait3A_45 = arith.constant 0 : i32
      %dma_wait3A_46 = tpu.memref_slice %arg3[%add3A_39, %dma_wait3A_45] : memref<131072x313xf32, #tpu.memory_space<hbm>> -> memref<64x313xf32, #tpu.memory_space<hbm>>
      tpu.wait_dma2 semaphore(%arg12 : memref<!tpu.dma_semaphore, #tpu.memory_space<semaphore_mem>>) src(%dma_wait3A_46 : memref<64x313xf32, #tpu.memory_space<hbm>>) dst(%arg7 : memref<64x313xf32, #tpu.memory_space<vmem>>)
      %add3A_47 = arith.constant 2 : i32
      %add3A_48 = arith.addi %add3A_36, %add3A_47 : i32
      %lt3A = arith.constant 42 : i32
      %lt3A_49 = arith.cmpi slt, %add3A_48, %lt3A : i32
      %convert_element_type3A = arith.extui %lt3A_49 : i1 to i32
      %cond3A = arith.constant 0 : i32
      %cond3A_50 = arith.cmpi ne, %convert_element_type3A, %cond3A : i32
      scf.if %cond3A_50 {
        %add3A_346 = arith.constant 2 : i32
        %add3A_347 = arith.addi %add3A_36, %add3A_346 : i32
        %mul3A_348 = arith.constant 64 : i32
        %mul3A_349 = arith.muli %add3A_347, %mul3A_348 : i32
        %add3A_350 = arith.addi %mul3A_2, %mul3A_349 : i32
        %dma_start3A_351 = arith.constant 0 : i32
        %dma_start3A_352 = tpu.memref_slice %arg2[%add3A_350, %dma_start3A_351] : memref<131072x313xf32, #tpu.memory_space<hbm>> -> memref<64x313xf32, #tpu.memory_space<hbm>>
        %dma_start3A_353 = arith.constant 0 : i32
        %dma_start3A_354 = tpu.memref_slice %arg2[%add3A_350, %dma_start3A_353] : memref<131072x313xf32, #tpu.memory_space<hbm>> -> memref<64x313xf32, #tpu.memory_space<hbm>>
        tpu.enqueue_dma source(%dma_start3A_354 : memref<64x313xf32, #tpu.memory_space<hbm>>) target(%arg5 : memref<64x313xf32, #tpu.memory_space<vmem>>) target_semaphore(%arg10 : memref<!tpu.dma_semaphore, #tpu.memory_space<semaphore_mem>>)
        %dma_start3A_355 = arith.constant 0 : i32
        %dma_start3A_356 = tpu.memref_slice %arg3[%add3A_350, %dma_start3A_355] : memref<131072x313xf32, #tpu.memory_space<hbm>> -> memref<64x313xf32, #tpu.memory_space<hbm>>
        %dma_start3A_357 = arith.constant 0 : i32
        %dma_start3A_358 = tpu.memref_slice %arg3[%add3A_350, %dma_start3A_357] : memref<131072x313xf32, #tpu.memory_space<hbm>> -> memref<64x313xf32, #tpu.memory_space<hbm>>
        tpu.enqueue_dma source(%dma_start3A_358 : memref<64x313xf32, #tpu.memory_space<hbm>>) target(%arg7 : memref<64x313xf32, #tpu.memory_space<vmem>>) target_semaphore(%arg12 : memref<!tpu.dma_semaphore, #tpu.memory_space<semaphore_mem>>)
      } else {
      }
      %add3A_51 = arith.constant 0 : i32
      %add3A_52 = vector.broadcast %add3A_51 : i32 to vector<16xi32>
      %add3A_53 = arith.addi %add3A_52, %iota3A : vector<16xi32>
      %scan3A_54 = arith.constant 0 : i32
      %scan3A_55 = arith.constant 296 : i32
      %scan3A_56 = arith.addi %scan3A_54, %scan3A_55 : i32
      %scan3A_57 = arith.constant 8 : i32
      %scan3A_58:4 = scf.for %scan3A_346 = %scan3A_54 to %scan3A_56 step %scan3A_57 iter_args(%scan3A_347 = %iota3A, %scan3A_348 = %broadcast_in_dim3A_22, %scan3A_349 = %broadcast_in_dim3A_24, %scan3A_350 = %broadcast_in_dim3A_22) -> (vector<16xi32>, vector<16xf32>, vector<16xf32>, vector<16xf32>)  : i32 {
        %gather3A_351 = tpu.vector_load_idx %arg7[%add3A_53, %scan3A_347] : memref<64x313xf32, #tpu.memory_space<vmem>>[vector<16xi32>, vector<16xi32>], vector<16xf32>,
        %gather3A_352 = tpu.vector_load_idx %arg5[%add3A_53, %scan3A_347] : memref<64x313xf32, #tpu.memory_space<vmem>>[vector<16xi32>, vector<16xi32>], vector<16xf32>,
        %gt3A_353 = arith.cmpf ogt, %gather3A_351, %scan3A_348 : vector<16xf32>
        %add3A_354 = arith.constant 1 : i32
        %add3A_355 = vector.broadcast %add3A_354 : i32 to vector<16xi32>
        %add3A_356 = arith.addi %scan3A_347, %add3A_355 : vector<16xi32>
        %max3A_357 = arith.maximumf %scan3A_348, %gather3A_351 : vector<16xf32>
        %select_n3A_358 = arith.select %gt3A_353, %gather3A_352, %scan3A_349 : vector<16xi1>, vector<16xf32>
        %max3A_359 = arith.maximumf %scan3A_350, %gather3A_352 : vector<16xf32>
        %scan3A_360 = arith.constant 1 : i32
        %scan3A_361 = arith.addi %scan3A_346, %scan3A_360 : i32
        %gather3A_362 = tpu.vector_load_idx %arg7[%add3A_53, %add3A_356] : memref<64x313xf32, #tpu.memory_space<vmem>>[vector<16xi32>, vector<16xi32>], vector<16xf32>,
        %gather3A_363 = tpu.vector_load_idx %arg5[%add3A_53, %add3A_356] : memref<64x313xf32, #tpu.memory_space<vmem>>[vector<16xi32>, vector<16xi32>], vector<16xf32>,
        %gt3A_364 = arith.cmpf ogt, %gather3A_362, %max3A_357 : vector<16xf32>
        %add3A_365 = arith.constant 1 : i32
        %add3A_366 = vector.broadcast %add3A_365 : i32 to vector<16xi32>
        %add3A_367 = arith.addi %add3A_356, %add3A_366 : vector<16xi32>
        %max3A_368 = arith.maximumf %max3A_357, %gather3A_362 : vector<16xf32>
        %select_n3A_369 = arith.select %gt3A_364, %gather3A_363, %select_n3A_358 : vector<16xi1>, vector<16xf32>
        %max3A_370 = arith.maximumf %max3A_359, %gather3A_363 : vector<16xf32>
        %scan3A_371 = arith.constant 2 : i32
        %scan3A_372 = arith.addi %scan3A_346, %scan3A_371 : i32
        %gather3A_373 = tpu.vector_load_idx %arg7[%add3A_53, %add3A_367] : memref<64x313xf32, #tpu.memory_space<vmem>>[vector<16xi32>, vector<16xi32>], vector<16xf32>,
        %gather3A_374 = tpu.vector_load_idx %arg5[%add3A_53, %add3A_367] : memref<64x313xf32, #tpu.memory_space<vmem>>[vector<16xi32>, vector<16xi32>], vector<16xf32>,
        %gt3A_375 = arith.cmpf ogt, %gather3A_373, %max3A_368 : vector<16xf32>
        %add3A_376 = arith.constant 1 : i32
        %add3A_377 = vector.broadcast %add3A_376 : i32 to vector<16xi32>
        %add3A_378 = arith.addi %add3A_367, %add3A_377 : vector<16xi32>
        %max3A_379 = arith.maximumf %max3A_368, %gather3A_373 : vector<16xf32>
        %select_n3A_380 = arith.select %gt3A_375, %gather3A_374, %select_n3A_369 : vector<16xi1>, vector<16xf32>
        %max3A_381 = arith.maximumf %max3A_370, %gather3A_374 : vector<16xf32>
        %scan3A_382 = arith.constant 3 : i32
        %scan3A_383 = arith.addi %scan3A_346, %scan3A_382 : i32
        %gather3A_384 = tpu.vector_load_idx %arg7[%add3A_53, %add3A_378] : memref<64x313xf32, #tpu.memory_space<vmem>>[vector<16xi32>, vector<16xi32>], vector<16xf32>,
        %gather3A_385 = tpu.vector_load_idx %arg5[%add3A_53, %add3A_378] : memref<64x313xf32, #tpu.memory_space<vmem>>[vector<16xi32>, vector<16xi32>], vector<16xf32>,
        %gt3A_386 = arith.cmpf ogt, %gather3A_384, %max3A_379 : vector<16xf32>
        %add3A_387 = arith.constant 1 : i32
        %add3A_388 = vector.broadcast %add3A_387 : i32 to vector<16xi32>
        %add3A_389 = arith.addi %add3A_378, %add3A_388 : vector<16xi32>
        %max3A_390 = arith.maximumf %max3A_379, %gather3A_384 : vector<16xf32>
        %select_n3A_391 = arith.select %gt3A_386, %gather3A_385, %select_n3A_380 : vector<16xi1>, vector<16xf32>
        %max3A_392 = arith.maximumf %max3A_381, %gather3A_385 : vector<16xf32>
        %scan3A_393 = arith.constant 4 : i32
        %scan3A_394 = arith.addi %scan3A_346, %scan3A_393 : i32
        %gather3A_395 = tpu.vector_load_idx %arg7[%add3A_53, %add3A_389] : memref<64x313xf32, #tpu.memory_space<vmem>>[vector<16xi32>, vector<16xi32>], vector<16xf32>,
        %gather3A_396 = tpu.vector_load_idx %arg5[%add3A_53, %add3A_389] : memref<64x313xf32, #tpu.memory_space<vmem>>[vector<16xi32>, vector<16xi32>], vector<16xf32>,
        %gt3A_397 = arith.cmpf ogt, %gather3A_395, %max3A_390 : vector<16xf32>
        %add3A_398 = arith.constant 1 : i32
        %add3A_399 = vector.broadcast %add3A_398 : i32 to vector<16xi32>
        %add3A_400 = arith.addi %add3A_389, %add3A_399 : vector<16xi32>
        %max3A_401 = arith.maximumf %max3A_390, %gather3A_395 : vector<16xf32>
        %select_n3A_402 = arith.select %gt3A_397, %gather3A_396, %select_n3A_391 : vector<16xi1>, vector<16xf32>
        %max3A_403 = arith.maximumf %max3A_392, %gather3A_396 : vector<16xf32>
        %scan3A_404 = arith.constant 5 : i32
        %scan3A_405 = arith.addi %scan3A_346, %scan3A_404 : i32
        %gather3A_406 = tpu.vector_load_idx %arg7[%add3A_53, %add3A_400] : memref<64x313xf32, #tpu.memory_space<vmem>>[vector<16xi32>, vector<16xi32>], vector<16xf32>,
        %gather3A_407 = tpu.vector_load_idx %arg5[%add3A_53, %add3A_400] : memref<64x313xf32, #tpu.memory_space<vmem>>[vector<16xi32>, vector<16xi32>], vector<16xf32>,
        %gt3A_408 = arith.cmpf ogt, %gather3A_406, %max3A_401 : vector<16xf32>
        %add3A_409 = arith.constant 1 : i32
        %add3A_410 = vector.broadcast %add3A_409 : i32 to vector<16xi32>
        %add3A_411 = arith.addi %add3A_400, %add3A_410 : vector<16xi32>
        %max3A_412 = arith.maximumf %max3A_401, %gather3A_406 : vector<16xf32>
        %select_n3A_413 = arith.select %gt3A_408, %gather3A_407, %select_n3A_402 : vector<16xi1>, vector<16xf32>
        %max3A_414 = arith.maximumf %max3A_403, %gather3A_407 : vector<16xf32>
        %scan3A_415 = arith.constant 6 : i32
        %scan3A_416 = arith.addi %scan3A_346, %scan3A_415 : i32
        %gather3A_417 = tpu.vector_load_idx %arg7[%add3A_53, %add3A_411] : memref<64x313xf32, #tpu.memory_space<vmem>>[vector<16xi32>, vector<16xi32>], vector<16xf32>,
        %gather3A_418 = tpu.vector_load_idx %arg5[%add3A_53, %add3A_411] : memref<64x313xf32, #tpu.memory_space<vmem>>[vector<16xi32>, vector<16xi32>], vector<16xf32>,
        %gt3A_419 = arith.cmpf ogt, %gather3A_417, %max3A_412 : vector<16xf32>
        %add3A_420 = arith.constant 1 : i32
        %add3A_421 = vector.broadcast %add3A_420 : i32 to vector<16xi32>
        %add3A_422 = arith.addi %add3A_411, %add3A_421 : vector<16xi32>
        %max3A_423 = arith.maximumf %max3A_412, %gather3A_417 : vector<16xf32>
        %select_n3A_424 = arith.select %gt3A_419, %gather3A_418, %select_n3A_413 : vector<16xi1>, vector<16xf32>
        %max3A_425 = arith.maximumf %max3A_414, %gather3A_418 : vector<16xf32>
        %scan3A_426 = arith.constant 7 : i32
        %scan3A_427 = arith.addi %scan3A_346, %scan3A_426 : i32
        %gather3A_428 = tpu.vector_load_idx %arg7[%add3A_53, %add3A_422] : memref<64x313xf32, #tpu.memory_space<vmem>>[vector<16xi32>, vector<16xi32>], vector<16xf32>,
        %gather3A_429 = tpu.vector_load_idx %arg5[%add3A_53, %add3A_422] : memref<64x313xf32, #tpu.memory_space<vmem>>[vector<16xi32>, vector<16xi32>], vector<16xf32>,
        %gt3A_430 = arith.cmpf ogt, %gather3A_428, %max3A_423 : vector<16xf32>
        %add3A_431 = arith.constant 1 : i32
        %add3A_432 = vector.broadcast %add3A_431 : i32 to vector<16xi32>
        %add3A_433 = arith.addi %add3A_422, %add3A_432 : vector<16xi32>
        %max3A_434 = arith.maximumf %max3A_423, %gather3A_428 : vector<16xf32>
        %select_n3A_435 = arith.select %gt3A_430, %gather3A_429, %select_n3A_424 : vector<16xi1>, vector<16xf32>
        %max3A_436 = arith.maximumf %max3A_425, %gather3A_429 : vector<16xf32>
        scf.yield %add3A_433, %max3A_434, %select_n3A_435, %max3A_436 : vector<16xi32>, vector<16xf32>, vector<16xf32>, vector<16xf32>
      }
      %scan3A_59 = arith.constant 296 : i32
      %scan3A_60 = arith.addi %scan3A_54, %scan3A_59 : i32
      %gather3A = tpu.vector_load_idx %arg7[%add3A_53, %scan3A_58#0] : memref<64x313xf32, #tpu.memory_space<vmem>>[vector<16xi32>, vector<16xi32>], vector<16xf32>,
      %gather3A_61 = tpu.vector_load_idx %arg5[%add3A_53, %scan3A_58#0] : memref<64x313xf32, #tpu.memory_space<vmem>>[vector<16xi32>, vector<16xi32>], vector<16xf32>,
      %gt3A = arith.cmpf ogt, %gather3A, %scan3A_58#1 : vector<16xf32>
      %add3A_62 = arith.constant 1 : i32
      %add3A_63 = vector.broadcast %add3A_62 : i32 to vector<16xi32>
      %add3A_64 = arith.addi %scan3A_58#0, %add3A_63 : vector<16xi32>
      %max3A = arith.maximumf %scan3A_58#1, %gather3A : vector<16xf32>
      %select_n3A = arith.select %gt3A, %gather3A_61, %scan3A_58#2 : vector<16xi1>, vector<16xf32>
      %max3A_65 = arith.maximumf %scan3A_58#3, %gather3A_61 : vector<16xf32>
      %scan3A_66 = arith.constant 297 : i32
      %broadcast_in_dim3A_67 = arith.constant false
      %broadcast_in_dim3A_68 = vector.broadcast %broadcast_in_dim3A_67 : i1 to vector<16xi1>
      %scan3A_69 = arith.constant 0 : i32
      %scan3A_70 = arith.constant 16 : i32
      %scan3A_71 = arith.addi %scan3A_69, %scan3A_70 : i32
      %scan3A_72 = arith.constant 1 : i32
      %scan3A_73:7 = scf.for %scan3A_346 = %scan3A_69 to %scan3A_71 step %scan3A_72 iter_args(%scan3A_347 = %add3A_64, %scan3A_348 = %broadcast_in_dim3A_68, %scan3A_349 = %max3A, %scan3A_350 = %select_n3A, %scan3A_351 = %broadcast_in_dim3A_22, %scan3A_352 = %broadcast_in_dim3A_24, %scan3A_353 = %max3A_65) -> (vector<16xi32>, vector<16xi1>, vector<16xf32>, vector<16xf32>, vector<16xf32>, vector<16xf32>, vector<16xf32>)  : i32 {
        %gather3A_354 = tpu.vector_load_idx %arg7[%add3A_53, %scan3A_347] : memref<64x313xf32, #tpu.memory_space<vmem>>[vector<16xi32>, vector<16xi32>], vector<16xf32>,
        %gather3A_355 = tpu.vector_load_idx %arg5[%add3A_53, %scan3A_347] : memref<64x313xf32, #tpu.memory_space<vmem>>[vector<16xi32>, vector<16xi32>], vector<16xf32>,
        %gt3A_356 = arith.cmpf ogt, %gather3A_354, %scan3A_349 : vector<16xf32>
        %not3A = arith.constant dense<true> : vector<16xi1>
        %not3A_357 = arith.xori %scan3A_348, %not3A : vector<16xi1>
        %and3A = arith.andi %gt3A_356, %not3A_357 : vector<16xi1>
        %gt3A_358 = arith.cmpf ogt, %gather3A_354, %scan3A_351 : vector<16xf32>
        %and3A_359 = arith.andi %gt3A_358, %scan3A_348 : vector<16xi1>
        %add3A_360 = arith.constant 1 : i32
        %add3A_361 = vector.broadcast %add3A_360 : i32 to vector<16xi32>
        %add3A_362 = arith.addi %scan3A_347, %add3A_361 : vector<16xi32>
        %ge3A_363 = arith.constant 313 : i32
        %ge3A_364 = vector.broadcast %ge3A_363 : i32 to vector<16xi32>
        %ge3A_365 = arith.cmpi sge, %add3A_362, %ge3A_364 : vector<16xi32>
        %sub3A_366 = arith.constant 313 : i32
        %sub3A_367 = vector.broadcast %sub3A_366 : i32 to vector<16xi32>
        %sub3A_368 = arith.subi %add3A_362, %sub3A_367 : vector<16xi32>
        %select_n3A_369 = arith.select %ge3A_365, %sub3A_368, %add3A_362 : vector<16xi1>, vector<16xi32>
        %or3A = arith.ori %scan3A_348, %ge3A_365 : vector<16xi1>
        %select_n3A_370 = arith.select %and3A, %gather3A_354, %scan3A_349 : vector<16xi1>, vector<16xf32>
        %select_n3A_371 = arith.select %and3A, %gather3A_355, %scan3A_350 : vector<16xi1>, vector<16xf32>
        %select_n3A_372 = arith.select %and3A_359, %gather3A_354, %scan3A_351 : vector<16xi1>, vector<16xf32>
        %select_n3A_373 = arith.select %and3A_359, %gather3A_355, %scan3A_352 : vector<16xi1>, vector<16xf32>
        %max3A_374 = arith.maximumf %scan3A_353, %gather3A_355 : vector<16xf32>
        scf.yield %select_n3A_369, %or3A, %select_n3A_370, %select_n3A_371, %select_n3A_372, %select_n3A_373, %max3A_374 : vector<16xi32>, vector<16xi1>, vector<16xf32>, vector<16xf32>, vector<16xf32>, vector<16xf32>, vector<16xf32>
      }
      %scan3A_74 = arith.constant 16 : i32
      %ge3A = arith.cmpf oge, %scan3A_73#4, %scan3A_73#2 : vector<16xf32>
      %select_n3A_75 = arith.select %ge3A, %scan3A_73#5, %scan3A_73#3 : vector<16xi1>, vector<16xf32>
      %div3A = arith.divf %select_n3A_75, %scan3A_73#6 : vector<16xf32>
      %sub3A = arith.constant 1.000000e+00 : f32
      %sub3A_76 = vector.broadcast %sub3A : f32 to vector<16xf32>
      %sub3A_77 = arith.subf %sub3A_76, %div3A : vector<16xf32>
      %add3A_78 = arith.addf %scan3A_32, %sub3A_77 : vector<16xf32>
      %add3A_79 = arith.constant 16 : i32
      %add3A_80 = vector.broadcast %add3A_79 : i32 to vector<16xi32>
      %add3A_81 = arith.addi %add3A_80, %iota3A : vector<16xi32>
      %scan3A_82 = arith.constant 0 : i32
      %scan3A_83 = arith.constant 296 : i32
      %scan3A_84 = arith.addi %scan3A_82, %scan3A_83 : i32
      %scan3A_85 = arith.constant 8 : i32
      %scan3A_86:4 = scf.for %scan3A_346 = %scan3A_82 to %scan3A_84 step %scan3A_85 iter_args(%scan3A_347 = %iota3A, %scan3A_348 = %broadcast_in_dim3A_22, %scan3A_349 = %broadcast_in_dim3A_24, %scan3A_350 = %broadcast_in_dim3A_22) -> (vector<16xi32>, vector<16xf32>, vector<16xf32>, vector<16xf32>)  : i32 {
        %gather3A_351 = tpu.vector_load_idx %arg7[%add3A_81, %scan3A_347] : memref<64x313xf32, #tpu.memory_space<vmem>>[vector<16xi32>, vector<16xi32>], vector<16xf32>,
        %gather3A_352 = tpu.vector_load_idx %arg5[%add3A_81, %scan3A_347] : memref<64x313xf32, #tpu.memory_space<vmem>>[vector<16xi32>, vector<16xi32>], vector<16xf32>,
        %gt3A_353 = arith.cmpf ogt, %gather3A_351, %scan3A_348 : vector<16xf32>
        %add3A_354 = arith.constant 1 : i32
        %add3A_355 = vector.broadcast %add3A_354 : i32 to vector<16xi32>
        %add3A_356 = arith.addi %scan3A_347, %add3A_355 : vector<16xi32>
        %max3A_357 = arith.maximumf %scan3A_348, %gather3A_351 : vector<16xf32>
        %select_n3A_358 = arith.select %gt3A_353, %gather3A_352, %scan3A_349 : vector<16xi1>, vector<16xf32>
        %max3A_359 = arith.maximumf %scan3A_350, %gather3A_352 : vector<16xf32>
        %scan3A_360 = arith.constant 1 : i32
        %scan3A_361 = arith.addi %scan3A_346, %scan3A_360 : i32
        %gather3A_362 = tpu.vector_load_idx %arg7[%add3A_81, %add3A_356] : memref<64x313xf32, #tpu.memory_space<vmem>>[vector<16xi32>, vector<16xi32>], vector<16xf32>,
        %gather3A_363 = tpu.vector_load_idx %arg5[%add3A_81, %add3A_356] : memref<64x313xf32, #tpu.memory_space<vmem>>[vector<16xi32>, vector<16xi32>], vector<16xf32>,
        %gt3A_364 = arith.cmpf ogt, %gather3A_362, %max3A_357 : vector<16xf32>
        %add3A_365 = arith.constant 1 : i32
        %add3A_366 = vector.broadcast %add3A_365 : i32 to vector<16xi32>
        %add3A_367 = arith.addi %add3A_356, %add3A_366 : vector<16xi32>
        %max3A_368 = arith.maximumf %max3A_357, %gather3A_362 : vector<16xf32>
        %select_n3A_369 = arith.select %gt3A_364, %gather3A_363, %select_n3A_358 : vector<16xi1>, vector<16xf32>
        %max3A_370 = arith.maximumf %max3A_359, %gather3A_363 : vector<16xf32>
        %scan3A_371 = arith.constant 2 : i32
        %scan3A_372 = arith.addi %scan3A_346, %scan3A_371 : i32
        %gather3A_373 = tpu.vector_load_idx %arg7[%add3A_81, %add3A_367] : memref<64x313xf32, #tpu.memory_space<vmem>>[vector<16xi32>, vector<16xi32>], vector<16xf32>,
        %gather3A_374 = tpu.vector_load_idx %arg5[%add3A_81, %add3A_367] : memref<64x313xf32, #tpu.memory_space<vmem>>[vector<16xi32>, vector<16xi32>], vector<16xf32>,
        %gt3A_375 = arith.cmpf ogt, %gather3A_373, %max3A_368 : vector<16xf32>
        %add3A_376 = arith.constant 1 : i32
        %add3A_377 = vector.broadcast %add3A_376 : i32 to vector<16xi32>
        %add3A_378 = arith.addi %add3A_367, %add3A_377 : vector<16xi32>
        %max3A_379 = arith.maximumf %max3A_368, %gather3A_373 : vector<16xf32>
        %select_n3A_380 = arith.select %gt3A_375, %gather3A_374, %select_n3A_369 : vector<16xi1>, vector<16xf32>
        %max3A_381 = arith.maximumf %max3A_370, %gather3A_374 : vector<16xf32>
        %scan3A_382 = arith.constant 3 : i32
        %scan3A_383 = arith.addi %scan3A_346, %scan3A_382 : i32
        %gather3A_384 = tpu.vector_load_idx %arg7[%add3A_81, %add3A_378] : memref<64x313xf32, #tpu.memory_space<vmem>>[vector<16xi32>, vector<16xi32>], vector<16xf32>,
        %gather3A_385 = tpu.vector_load_idx %arg5[%add3A_81, %add3A_378] : memref<64x313xf32, #tpu.memory_space<vmem>>[vector<16xi32>, vector<16xi32>], vector<16xf32>,
        %gt3A_386 = arith.cmpf ogt, %gather3A_384, %max3A_379 : vector<16xf32>
        %add3A_387 = arith.constant 1 : i32
        %add3A_388 = vector.broadcast %add3A_387 : i32 to vector<16xi32>
        %add3A_389 = arith.addi %add3A_378, %add3A_388 : vector<16xi32>
        %max3A_390 = arith.maximumf %max3A_379, %gather3A_384 : vector<16xf32>
        %select_n3A_391 = arith.select %gt3A_386, %gather3A_385, %select_n3A_380 : vector<16xi1>, vector<16xf32>
        %max3A_392 = arith.maximumf %max3A_381, %gather3A_385 : vector<16xf32>
        %scan3A_393 = arith.constant 4 : i32
        %scan3A_394 = arith.addi %scan3A_346, %scan3A_393 : i32
        %gather3A_395 = tpu.vector_load_idx %arg7[%add3A_81, %add3A_389] : memref<64x313xf32, #tpu.memory_space<vmem>>[vector<16xi32>, vector<16xi32>], vector<16xf32>,
        %gather3A_396 = tpu.vector_load_idx %arg5[%add3A_81, %add3A_389] : memref<64x313xf32, #tpu.memory_space<vmem>>[vector<16xi32>, vector<16xi32>], vector<16xf32>,
        %gt3A_397 = arith.cmpf ogt, %gather3A_395, %max3A_390 : vector<16xf32>
        %add3A_398 = arith.constant 1 : i32
        %add3A_399 = vector.broadcast %add3A_398 : i32 to vector<16xi32>
        %add3A_400 = arith.addi %add3A_389, %add3A_399 : vector<16xi32>
        %max3A_401 = arith.maximumf %max3A_390, %gather3A_395 : vector<16xf32>
        %select_n3A_402 = arith.select %gt3A_397, %gather3A_396, %select_n3A_391 : vector<16xi1>, vector<16xf32>
        %max3A_403 = arith.maximumf %max3A_392, %gather3A_396 : vector<16xf32>
        %scan3A_404 = arith.constant 5 : i32
        %scan3A_405 = arith.addi %scan3A_346, %scan3A_404 : i32
        %gather3A_406 = tpu.vector_load_idx %arg7[%add3A_81, %add3A_400] : memref<64x313xf32, #tpu.memory_space<vmem>>[vector<16xi32>, vector<16xi32>], vector<16xf32>,
        %gather3A_407 = tpu.vector_load_idx %arg5[%add3A_81, %add3A_400] : memref<64x313xf32, #tpu.memory_space<vmem>>[vector<16xi32>, vector<16xi32>], vector<16xf32>,
        %gt3A_408 = arith.cmpf ogt, %gather3A_406, %max3A_401 : vector<16xf32>
        %add3A_409 = arith.constant 1 : i32
        %add3A_410 = vector.broadcast %add3A_409 : i32 to vector<16xi32>
        %add3A_411 = arith.addi %add3A_400, %add3A_410 : vector<16xi32>
        %max3A_412 = arith.maximumf %max3A_401, %gather3A_406 : vector<16xf32>
        %select_n3A_413 = arith.select %gt3A_408, %gather3A_407, %select_n3A_402 : vector<16xi1>, vector<16xf32>
        %max3A_414 = arith.maximumf %max3A_403, %gather3A_407 : vector<16xf32>
        %scan3A_415 = arith.constant 6 : i32
        %scan3A_416 = arith.addi %scan3A_346, %scan3A_415 : i32
        %gather3A_417 = tpu.vector_load_idx %arg7[%add3A_81, %add3A_411] : memref<64x313xf32, #tpu.memory_space<vmem>>[vector<16xi32>, vector<16xi32>], vector<16xf32>,
        %gather3A_418 = tpu.vector_load_idx %arg5[%add3A_81, %add3A_411] : memref<64x313xf32, #tpu.memory_space<vmem>>[vector<16xi32>, vector<16xi32>], vector<16xf32>,
        %gt3A_419 = arith.cmpf ogt, %gather3A_417, %max3A_412 : vector<16xf32>
        %add3A_420 = arith.constant 1 : i32
        %add3A_421 = vector.broadcast %add3A_420 : i32 to vector<16xi32>
        %add3A_422 = arith.addi %add3A_411, %add3A_421 : vector<16xi32>
        %max3A_423 = arith.maximumf %max3A_412, %gather3A_417 : vector<16xf32>
        %select_n3A_424 = arith.select %gt3A_419, %gather3A_418, %select_n3A_413 : vector<16xi1>, vector<16xf32>
        %max3A_425 = arith.maximumf %max3A_414, %gather3A_418 : vector<16xf32>
        %scan3A_426 = arith.constant 7 : i32
        %scan3A_427 = arith.addi %scan3A_346, %scan3A_426 : i32
        %gather3A_428 = tpu.vector_load_idx %arg7[%add3A_81, %add3A_422] : memref<64x313xf32, #tpu.memory_space<vmem>>[vector<16xi32>, vector<16xi32>], vector<16xf32>,
        %gather3A_429 = tpu.vector_load_idx %arg5[%add3A_81, %add3A_422] : memref<64x313xf32, #tpu.memory_space<vmem>>[vector<16xi32>, vector<16xi32>], vector<16xf32>,
        %gt3A_430 = arith.cmpf ogt, %gather3A_428, %max3A_423 : vector<16xf32>
        %add3A_431 = arith.constant 1 : i32
        %add3A_432 = vector.broadcast %add3A_431 : i32 to vector<16xi32>
        %add3A_433 = arith.addi %add3A_422, %add3A_432 : vector<16xi32>
        %max3A_434 = arith.maximumf %max3A_423, %gather3A_428 : vector<16xf32>
        %select_n3A_435 = arith.select %gt3A_430, %gather3A_429, %select_n3A_424 : vector<16xi1>, vector<16xf32>
        %max3A_436 = arith.maximumf %max3A_425, %gather3A_429 : vector<16xf32>
        scf.yield %add3A_433, %max3A_434, %select_n3A_435, %max3A_436 : vector<16xi32>, vector<16xf32>, vector<16xf32>, vector<16xf32>
      }
      %scan3A_87 = arith.constant 296 : i32
      %scan3A_88 = arith.addi %scan3A_82, %scan3A_87 : i32
      %gather3A_89 = tpu.vector_load_idx %arg7[%add3A_81, %scan3A_86#0] : memref<64x313xf32, #tpu.memory_space<vmem>>[vector<16xi32>, vector<16xi32>], vector<16xf32>,
      %gather3A_90 = tpu.vector_load_idx %arg5[%add3A_81, %scan3A_86#0] : memref<64x313xf32, #tpu.memory_space<vmem>>[vector<16xi32>, vector<16xi32>], vector<16xf32>,
      %gt3A_91 = arith.cmpf ogt, %gather3A_89, %scan3A_86#1 : vector<16xf32>
      %add3A_92 = arith.constant 1 : i32
      %add3A_93 = vector.broadcast %add3A_92 : i32 to vector<16xi32>
      %add3A_94 = arith.addi %scan3A_86#0, %add3A_93 : vector<16xi32>
      %max3A_95 = arith.maximumf %scan3A_86#1, %gather3A_89 : vector<16xf32>
      %select_n3A_96 = arith.select %gt3A_91, %gather3A_90, %scan3A_86#2 : vector<16xi1>, vector<16xf32>
      %max3A_97 = arith.maximumf %scan3A_86#3, %gather3A_90 : vector<16xf32>
      %scan3A_98 = arith.constant 297 : i32
      %broadcast_in_dim3A_99 = arith.constant false
      %broadcast_in_dim3A_100 = vector.broadcast %broadcast_in_dim3A_99 : i1 to vector<16xi1>
      %scan3A_101 = arith.constant 0 : i32
      %scan3A_102 = arith.constant 16 : i32
      %scan3A_103 = arith.addi %scan3A_101, %scan3A_102 : i32
      %scan3A_104 = arith.constant 1 : i32
      %scan3A_105:7 = scf.for %scan3A_346 = %scan3A_101 to %scan3A_103 step %scan3A_104 iter_args(%scan3A_347 = %add3A_94, %scan3A_348 = %broadcast_in_dim3A_100, %scan3A_349 = %max3A_95, %scan3A_350 = %select_n3A_96, %scan3A_351 = %broadcast_in_dim3A_22, %scan3A_352 = %broadcast_in_dim3A_24, %scan3A_353 = %max3A_97) -> (vector<16xi32>, vector<16xi1>, vector<16xf32>, vector<16xf32>, vector<16xf32>, vector<16xf32>, vector<16xf32>)  : i32 {
        %gather3A_354 = tpu.vector_load_idx %arg7[%add3A_81, %scan3A_347] : memref<64x313xf32, #tpu.memory_space<vmem>>[vector<16xi32>, vector<16xi32>], vector<16xf32>,
        %gather3A_355 = tpu.vector_load_idx %arg5[%add3A_81, %scan3A_347] : memref<64x313xf32, #tpu.memory_space<vmem>>[vector<16xi32>, vector<16xi32>], vector<16xf32>,
        %gt3A_356 = arith.cmpf ogt, %gather3A_354, %scan3A_349 : vector<16xf32>
        %not3A = arith.constant dense<true> : vector<16xi1>
        %not3A_357 = arith.xori %scan3A_348, %not3A : vector<16xi1>
        %and3A = arith.andi %gt3A_356, %not3A_357 : vector<16xi1>
        %gt3A_358 = arith.cmpf ogt, %gather3A_354, %scan3A_351 : vector<16xf32>
        %and3A_359 = arith.andi %gt3A_358, %scan3A_348 : vector<16xi1>
        %add3A_360 = arith.constant 1 : i32
        %add3A_361 = vector.broadcast %add3A_360 : i32 to vector<16xi32>
        %add3A_362 = arith.addi %scan3A_347, %add3A_361 : vector<16xi32>
        %ge3A_363 = arith.constant 313 : i32
        %ge3A_364 = vector.broadcast %ge3A_363 : i32 to vector<16xi32>
        %ge3A_365 = arith.cmpi sge, %add3A_362, %ge3A_364 : vector<16xi32>
        %sub3A_366 = arith.constant 313 : i32
        %sub3A_367 = vector.broadcast %sub3A_366 : i32 to vector<16xi32>
        %sub3A_368 = arith.subi %add3A_362, %sub3A_367 : vector<16xi32>
        %select_n3A_369 = arith.select %ge3A_365, %sub3A_368, %add3A_362 : vector<16xi1>, vector<16xi32>
        %or3A = arith.ori %scan3A_348, %ge3A_365 : vector<16xi1>
        %select_n3A_370 = arith.select %and3A, %gather3A_354, %scan3A_349 : vector<16xi1>, vector<16xf32>
        %select_n3A_371 = arith.select %and3A, %gather3A_355, %scan3A_350 : vector<16xi1>, vector<16xf32>
        %select_n3A_372 = arith.select %and3A_359, %gather3A_354, %scan3A_351 : vector<16xi1>, vector<16xf32>
        %select_n3A_373 = arith.select %and3A_359, %gather3A_355, %scan3A_352 : vector<16xi1>, vector<16xf32>
        %max3A_374 = arith.maximumf %scan3A_353, %gather3A_355 : vector<16xf32>
        scf.yield %select_n3A_369, %or3A, %select_n3A_370, %select_n3A_371, %select_n3A_372, %select_n3A_373, %max3A_374 : vector<16xi32>, vector<16xi1>, vector<16xf32>, vector<16xf32>, vector<16xf32>, vector<16xf32>, vector<16xf32>
      }
      %scan3A_106 = arith.constant 16 : i32
      %ge3A_107 = arith.cmpf oge, %scan3A_105#4, %scan3A_105#2 : vector<16xf32>
      %select_n3A_108 = arith.select %ge3A_107, %scan3A_105#5, %scan3A_105#3 : vector<16xi1>, vector<16xf32>
      %div3A_109 = arith.divf %select_n3A_108, %scan3A_105#6 : vector<16xf32>
      %sub3A_110 = arith.constant 1.000000e+00 : f32
      %sub3A_111 = vector.broadcast %sub3A_110 : f32 to vector<16xf32>
      %sub3A_112 = arith.subf %sub3A_111, %div3A_109 : vector<16xf32>
      %add3A_113 = arith.addf %add3A_78, %sub3A_112 : vector<16xf32>
      %add3A_114 = arith.constant 32 : i32
      %add3A_115 = vector.broadcast %add3A_114 : i32 to vector<16xi32>
      %add3A_116 = arith.addi %add3A_115, %iota3A : vector<16xi32>
      %scan3A_117 = arith.constant 0 : i32
      %scan3A_118 = arith.constant 296 : i32
      %scan3A_119 = arith.addi %scan3A_117, %scan3A_118 : i32
      %scan3A_120 = arith.constant 8 : i32
      %scan3A_121:4 = scf.for %scan3A_346 = %scan3A_117 to %scan3A_119 step %scan3A_120 iter_args(%scan3A_347 = %iota3A, %scan3A_348 = %broadcast_in_dim3A_22, %scan3A_349 = %broadcast_in_dim3A_24, %scan3A_350 = %broadcast_in_dim3A_22) -> (vector<16xi32>, vector<16xf32>, vector<16xf32>, vector<16xf32>)  : i32 {
        %gather3A_351 = tpu.vector_load_idx %arg7[%add3A_116, %scan3A_347] : memref<64x313xf32, #tpu.memory_space<vmem>>[vector<16xi32>, vector<16xi32>], vector<16xf32>,
        %gather3A_352 = tpu.vector_load_idx %arg5[%add3A_116, %scan3A_347] : memref<64x313xf32, #tpu.memory_space<vmem>>[vector<16xi32>, vector<16xi32>], vector<16xf32>,
        %gt3A_353 = arith.cmpf ogt, %gather3A_351, %scan3A_348 : vector<16xf32>
        %add3A_354 = arith.constant 1 : i32
        %add3A_355 = vector.broadcast %add3A_354 : i32 to vector<16xi32>
        %add3A_356 = arith.addi %scan3A_347, %add3A_355 : vector<16xi32>
        %max3A_357 = arith.maximumf %scan3A_348, %gather3A_351 : vector<16xf32>
        %select_n3A_358 = arith.select %gt3A_353, %gather3A_352, %scan3A_349 : vector<16xi1>, vector<16xf32>
        %max3A_359 = arith.maximumf %scan3A_350, %gather3A_352 : vector<16xf32>
        %scan3A_360 = arith.constant 1 : i32
        %scan3A_361 = arith.addi %scan3A_346, %scan3A_360 : i32
        %gather3A_362 = tpu.vector_load_idx %arg7[%add3A_116, %add3A_356] : memref<64x313xf32, #tpu.memory_space<vmem>>[vector<16xi32>, vector<16xi32>], vector<16xf32>,
        %gather3A_363 = tpu.vector_load_idx %arg5[%add3A_116, %add3A_356] : memref<64x313xf32, #tpu.memory_space<vmem>>[vector<16xi32>, vector<16xi32>], vector<16xf32>,
        %gt3A_364 = arith.cmpf ogt, %gather3A_362, %max3A_357 : vector<16xf32>
        %add3A_365 = arith.constant 1 : i32
        %add3A_366 = vector.broadcast %add3A_365 : i32 to vector<16xi32>
        %add3A_367 = arith.addi %add3A_356, %add3A_366 : vector<16xi32>
        %max3A_368 = arith.maximumf %max3A_357, %gather3A_362 : vector<16xf32>
        %select_n3A_369 = arith.select %gt3A_364, %gather3A_363, %select_n3A_358 : vector<16xi1>, vector<16xf32>
        %max3A_370 = arith.maximumf %max3A_359, %gather3A_363 : vector<16xf32>
        %scan3A_371 = arith.constant 2 : i32
        %scan3A_372 = arith.addi %scan3A_346, %scan3A_371 : i32
        %gather3A_373 = tpu.vector_load_idx %arg7[%add3A_116, %add3A_367] : memref<64x313xf32, #tpu.memory_space<vmem>>[vector<16xi32>, vector<16xi32>], vector<16xf32>,
        %gather3A_374 = tpu.vector_load_idx %arg5[%add3A_116, %add3A_367] : memref<64x313xf32, #tpu.memory_space<vmem>>[vector<16xi32>, vector<16xi32>], vector<16xf32>,
        %gt3A_375 = arith.cmpf ogt, %gather3A_373, %max3A_368 : vector<16xf32>
        %add3A_376 = arith.constant 1 : i32
        %add3A_377 = vector.broadcast %add3A_376 : i32 to vector<16xi32>
        %add3A_378 = arith.addi %add3A_367, %add3A_377 : vector<16xi32>
        %max3A_379 = arith.maximumf %max3A_368, %gather3A_373 : vector<16xf32>
        %select_n3A_380 = arith.select %gt3A_375, %gather3A_374, %select_n3A_369 : vector<16xi1>, vector<16xf32>
        %max3A_381 = arith.maximumf %max3A_370, %gather3A_374 : vector<16xf32>
        %scan3A_382 = arith.constant 3 : i32
        %scan3A_383 = arith.addi %scan3A_346, %scan3A_382 : i32
        %gather3A_384 = tpu.vector_load_idx %arg7[%add3A_116, %add3A_378] : memref<64x313xf32, #tpu.memory_space<vmem>>[vector<16xi32>, vector<16xi32>], vector<16xf32>,
        %gather3A_385 = tpu.vector_load_idx %arg5[%add3A_116, %add3A_378] : memref<64x313xf32, #tpu.memory_space<vmem>>[vector<16xi32>, vector<16xi32>], vector<16xf32>,
        %gt3A_386 = arith.cmpf ogt, %gather3A_384, %max3A_379 : vector<16xf32>
        %add3A_387 = arith.constant 1 : i32
        %add3A_388 = vector.broadcast %add3A_387 : i32 to vector<16xi32>
        %add3A_389 = arith.addi %add3A_378, %add3A_388 : vector<16xi32>
        %max3A_390 = arith.maximumf %max3A_379, %gather3A_384 : vector<16xf32>
        %select_n3A_391 = arith.select %gt3A_386, %gather3A_385, %select_n3A_380 : vector<16xi1>, vector<16xf32>
        %max3A_392 = arith.maximumf %max3A_381, %gather3A_385 : vector<16xf32>
        %scan3A_393 = arith.constant 4 : i32
        %scan3A_394 = arith.addi %scan3A_346, %scan3A_393 : i32
        %gather3A_395 = tpu.vector_load_idx %arg7[%add3A_116, %add3A_389] : memref<64x313xf32, #tpu.memory_space<vmem>>[vector<16xi32>, vector<16xi32>], vector<16xf32>,
        %gather3A_396 = tpu.vector_load_idx %arg5[%add3A_116, %add3A_389] : memref<64x313xf32, #tpu.memory_space<vmem>>[vector<16xi32>, vector<16xi32>], vector<16xf32>,
        %gt3A_397 = arith.cmpf ogt, %gather3A_395, %max3A_390 : vector<16xf32>
        %add3A_398 = arith.constant 1 : i32
        %add3A_399 = vector.broadcast %add3A_398 : i32 to vector<16xi32>
        %add3A_400 = arith.addi %add3A_389, %add3A_399 : vector<16xi32>
        %max3A_401 = arith.maximumf %max3A_390, %gather3A_395 : vector<16xf32>
        %select_n3A_402 = arith.select %gt3A_397, %gather3A_396, %select_n3A_391 : vector<16xi1>, vector<16xf32>
        %max3A_403 = arith.maximumf %max3A_392, %gather3A_396 : vector<16xf32>
        %scan3A_404 = arith.constant 5 : i32
        %scan3A_405 = arith.addi %scan3A_346, %scan3A_404 : i32
        %gather3A_406 = tpu.vector_load_idx %arg7[%add3A_116, %add3A_400] : memref<64x313xf32, #tpu.memory_space<vmem>>[vector<16xi32>, vector<16xi32>], vector<16xf32>,
        %gather3A_407 = tpu.vector_load_idx %arg5[%add3A_116, %add3A_400] : memref<64x313xf32, #tpu.memory_space<vmem>>[vector<16xi32>, vector<16xi32>], vector<16xf32>,
        %gt3A_408 = arith.cmpf ogt, %gather3A_406, %max3A_401 : vector<16xf32>
        %add3A_409 = arith.constant 1 : i32
        %add3A_410 = vector.broadcast %add3A_409 : i32 to vector<16xi32>
        %add3A_411 = arith.addi %add3A_400, %add3A_410 : vector<16xi32>
        %max3A_412 = arith.maximumf %max3A_401, %gather3A_406 : vector<16xf32>
        %select_n3A_413 = arith.select %gt3A_408, %gather3A_407, %select_n3A_402 : vector<16xi1>, vector<16xf32>
        %max3A_414 = arith.maximumf %max3A_403, %gather3A_407 : vector<16xf32>
        %scan3A_415 = arith.constant 6 : i32
        %scan3A_416 = arith.addi %scan3A_346, %scan3A_415 : i32
        %gather3A_417 = tpu.vector_load_idx %arg7[%add3A_116, %add3A_411] : memref<64x313xf32, #tpu.memory_space<vmem>>[vector<16xi32>, vector<16xi32>], vector<16xf32>,
        %gather3A_418 = tpu.vector_load_idx %arg5[%add3A_116, %add3A_411] : memref<64x313xf32, #tpu.memory_space<vmem>>[vector<16xi32>, vector<16xi32>], vector<16xf32>,
        %gt3A_419 = arith.cmpf ogt, %gather3A_417, %max3A_412 : vector<16xf32>
        %add3A_420 = arith.constant 1 : i32
        %add3A_421 = vector.broadcast %add3A_420 : i32 to vector<16xi32>
        %add3A_422 = arith.addi %add3A_411, %add3A_421 : vector<16xi32>
        %max3A_423 = arith.maximumf %max3A_412, %gather3A_417 : vector<16xf32>
        %select_n3A_424 = arith.select %gt3A_419, %gather3A_418, %select_n3A_413 : vector<16xi1>, vector<16xf32>
        %max3A_425 = arith.maximumf %max3A_414, %gather3A_418 : vector<16xf32>
        %scan3A_426 = arith.constant 7 : i32
        %scan3A_427 = arith.addi %scan3A_346, %scan3A_426 : i32
        %gather3A_428 = tpu.vector_load_idx %arg7[%add3A_116, %add3A_422] : memref<64x313xf32, #tpu.memory_space<vmem>>[vector<16xi32>, vector<16xi32>], vector<16xf32>,
        %gather3A_429 = tpu.vector_load_idx %arg5[%add3A_116, %add3A_422] : memref<64x313xf32, #tpu.memory_space<vmem>>[vector<16xi32>, vector<16xi32>], vector<16xf32>,
        %gt3A_430 = arith.cmpf ogt, %gather3A_428, %max3A_423 : vector<16xf32>
        %add3A_431 = arith.constant 1 : i32
        %add3A_432 = vector.broadcast %add3A_431 : i32 to vector<16xi32>
        %add3A_433 = arith.addi %add3A_422, %add3A_432 : vector<16xi32>
        %max3A_434 = arith.maximumf %max3A_423, %gather3A_428 : vector<16xf32>
        %select_n3A_435 = arith.select %gt3A_430, %gather3A_429, %select_n3A_424 : vector<16xi1>, vector<16xf32>
        %max3A_436 = arith.maximumf %max3A_425, %gather3A_429 : vector<16xf32>
        scf.yield %add3A_433, %max3A_434, %select_n3A_435, %max3A_436 : vector<16xi32>, vector<16xf32>, vector<16xf32>, vector<16xf32>
      }
      %scan3A_122 = arith.constant 296 : i32
      %scan3A_123 = arith.addi %scan3A_117, %scan3A_122 : i32
      %gather3A_124 = tpu.vector_load_idx %arg7[%add3A_116, %scan3A_121#0] : memref<64x313xf32, #tpu.memory_space<vmem>>[vector<16xi32>, vector<16xi32>], vector<16xf32>,
      %gather3A_125 = tpu.vector_load_idx %arg5[%add3A_116, %scan3A_121#0] : memref<64x313xf32, #tpu.memory_space<vmem>>[vector<16xi32>, vector<16xi32>], vector<16xf32>,
      %gt3A_126 = arith.cmpf ogt, %gather3A_124, %scan3A_121#1 : vector<16xf32>
      %add3A_127 = arith.constant 1 : i32
      %add3A_128 = vector.broadcast %add3A_127 : i32 to vector<16xi32>
      %add3A_129 = arith.addi %scan3A_121#0, %add3A_128 : vector<16xi32>
      %max3A_130 = arith.maximumf %scan3A_121#1, %gather3A_124 : vector<16xf32>
      %select_n3A_131 = arith.select %gt3A_126, %gather3A_125, %scan3A_121#2 : vector<16xi1>, vector<16xf32>
      %max3A_132 = arith.maximumf %scan3A_121#3, %gather3A_125 : vector<16xf32>
      %scan3A_133 = arith.constant 297 : i32
      %broadcast_in_dim3A_134 = arith.constant false
      %broadcast_in_dim3A_135 = vector.broadcast %broadcast_in_dim3A_134 : i1 to vector<16xi1>
      %scan3A_136 = arith.constant 0 : i32
      %scan3A_137 = arith.constant 16 : i32
      %scan3A_138 = arith.addi %scan3A_136, %scan3A_137 : i32
      %scan3A_139 = arith.constant 1 : i32
      %scan3A_140:7 = scf.for %scan3A_346 = %scan3A_136 to %scan3A_138 step %scan3A_139 iter_args(%scan3A_347 = %add3A_129, %scan3A_348 = %broadcast_in_dim3A_135, %scan3A_349 = %max3A_130, %scan3A_350 = %select_n3A_131, %scan3A_351 = %broadcast_in_dim3A_22, %scan3A_352 = %broadcast_in_dim3A_24, %scan3A_353 = %max3A_132) -> (vector<16xi32>, vector<16xi1>, vector<16xf32>, vector<16xf32>, vector<16xf32>, vector<16xf32>, vector<16xf32>)  : i32 {
        %gather3A_354 = tpu.vector_load_idx %arg7[%add3A_116, %scan3A_347] : memref<64x313xf32, #tpu.memory_space<vmem>>[vector<16xi32>, vector<16xi32>], vector<16xf32>,
        %gather3A_355 = tpu.vector_load_idx %arg5[%add3A_116, %scan3A_347] : memref<64x313xf32, #tpu.memory_space<vmem>>[vector<16xi32>, vector<16xi32>], vector<16xf32>,
        %gt3A_356 = arith.cmpf ogt, %gather3A_354, %scan3A_349 : vector<16xf32>
        %not3A = arith.constant dense<true> : vector<16xi1>
        %not3A_357 = arith.xori %scan3A_348, %not3A : vector<16xi1>
        %and3A = arith.andi %gt3A_356, %not3A_357 : vector<16xi1>
        %gt3A_358 = arith.cmpf ogt, %gather3A_354, %scan3A_351 : vector<16xf32>
        %and3A_359 = arith.andi %gt3A_358, %scan3A_348 : vector<16xi1>
        %add3A_360 = arith.constant 1 : i32
        %add3A_361 = vector.broadcast %add3A_360 : i32 to vector<16xi32>
        %add3A_362 = arith.addi %scan3A_347, %add3A_361 : vector<16xi32>
        %ge3A_363 = arith.constant 313 : i32
        %ge3A_364 = vector.broadcast %ge3A_363 : i32 to vector<16xi32>
        %ge3A_365 = arith.cmpi sge, %add3A_362, %ge3A_364 : vector<16xi32>
        %sub3A_366 = arith.constant 313 : i32
        %sub3A_367 = vector.broadcast %sub3A_366 : i32 to vector<16xi32>
        %sub3A_368 = arith.subi %add3A_362, %sub3A_367 : vector<16xi32>
        %select_n3A_369 = arith.select %ge3A_365, %sub3A_368, %add3A_362 : vector<16xi1>, vector<16xi32>
        %or3A = arith.ori %scan3A_348, %ge3A_365 : vector<16xi1>
        %select_n3A_370 = arith.select %and3A, %gather3A_354, %scan3A_349 : vector<16xi1>, vector<16xf32>
        %select_n3A_371 = arith.select %and3A, %gather3A_355, %scan3A_350 : vector<16xi1>, vector<16xf32>
        %select_n3A_372 = arith.select %and3A_359, %gather3A_354, %scan3A_351 : vector<16xi1>, vector<16xf32>
        %select_n3A_373 = arith.select %and3A_359, %gather3A_355, %scan3A_352 : vector<16xi1>, vector<16xf32>
        %max3A_374 = arith.maximumf %scan3A_353, %gather3A_355 : vector<16xf32>
        scf.yield %select_n3A_369, %or3A, %select_n3A_370, %select_n3A_371, %select_n3A_372, %select_n3A_373, %max3A_374 : vector<16xi32>, vector<16xi1>, vector<16xf32>, vector<16xf32>, vector<16xf32>, vector<16xf32>, vector<16xf32>
      }
      %scan3A_141 = arith.constant 16 : i32
      %ge3A_142 = arith.cmpf oge, %scan3A_140#4, %scan3A_140#2 : vector<16xf32>
      %select_n3A_143 = arith.select %ge3A_142, %scan3A_140#5, %scan3A_140#3 : vector<16xi1>, vector<16xf32>
      %div3A_144 = arith.divf %select_n3A_143, %scan3A_140#6 : vector<16xf32>
      %sub3A_145 = arith.constant 1.000000e+00 : f32
      %sub3A_146 = vector.broadcast %sub3A_145 : f32 to vector<16xf32>
      %sub3A_147 = arith.subf %sub3A_146, %div3A_144 : vector<16xf32>
      %add3A_148 = arith.addf %add3A_113, %sub3A_147 : vector<16xf32>
      %add3A_149 = arith.constant 48 : i32
      %add3A_150 = vector.broadcast %add3A_149 : i32 to vector<16xi32>
      %add3A_151 = arith.addi %add3A_150, %iota3A : vector<16xi32>
      %scan3A_152 = arith.constant 0 : i32
      %scan3A_153 = arith.constant 296 : i32
      %scan3A_154 = arith.addi %scan3A_152, %scan3A_153 : i32
      %scan3A_155 = arith.constant 8 : i32
      %scan3A_156:4 = scf.for %scan3A_346 = %scan3A_152 to %scan3A_154 step %scan3A_155 iter_args(%scan3A_347 = %iota3A, %scan3A_348 = %broadcast_in_dim3A_22, %scan3A_349 = %broadcast_in_dim3A_24, %scan3A_350 = %broadcast_in_dim3A_22) -> (vector<16xi32>, vector<16xf32>, vector<16xf32>, vector<16xf32>)  : i32 {
        %gather3A_351 = tpu.vector_load_idx %arg7[%add3A_151, %scan3A_347] : memref<64x313xf32, #tpu.memory_space<vmem>>[vector<16xi32>, vector<16xi32>], vector<16xf32>,
        %gather3A_352 = tpu.vector_load_idx %arg5[%add3A_151, %scan3A_347] : memref<64x313xf32, #tpu.memory_space<vmem>>[vector<16xi32>, vector<16xi32>], vector<16xf32>,
        %gt3A_353 = arith.cmpf ogt, %gather3A_351, %scan3A_348 : vector<16xf32>
        %add3A_354 = arith.constant 1 : i32
        %add3A_355 = vector.broadcast %add3A_354 : i32 to vector<16xi32>
        %add3A_356 = arith.addi %scan3A_347, %add3A_355 : vector<16xi32>
        %max3A_357 = arith.maximumf %scan3A_348, %gather3A_351 : vector<16xf32>
        %select_n3A_358 = arith.select %gt3A_353, %gather3A_352, %scan3A_349 : vector<16xi1>, vector<16xf32>
        %max3A_359 = arith.maximumf %scan3A_350, %gather3A_352 : vector<16xf32>
        %scan3A_360 = arith.constant 1 : i32
        %scan3A_361 = arith.addi %scan3A_346, %scan3A_360 : i32
        %gather3A_362 = tpu.vector_load_idx %arg7[%add3A_151, %add3A_356] : memref<64x313xf32, #tpu.memory_space<vmem>>[vector<16xi32>, vector<16xi32>], vector<16xf32>,
        %gather3A_363 = tpu.vector_load_idx %arg5[%add3A_151, %add3A_356] : memref<64x313xf32, #tpu.memory_space<vmem>>[vector<16xi32>, vector<16xi32>], vector<16xf32>,
        %gt3A_364 = arith.cmpf ogt, %gather3A_362, %max3A_357 : vector<16xf32>
        %add3A_365 = arith.constant 1 : i32
        %add3A_366 = vector.broadcast %add3A_365 : i32 to vector<16xi32>
        %add3A_367 = arith.addi %add3A_356, %add3A_366 : vector<16xi32>
        %max3A_368 = arith.maximumf %max3A_357, %gather3A_362 : vector<16xf32>
        %select_n3A_369 = arith.select %gt3A_364, %gather3A_363, %select_n3A_358 : vector<16xi1>, vector<16xf32>
        %max3A_370 = arith.maximumf %max3A_359, %gather3A_363 : vector<16xf32>
        %scan3A_371 = arith.constant 2 : i32
        %scan3A_372 = arith.addi %scan3A_346, %scan3A_371 : i32
        %gather3A_373 = tpu.vector_load_idx %arg7[%add3A_151, %add3A_367] : memref<64x313xf32, #tpu.memory_space<vmem>>[vector<16xi32>, vector<16xi32>], vector<16xf32>,
        %gather3A_374 = tpu.vector_load_idx %arg5[%add3A_151, %add3A_367] : memref<64x313xf32, #tpu.memory_space<vmem>>[vector<16xi32>, vector<16xi32>], vector<16xf32>,
        %gt3A_375 = arith.cmpf ogt, %gather3A_373, %max3A_368 : vector<16xf32>
        %add3A_376 = arith.constant 1 : i32
        %add3A_377 = vector.broadcast %add3A_376 : i32 to vector<16xi32>
        %add3A_378 = arith.addi %add3A_367, %add3A_377 : vector<16xi32>
        %max3A_379 = arith.maximumf %max3A_368, %gather3A_373 : vector<16xf32>
        %select_n3A_380 = arith.select %gt3A_375, %gather3A_374, %select_n3A_369 : vector<16xi1>, vector<16xf32>
        %max3A_381 = arith.maximumf %max3A_370, %gather3A_374 : vector<16xf32>
        %scan3A_382 = arith.constant 3 : i32
        %scan3A_383 = arith.addi %scan3A_346, %scan3A_382 : i32
        %gather3A_384 = tpu.vector_load_idx %arg7[%add3A_151, %add3A_378] : memref<64x313xf32, #tpu.memory_space<vmem>>[vector<16xi32>, vector<16xi32>], vector<16xf32>,
        %gather3A_385 = tpu.vector_load_idx %arg5[%add3A_151, %add3A_378] : memref<64x313xf32, #tpu.memory_space<vmem>>[vector<16xi32>, vector<16xi32>], vector<16xf32>,
        %gt3A_386 = arith.cmpf ogt, %gather3A_384, %max3A_379 : vector<16xf32>
        %add3A_387 = arith.constant 1 : i32
        %add3A_388 = vector.broadcast %add3A_387 : i32 to vector<16xi32>
        %add3A_389 = arith.addi %add3A_378, %add3A_388 : vector<16xi32>
        %max3A_390 = arith.maximumf %max3A_379, %gather3A_384 : vector<16xf32>
        %select_n3A_391 = arith.select %gt3A_386, %gather3A_385, %select_n3A_380 : vector<16xi1>, vector<16xf32>
        %max3A_392 = arith.maximumf %max3A_381, %gather3A_385 : vector<16xf32>
        %scan3A_393 = arith.constant 4 : i32
        %scan3A_394 = arith.addi %scan3A_346, %scan3A_393 : i32
        %gather3A_395 = tpu.vector_load_idx %arg7[%add3A_151, %add3A_389] : memref<64x313xf32, #tpu.memory_space<vmem>>[vector<16xi32>, vector<16xi32>], vector<16xf32>,
        %gather3A_396 = tpu.vector_load_idx %arg5[%add3A_151, %add3A_389] : memref<64x313xf32, #tpu.memory_space<vmem>>[vector<16xi32>, vector<16xi32>], vector<16xf32>,
        %gt3A_397 = arith.cmpf ogt, %gather3A_395, %max3A_390 : vector<16xf32>
        %add3A_398 = arith.constant 1 : i32
        %add3A_399 = vector.broadcast %add3A_398 : i32 to vector<16xi32>
        %add3A_400 = arith.addi %add3A_389, %add3A_399 : vector<16xi32>
        %max3A_401 = arith.maximumf %max3A_390, %gather3A_395 : vector<16xf32>
        %select_n3A_402 = arith.select %gt3A_397, %gather3A_396, %select_n3A_391 : vector<16xi1>, vector<16xf32>
        %max3A_403 = arith.maximumf %max3A_392, %gather3A_396 : vector<16xf32>
        %scan3A_404 = arith.constant 5 : i32
        %scan3A_405 = arith.addi %scan3A_346, %scan3A_404 : i32
        %gather3A_406 = tpu.vector_load_idx %arg7[%add3A_151, %add3A_400] : memref<64x313xf32, #tpu.memory_space<vmem>>[vector<16xi32>, vector<16xi32>], vector<16xf32>,
        %gather3A_407 = tpu.vector_load_idx %arg5[%add3A_151, %add3A_400] : memref<64x313xf32, #tpu.memory_space<vmem>>[vector<16xi32>, vector<16xi32>], vector<16xf32>,
        %gt3A_408 = arith.cmpf ogt, %gather3A_406, %max3A_401 : vector<16xf32>
        %add3A_409 = arith.constant 1 : i32
        %add3A_410 = vector.broadcast %add3A_409 : i32 to vector<16xi32>
        %add3A_411 = arith.addi %add3A_400, %add3A_410 : vector<16xi32>
        %max3A_412 = arith.maximumf %max3A_401, %gather3A_406 : vector<16xf32>
        %select_n3A_413 = arith.select %gt3A_408, %gather3A_407, %select_n3A_402 : vector<16xi1>, vector<16xf32>
        %max3A_414 = arith.maximumf %max3A_403, %gather3A_407 : vector<16xf32>
        %scan3A_415 = arith.constant 6 : i32
        %scan3A_416 = arith.addi %scan3A_346, %scan3A_415 : i32
        %gather3A_417 = tpu.vector_load_idx %arg7[%add3A_151, %add3A_411] : memref<64x313xf32, #tpu.memory_space<vmem>>[vector<16xi32>, vector<16xi32>], vector<16xf32>,
        %gather3A_418 = tpu.vector_load_idx %arg5[%add3A_151, %add3A_411] : memref<64x313xf32, #tpu.memory_space<vmem>>[vector<16xi32>, vector<16xi32>], vector<16xf32>,
        %gt3A_419 = arith.cmpf ogt, %gather3A_417, %max3A_412 : vector<16xf32>
        %add3A_420 = arith.constant 1 : i32
        %add3A_421 = vector.broadcast %add3A_420 : i32 to vector<16xi32>
        %add3A_422 = arith.addi %add3A_411, %add3A_421 : vector<16xi32>
        %max3A_423 = arith.maximumf %max3A_412, %gather3A_417 : vector<16xf32>
        %select_n3A_424 = arith.select %gt3A_419, %gather3A_418, %select_n3A_413 : vector<16xi1>, vector<16xf32>
        %max3A_425 = arith.maximumf %max3A_414, %gather3A_418 : vector<16xf32>
        %scan3A_426 = arith.constant 7 : i32
        %scan3A_427 = arith.addi %scan3A_346, %scan3A_426 : i32
        %gather3A_428 = tpu.vector_load_idx %arg7[%add3A_151, %add3A_422] : memref<64x313xf32, #tpu.memory_space<vmem>>[vector<16xi32>, vector<16xi32>], vector<16xf32>,
        %gather3A_429 = tpu.vector_load_idx %arg5[%add3A_151, %add3A_422] : memref<64x313xf32, #tpu.memory_space<vmem>>[vector<16xi32>, vector<16xi32>], vector<16xf32>,
        %gt3A_430 = arith.cmpf ogt, %gather3A_428, %max3A_423 : vector<16xf32>
        %add3A_431 = arith.constant 1 : i32
        %add3A_432 = vector.broadcast %add3A_431 : i32 to vector<16xi32>
        %add3A_433 = arith.addi %add3A_422, %add3A_432 : vector<16xi32>
        %max3A_434 = arith.maximumf %max3A_423, %gather3A_428 : vector<16xf32>
        %select_n3A_435 = arith.select %gt3A_430, %gather3A_429, %select_n3A_424 : vector<16xi1>, vector<16xf32>
        %max3A_436 = arith.maximumf %max3A_425, %gather3A_429 : vector<16xf32>
        scf.yield %add3A_433, %max3A_434, %select_n3A_435, %max3A_436 : vector<16xi32>, vector<16xf32>, vector<16xf32>, vector<16xf32>
      }
      %scan3A_157 = arith.constant 296 : i32
      %scan3A_158 = arith.addi %scan3A_152, %scan3A_157 : i32
      %gather3A_159 = tpu.vector_load_idx %arg7[%add3A_151, %scan3A_156#0] : memref<64x313xf32, #tpu.memory_space<vmem>>[vector<16xi32>, vector<16xi32>], vector<16xf32>,
      %gather3A_160 = tpu.vector_load_idx %arg5[%add3A_151, %scan3A_156#0] : memref<64x313xf32, #tpu.memory_space<vmem>>[vector<16xi32>, vector<16xi32>], vector<16xf32>,
      %gt3A_161 = arith.cmpf ogt, %gather3A_159, %scan3A_156#1 : vector<16xf32>
      %add3A_162 = arith.constant 1 : i32
      %add3A_163 = vector.broadcast %add3A_162 : i32 to vector<16xi32>
      %add3A_164 = arith.addi %scan3A_156#0, %add3A_163 : vector<16xi32>
      %max3A_165 = arith.maximumf %scan3A_156#1, %gather3A_159 : vector<16xf32>
      %select_n3A_166 = arith.select %gt3A_161, %gather3A_160, %scan3A_156#2 : vector<16xi1>, vector<16xf32>
      %max3A_167 = arith.maximumf %scan3A_156#3, %gather3A_160 : vector<16xf32>
      %scan3A_168 = arith.constant 297 : i32
      %broadcast_in_dim3A_169 = arith.constant false
      %broadcast_in_dim3A_170 = vector.broadcast %broadcast_in_dim3A_169 : i1 to vector<16xi1>
      %scan3A_171 = arith.constant 0 : i32
      %scan3A_172 = arith.constant 16 : i32
      %scan3A_173 = arith.addi %scan3A_171, %scan3A_172 : i32
      %scan3A_174 = arith.constant 1 : i32
      %scan3A_175:7 = scf.for %scan3A_346 = %scan3A_171 to %scan3A_173 step %scan3A_174 iter_args(%scan3A_347 = %add3A_164, %scan3A_348 = %broadcast_in_dim3A_170, %scan3A_349 = %max3A_165, %scan3A_350 = %select_n3A_166, %scan3A_351 = %broadcast_in_dim3A_22, %scan3A_352 = %broadcast_in_dim3A_24, %scan3A_353 = %max3A_167) -> (vector<16xi32>, vector<16xi1>, vector<16xf32>, vector<16xf32>, vector<16xf32>, vector<16xf32>, vector<16xf32>)  : i32 {
        %gather3A_354 = tpu.vector_load_idx %arg7[%add3A_151, %scan3A_347] : memref<64x313xf32, #tpu.memory_space<vmem>>[vector<16xi32>, vector<16xi32>], vector<16xf32>,
        %gather3A_355 = tpu.vector_load_idx %arg5[%add3A_151, %scan3A_347] : memref<64x313xf32, #tpu.memory_space<vmem>>[vector<16xi32>, vector<16xi32>], vector<16xf32>,
        %gt3A_356 = arith.cmpf ogt, %gather3A_354, %scan3A_349 : vector<16xf32>
        %not3A = arith.constant dense<true> : vector<16xi1>
        %not3A_357 = arith.xori %scan3A_348, %not3A : vector<16xi1>
        %and3A = arith.andi %gt3A_356, %not3A_357 : vector<16xi1>
        %gt3A_358 = arith.cmpf ogt, %gather3A_354, %scan3A_351 : vector<16xf32>
        %and3A_359 = arith.andi %gt3A_358, %scan3A_348 : vector<16xi1>
        %add3A_360 = arith.constant 1 : i32
        %add3A_361 = vector.broadcast %add3A_360 : i32 to vector<16xi32>
        %add3A_362 = arith.addi %scan3A_347, %add3A_361 : vector<16xi32>
        %ge3A_363 = arith.constant 313 : i32
        %ge3A_364 = vector.broadcast %ge3A_363 : i32 to vector<16xi32>
        %ge3A_365 = arith.cmpi sge, %add3A_362, %ge3A_364 : vector<16xi32>
        %sub3A_366 = arith.constant 313 : i32
        %sub3A_367 = vector.broadcast %sub3A_366 : i32 to vector<16xi32>
        %sub3A_368 = arith.subi %add3A_362, %sub3A_367 : vector<16xi32>
        %select_n3A_369 = arith.select %ge3A_365, %sub3A_368, %add3A_362 : vector<16xi1>, vector<16xi32>
        %or3A = arith.ori %scan3A_348, %ge3A_365 : vector<16xi1>
        %select_n3A_370 = arith.select %and3A, %gather3A_354, %scan3A_349 : vector<16xi1>, vector<16xf32>
        %select_n3A_371 = arith.select %and3A, %gather3A_355, %scan3A_350 : vector<16xi1>, vector<16xf32>
        %select_n3A_372 = arith.select %and3A_359, %gather3A_354, %scan3A_351 : vector<16xi1>, vector<16xf32>
        %select_n3A_373 = arith.select %and3A_359, %gather3A_355, %scan3A_352 : vector<16xi1>, vector<16xf32>
        %max3A_374 = arith.maximumf %scan3A_353, %gather3A_355 : vector<16xf32>
        scf.yield %select_n3A_369, %or3A, %select_n3A_370, %select_n3A_371, %select_n3A_372, %select_n3A_373, %max3A_374 : vector<16xi32>, vector<16xi1>, vector<16xf32>, vector<16xf32>, vector<16xf32>, vector<16xf32>, vector<16xf32>
      }
      %scan3A_176 = arith.constant 16 : i32
      %ge3A_177 = arith.cmpf oge, %scan3A_175#4, %scan3A_175#2 : vector<16xf32>
      %select_n3A_178 = arith.select %ge3A_177, %scan3A_175#5, %scan3A_175#3 : vector<16xi1>, vector<16xf32>
      %div3A_179 = arith.divf %select_n3A_178, %scan3A_175#6 : vector<16xf32>
      %sub3A_180 = arith.constant 1.000000e+00 : f32
      %sub3A_181 = vector.broadcast %sub3A_180 : f32 to vector<16xf32>
      %sub3A_182 = arith.subf %sub3A_181, %div3A_179 : vector<16xf32>
      %add3A_183 = arith.addf %add3A_148, %sub3A_182 : vector<16xf32>
      %mul3A_184 = arith.constant 2 : i32
      %mul3A_185 = arith.muli %mul3A_184, %scan3A_31 : i32
      %add3A_186 = arith.constant 1 : i32
      %add3A_187 = arith.addi %mul3A_185, %add3A_186 : i32
      %mul3A_188 = arith.constant 64 : i32
      %mul3A_189 = arith.muli %add3A_187, %mul3A_188 : i32
      %add3A_190 = arith.addi %mul3A_2, %mul3A_189 : i32
      %dma_wait3A_191 = arith.constant 0 : i32
      %dma_wait3A_192 = tpu.memref_slice %arg2[%add3A_190, %dma_wait3A_191] : memref<131072x313xf32, #tpu.memory_space<hbm>> -> memref<64x313xf32, #tpu.memory_space<hbm>>
      %dma_wait3A_193 = arith.constant 0 : i32
      %dma_wait3A_194 = tpu.memref_slice %arg2[%add3A_190, %dma_wait3A_193] : memref<131072x313xf32, #tpu.memory_space<hbm>> -> memref<64x313xf32, #tpu.memory_space<hbm>>
      tpu.wait_dma2 semaphore(%arg11 : memref<!tpu.dma_semaphore, #tpu.memory_space<semaphore_mem>>) src(%dma_wait3A_194 : memref<64x313xf32, #tpu.memory_space<hbm>>) dst(%arg6 : memref<64x313xf32, #tpu.memory_space<vmem>>)
      %dma_wait3A_195 = arith.constant 0 : i32
      %dma_wait3A_196 = tpu.memref_slice %arg3[%add3A_190, %dma_wait3A_195] : memref<131072x313xf32, #tpu.memory_space<hbm>> -> memref<64x313xf32, #tpu.memory_space<hbm>>
      %dma_wait3A_197 = arith.constant 0 : i32
      %dma_wait3A_198 = tpu.memref_slice %arg3[%add3A_190, %dma_wait3A_197] : memref<131072x313xf32, #tpu.memory_space<hbm>> -> memref<64x313xf32, #tpu.memory_space<hbm>>
      tpu.wait_dma2 semaphore(%arg13 : memref<!tpu.dma_semaphore, #tpu.memory_space<semaphore_mem>>) src(%dma_wait3A_198 : memref<64x313xf32, #tpu.memory_space<hbm>>) dst(%arg8 : memref<64x313xf32, #tpu.memory_space<vmem>>)
      %add3A_199 = arith.constant 2 : i32
      %add3A_200 = arith.addi %add3A_187, %add3A_199 : i32
      %lt3A_201 = arith.constant 42 : i32
      %lt3A_202 = arith.cmpi slt, %add3A_200, %lt3A_201 : i32
      %convert_element_type3A_203 = arith.extui %lt3A_202 : i1 to i32
      %cond3A_204 = arith.constant 0 : i32
      %cond3A_205 = arith.cmpi ne, %convert_element_type3A_203, %cond3A_204 : i32
      scf.if %cond3A_205 {
        %add3A_346 = arith.constant 2 : i32
        %add3A_347 = arith.addi %add3A_187, %add3A_346 : i32
        %mul3A_348 = arith.constant 64 : i32
        %mul3A_349 = arith.muli %add3A_347, %mul3A_348 : i32
        %add3A_350 = arith.addi %mul3A_2, %mul3A_349 : i32
        %dma_start3A_351 = arith.constant 0 : i32
        %dma_start3A_352 = tpu.memref_slice %arg2[%add3A_350, %dma_start3A_351] : memref<131072x313xf32, #tpu.memory_space<hbm>> -> memref<64x313xf32, #tpu.memory_space<hbm>>
        %dma_start3A_353 = arith.constant 0 : i32
        %dma_start3A_354 = tpu.memref_slice %arg2[%add3A_350, %dma_start3A_353] : memref<131072x313xf32, #tpu.memory_space<hbm>> -> memref<64x313xf32, #tpu.memory_space<hbm>>
        tpu.enqueue_dma source(%dma_start3A_354 : memref<64x313xf32, #tpu.memory_space<hbm>>) target(%arg6 : memref<64x313xf32, #tpu.memory_space<vmem>>) target_semaphore(%arg11 : memref<!tpu.dma_semaphore, #tpu.memory_space<semaphore_mem>>)
        %dma_start3A_355 = arith.constant 0 : i32
        %dma_start3A_356 = tpu.memref_slice %arg3[%add3A_350, %dma_start3A_355] : memref<131072x313xf32, #tpu.memory_space<hbm>> -> memref<64x313xf32, #tpu.memory_space<hbm>>
        %dma_start3A_357 = arith.constant 0 : i32
        %dma_start3A_358 = tpu.memref_slice %arg3[%add3A_350, %dma_start3A_357] : memref<131072x313xf32, #tpu.memory_space<hbm>> -> memref<64x313xf32, #tpu.memory_space<hbm>>
        tpu.enqueue_dma source(%dma_start3A_358 : memref<64x313xf32, #tpu.memory_space<hbm>>) target(%arg8 : memref<64x313xf32, #tpu.memory_space<vmem>>) target_semaphore(%arg13 : memref<!tpu.dma_semaphore, #tpu.memory_space<semaphore_mem>>)
      } else {
      }
      %add3A_206 = arith.constant 0 : i32
      %add3A_207 = vector.broadcast %add3A_206 : i32 to vector<16xi32>
      %add3A_208 = arith.addi %add3A_207, %iota3A : vector<16xi32>
      %scan3A_209 = arith.constant 0 : i32
      %scan3A_210 = arith.constant 296 : i32
      %scan3A_211 = arith.addi %scan3A_209, %scan3A_210 : i32
      %scan3A_212 = arith.constant 8 : i32
      %scan3A_213:4 = scf.for %scan3A_346 = %scan3A_209 to %scan3A_211 step %scan3A_212 iter_args(%scan3A_347 = %iota3A, %scan3A_348 = %broadcast_in_dim3A_22, %scan3A_349 = %broadcast_in_dim3A_24, %scan3A_350 = %broadcast_in_dim3A_22) -> (vector<16xi32>, vector<16xf32>, vector<16xf32>, vector<16xf32>)  : i32 {
        %gather3A_351 = tpu.vector_load_idx %arg8[%add3A_208, %scan3A_347] : memref<64x313xf32, #tpu.memory_space<vmem>>[vector<16xi32>, vector<16xi32>], vector<16xf32>,
        %gather3A_352 = tpu.vector_load_idx %arg6[%add3A_208, %scan3A_347] : memref<64x313xf32, #tpu.memory_space<vmem>>[vector<16xi32>, vector<16xi32>], vector<16xf32>,
        %gt3A_353 = arith.cmpf ogt, %gather3A_351, %scan3A_348 : vector<16xf32>
        %add3A_354 = arith.constant 1 : i32
        %add3A_355 = vector.broadcast %add3A_354 : i32 to vector<16xi32>
        %add3A_356 = arith.addi %scan3A_347, %add3A_355 : vector<16xi32>
        %max3A_357 = arith.maximumf %scan3A_348, %gather3A_351 : vector<16xf32>
        %select_n3A_358 = arith.select %gt3A_353, %gather3A_352, %scan3A_349 : vector<16xi1>, vector<16xf32>
        %max3A_359 = arith.maximumf %scan3A_350, %gather3A_352 : vector<16xf32>
        %scan3A_360 = arith.constant 1 : i32
        %scan3A_361 = arith.addi %scan3A_346, %scan3A_360 : i32
        %gather3A_362 = tpu.vector_load_idx %arg8[%add3A_208, %add3A_356] : memref<64x313xf32, #tpu.memory_space<vmem>>[vector<16xi32>, vector<16xi32>], vector<16xf32>,
        %gather3A_363 = tpu.vector_load_idx %arg6[%add3A_208, %add3A_356] : memref<64x313xf32, #tpu.memory_space<vmem>>[vector<16xi32>, vector<16xi32>], vector<16xf32>,
        %gt3A_364 = arith.cmpf ogt, %gather3A_362, %max3A_357 : vector<16xf32>
        %add3A_365 = arith.constant 1 : i32
        %add3A_366 = vector.broadcast %add3A_365 : i32 to vector<16xi32>
        %add3A_367 = arith.addi %add3A_356, %add3A_366 : vector<16xi32>
        %max3A_368 = arith.maximumf %max3A_357, %gather3A_362 : vector<16xf32>
        %select_n3A_369 = arith.select %gt3A_364, %gather3A_363, %select_n3A_358 : vector<16xi1>, vector<16xf32>
        %max3A_370 = arith.maximumf %max3A_359, %gather3A_363 : vector<16xf32>
        %scan3A_371 = arith.constant 2 : i32
        %scan3A_372 = arith.addi %scan3A_346, %scan3A_371 : i32
        %gather3A_373 = tpu.vector_load_idx %arg8[%add3A_208, %add3A_367] : memref<64x313xf32, #tpu.memory_space<vmem>>[vector<16xi32>, vector<16xi32>], vector<16xf32>,
        %gather3A_374 = tpu.vector_load_idx %arg6[%add3A_208, %add3A_367] : memref<64x313xf32, #tpu.memory_space<vmem>>[vector<16xi32>, vector<16xi32>], vector<16xf32>,
        %gt3A_375 = arith.cmpf ogt, %gather3A_373, %max3A_368 : vector<16xf32>
        %add3A_376 = arith.constant 1 : i32
        %add3A_377 = vector.broadcast %add3A_376 : i32 to vector<16xi32>
        %add3A_378 = arith.addi %add3A_367, %add3A_377 : vector<16xi32>
        %max3A_379 = arith.maximumf %max3A_368, %gather3A_373 : vector<16xf32>
        %select_n3A_380 = arith.select %gt3A_375, %gather3A_374, %select_n3A_369 : vector<16xi1>, vector<16xf32>
        %max3A_381 = arith.maximumf %max3A_370, %gather3A_374 : vector<16xf32>
        %scan3A_382 = arith.constant 3 : i32
        %scan3A_383 = arith.addi %scan3A_346, %scan3A_382 : i32
        %gather3A_384 = tpu.vector_load_idx %arg8[%add3A_208, %add3A_378] : memref<64x313xf32, #tpu.memory_space<vmem>>[vector<16xi32>, vector<16xi32>], vector<16xf32>,
        %gather3A_385 = tpu.vector_load_idx %arg6[%add3A_208, %add3A_378] : memref<64x313xf32, #tpu.memory_space<vmem>>[vector<16xi32>, vector<16xi32>], vector<16xf32>,
        %gt3A_386 = arith.cmpf ogt, %gather3A_384, %max3A_379 : vector<16xf32>
        %add3A_387 = arith.constant 1 : i32
        %add3A_388 = vector.broadcast %add3A_387 : i32 to vector<16xi32>
        %add3A_389 = arith.addi %add3A_378, %add3A_388 : vector<16xi32>
        %max3A_390 = arith.maximumf %max3A_379, %gather3A_384 : vector<16xf32>
        %select_n3A_391 = arith.select %gt3A_386, %gather3A_385, %select_n3A_380 : vector<16xi1>, vector<16xf32>
        %max3A_392 = arith.maximumf %max3A_381, %gather3A_385 : vector<16xf32>
        %scan3A_393 = arith.constant 4 : i32
        %scan3A_394 = arith.addi %scan3A_346, %scan3A_393 : i32
        %gather3A_395 = tpu.vector_load_idx %arg8[%add3A_208, %add3A_389] : memref<64x313xf32, #tpu.memory_space<vmem>>[vector<16xi32>, vector<16xi32>], vector<16xf32>,
        %gather3A_396 = tpu.vector_load_idx %arg6[%add3A_208, %add3A_389] : memref<64x313xf32, #tpu.memory_space<vmem>>[vector<16xi32>, vector<16xi32>], vector<16xf32>,
        %gt3A_397 = arith.cmpf ogt, %gather3A_395, %max3A_390 : vector<16xf32>
        %add3A_398 = arith.constant 1 : i32
        %add3A_399 = vector.broadcast %add3A_398 : i32 to vector<16xi32>
        %add3A_400 = arith.addi %add3A_389, %add3A_399 : vector<16xi32>
        %max3A_401 = arith.maximumf %max3A_390, %gather3A_395 : vector<16xf32>
        %select_n3A_402 = arith.select %gt3A_397, %gather3A_396, %select_n3A_391 : vector<16xi1>, vector<16xf32>
        %max3A_403 = arith.maximumf %max3A_392, %gather3A_396 : vector<16xf32>
        %scan3A_404 = arith.constant 5 : i32
        %scan3A_405 = arith.addi %scan3A_346, %scan3A_404 : i32
        %gather3A_406 = tpu.vector_load_idx %arg8[%add3A_208, %add3A_400] : memref<64x313xf32, #tpu.memory_space<vmem>>[vector<16xi32>, vector<16xi32>], vector<16xf32>,
        %gather3A_407 = tpu.vector_load_idx %arg6[%add3A_208, %add3A_400] : memref<64x313xf32, #tpu.memory_space<vmem>>[vector<16xi32>, vector<16xi32>], vector<16xf32>,
        %gt3A_408 = arith.cmpf ogt, %gather3A_406, %max3A_401 : vector<16xf32>
        %add3A_409 = arith.constant 1 : i32
        %add3A_410 = vector.broadcast %add3A_409 : i32 to vector<16xi32>
        %add3A_411 = arith.addi %add3A_400, %add3A_410 : vector<16xi32>
        %max3A_412 = arith.maximumf %max3A_401, %gather3A_406 : vector<16xf32>
        %select_n3A_413 = arith.select %gt3A_408, %gather3A_407, %select_n3A_402 : vector<16xi1>, vector<16xf32>
        %max3A_414 = arith.maximumf %max3A_403, %gather3A_407 : vector<16xf32>
        %scan3A_415 = arith.constant 6 : i32
        %scan3A_416 = arith.addi %scan3A_346, %scan3A_415 : i32
        %gather3A_417 = tpu.vector_load_idx %arg8[%add3A_208, %add3A_411] : memref<64x313xf32, #tpu.memory_space<vmem>>[vector<16xi32>, vector<16xi32>], vector<16xf32>,
        %gather3A_418 = tpu.vector_load_idx %arg6[%add3A_208, %add3A_411] : memref<64x313xf32, #tpu.memory_space<vmem>>[vector<16xi32>, vector<16xi32>], vector<16xf32>,
        %gt3A_419 = arith.cmpf ogt, %gather3A_417, %max3A_412 : vector<16xf32>
        %add3A_420 = arith.constant 1 : i32
        %add3A_421 = vector.broadcast %add3A_420 : i32 to vector<16xi32>
        %add3A_422 = arith.addi %add3A_411, %add3A_421 : vector<16xi32>
        %max3A_423 = arith.maximumf %max3A_412, %gather3A_417 : vector<16xf32>
        %select_n3A_424 = arith.select %gt3A_419, %gather3A_418, %select_n3A_413 : vector<16xi1>, vector<16xf32>
        %max3A_425 = arith.maximumf %max3A_414, %gather3A_418 : vector<16xf32>
        %scan3A_426 = arith.constant 7 : i32
        %scan3A_427 = arith.addi %scan3A_346, %scan3A_426 : i32
        %gather3A_428 = tpu.vector_load_idx %arg8[%add3A_208, %add3A_422] : memref<64x313xf32, #tpu.memory_space<vmem>>[vector<16xi32>, vector<16xi32>], vector<16xf32>,
        %gather3A_429 = tpu.vector_load_idx %arg6[%add3A_208, %add3A_422] : memref<64x313xf32, #tpu.memory_space<vmem>>[vector<16xi32>, vector<16xi32>], vector<16xf32>,
        %gt3A_430 = arith.cmpf ogt, %gather3A_428, %max3A_423 : vector<16xf32>
        %add3A_431 = arith.constant 1 : i32
        %add3A_432 = vector.broadcast %add3A_431 : i32 to vector<16xi32>
        %add3A_433 = arith.addi %add3A_422, %add3A_432 : vector<16xi32>
        %max3A_434 = arith.maximumf %max3A_423, %gather3A_428 : vector<16xf32>
        %select_n3A_435 = arith.select %gt3A_430, %gather3A_429, %select_n3A_424 : vector<16xi1>, vector<16xf32>
        %max3A_436 = arith.maximumf %max3A_425, %gather3A_429 : vector<16xf32>
        scf.yield %add3A_433, %max3A_434, %select_n3A_435, %max3A_436 : vector<16xi32>, vector<16xf32>, vector<16xf32>, vector<16xf32>
      }
      %scan3A_214 = arith.constant 296 : i32
      %scan3A_215 = arith.addi %scan3A_209, %scan3A_214 : i32
      %gather3A_216 = tpu.vector_load_idx %arg8[%add3A_208, %scan3A_213#0] : memref<64x313xf32, #tpu.memory_space<vmem>>[vector<16xi32>, vector<16xi32>], vector<16xf32>,
      %gather3A_217 = tpu.vector_load_idx %arg6[%add3A_208, %scan3A_213#0] : memref<64x313xf32, #tpu.memory_space<vmem>>[vector<16xi32>, vector<16xi32>], vector<16xf32>,
      %gt3A_218 = arith.cmpf ogt, %gather3A_216, %scan3A_213#1 : vector<16xf32>
      %add3A_219 = arith.constant 1 : i32
      %add3A_220 = vector.broadcast %add3A_219 : i32 to vector<16xi32>
      %add3A_221 = arith.addi %scan3A_213#0, %add3A_220 : vector<16xi32>
      %max3A_222 = arith.maximumf %scan3A_213#1, %gather3A_216 : vector<16xf32>
      %select_n3A_223 = arith.select %gt3A_218, %gather3A_217, %scan3A_213#2 : vector<16xi1>, vector<16xf32>
      %max3A_224 = arith.maximumf %scan3A_213#3, %gather3A_217 : vector<16xf32>
      %scan3A_225 = arith.constant 297 : i32
      %broadcast_in_dim3A_226 = arith.constant false
      %broadcast_in_dim3A_227 = vector.broadcast %broadcast_in_dim3A_226 : i1 to vector<16xi1>
      %scan3A_228 = arith.constant 0 : i32
      %scan3A_229 = arith.constant 16 : i32
      %scan3A_230 = arith.addi %scan3A_228, %scan3A_229 : i32
      %scan3A_231 = arith.constant 1 : i32
      %scan3A_232:7 = scf.for %scan3A_346 = %scan3A_228 to %scan3A_230 step %scan3A_231 iter_args(%scan3A_347 = %add3A_221, %scan3A_348 = %broadcast_in_dim3A_227, %scan3A_349 = %max3A_222, %scan3A_350 = %select_n3A_223, %scan3A_351 = %broadcast_in_dim3A_22, %scan3A_352 = %broadcast_in_dim3A_24, %scan3A_353 = %max3A_224) -> (vector<16xi32>, vector<16xi1>, vector<16xf32>, vector<16xf32>, vector<16xf32>, vector<16xf32>, vector<16xf32>)  : i32 {
        %gather3A_354 = tpu.vector_load_idx %arg8[%add3A_208, %scan3A_347] : memref<64x313xf32, #tpu.memory_space<vmem>>[vector<16xi32>, vector<16xi32>], vector<16xf32>,
        %gather3A_355 = tpu.vector_load_idx %arg6[%add3A_208, %scan3A_347] : memref<64x313xf32, #tpu.memory_space<vmem>>[vector<16xi32>, vector<16xi32>], vector<16xf32>,
        %gt3A_356 = arith.cmpf ogt, %gather3A_354, %scan3A_349 : vector<16xf32>
        %not3A = arith.constant dense<true> : vector<16xi1>
        %not3A_357 = arith.xori %scan3A_348, %not3A : vector<16xi1>
        %and3A = arith.andi %gt3A_356, %not3A_357 : vector<16xi1>
        %gt3A_358 = arith.cmpf ogt, %gather3A_354, %scan3A_351 : vector<16xf32>
        %and3A_359 = arith.andi %gt3A_358, %scan3A_348 : vector<16xi1>
        %add3A_360 = arith.constant 1 : i32
        %add3A_361 = vector.broadcast %add3A_360 : i32 to vector<16xi32>
        %add3A_362 = arith.addi %scan3A_347, %add3A_361 : vector<16xi32>
        %ge3A_363 = arith.constant 313 : i32
        %ge3A_364 = vector.broadcast %ge3A_363 : i32 to vector<16xi32>
        %ge3A_365 = arith.cmpi sge, %add3A_362, %ge3A_364 : vector<16xi32>
        %sub3A_366 = arith.constant 313 : i32
        %sub3A_367 = vector.broadcast %sub3A_366 : i32 to vector<16xi32>
        %sub3A_368 = arith.subi %add3A_362, %sub3A_367 : vector<16xi32>
        %select_n3A_369 = arith.select %ge3A_365, %sub3A_368, %add3A_362 : vector<16xi1>, vector<16xi32>
        %or3A = arith.ori %scan3A_348, %ge3A_365 : vector<16xi1>
        %select_n3A_370 = arith.select %and3A, %gather3A_354, %scan3A_349 : vector<16xi1>, vector<16xf32>
        %select_n3A_371 = arith.select %and3A, %gather3A_355, %scan3A_350 : vector<16xi1>, vector<16xf32>
        %select_n3A_372 = arith.select %and3A_359, %gather3A_354, %scan3A_351 : vector<16xi1>, vector<16xf32>
        %select_n3A_373 = arith.select %and3A_359, %gather3A_355, %scan3A_352 : vector<16xi1>, vector<16xf32>
        %max3A_374 = arith.maximumf %scan3A_353, %gather3A_355 : vector<16xf32>
        scf.yield %select_n3A_369, %or3A, %select_n3A_370, %select_n3A_371, %select_n3A_372, %select_n3A_373, %max3A_374 : vector<16xi32>, vector<16xi1>, vector<16xf32>, vector<16xf32>, vector<16xf32>, vector<16xf32>, vector<16xf32>
      }
      %scan3A_233 = arith.constant 16 : i32
      %ge3A_234 = arith.cmpf oge, %scan3A_232#4, %scan3A_232#2 : vector<16xf32>
      %select_n3A_235 = arith.select %ge3A_234, %scan3A_232#5, %scan3A_232#3 : vector<16xi1>, vector<16xf32>
      %div3A_236 = arith.divf %select_n3A_235, %scan3A_232#6 : vector<16xf32>
      %sub3A_237 = arith.constant 1.000000e+00 : f32
      %sub3A_238 = vector.broadcast %sub3A_237 : f32 to vector<16xf32>
      %sub3A_239 = arith.subf %sub3A_238, %div3A_236 : vector<16xf32>
      %add3A_240 = arith.addf %add3A_183, %sub3A_239 : vector<16xf32>
      %add3A_241 = arith.constant 16 : i32
      %add3A_242 = vector.broadcast %add3A_241 : i32 to vector<16xi32>
      %add3A_243 = arith.addi %add3A_242, %iota3A : vector<16xi32>
      %scan3A_244 = arith.constant 0 : i32
      %scan3A_245 = arith.constant 296 : i32
      %scan3A_246 = arith.addi %scan3A_244, %scan3A_245 : i32
      %scan3A_247 = arith.constant 8 : i32
      %scan3A_248:4 = scf.for %scan3A_346 = %scan3A_244 to %scan3A_246 step %scan3A_247 iter_args(%scan3A_347 = %iota3A, %scan3A_348 = %broadcast_in_dim3A_22, %scan3A_349 = %broadcast_in_dim3A_24, %scan3A_350 = %broadcast_in_dim3A_22) -> (vector<16xi32>, vector<16xf32>, vector<16xf32>, vector<16xf32>)  : i32 {
        %gather3A_351 = tpu.vector_load_idx %arg8[%add3A_243, %scan3A_347] : memref<64x313xf32, #tpu.memory_space<vmem>>[vector<16xi32>, vector<16xi32>], vector<16xf32>,
        %gather3A_352 = tpu.vector_load_idx %arg6[%add3A_243, %scan3A_347] : memref<64x313xf32, #tpu.memory_space<vmem>>[vector<16xi32>, vector<16xi32>], vector<16xf32>,
        %gt3A_353 = arith.cmpf ogt, %gather3A_351, %scan3A_348 : vector<16xf32>
        %add3A_354 = arith.constant 1 : i32
        %add3A_355 = vector.broadcast %add3A_354 : i32 to vector<16xi32>
        %add3A_356 = arith.addi %scan3A_347, %add3A_355 : vector<16xi32>
        %max3A_357 = arith.maximumf %scan3A_348, %gather3A_351 : vector<16xf32>
        %select_n3A_358 = arith.select %gt3A_353, %gather3A_352, %scan3A_349 : vector<16xi1>, vector<16xf32>
        %max3A_359 = arith.maximumf %scan3A_350, %gather3A_352 : vector<16xf32>
        %scan3A_360 = arith.constant 1 : i32
        %scan3A_361 = arith.addi %scan3A_346, %scan3A_360 : i32
        %gather3A_362 = tpu.vector_load_idx %arg8[%add3A_243, %add3A_356] : memref<64x313xf32, #tpu.memory_space<vmem>>[vector<16xi32>, vector<16xi32>], vector<16xf32>,
        %gather3A_363 = tpu.vector_load_idx %arg6[%add3A_243, %add3A_356] : memref<64x313xf32, #tpu.memory_space<vmem>>[vector<16xi32>, vector<16xi32>], vector<16xf32>,
        %gt3A_364 = arith.cmpf ogt, %gather3A_362, %max3A_357 : vector<16xf32>
        %add3A_365 = arith.constant 1 : i32
        %add3A_366 = vector.broadcast %add3A_365 : i32 to vector<16xi32>
        %add3A_367 = arith.addi %add3A_356, %add3A_366 : vector<16xi32>
        %max3A_368 = arith.maximumf %max3A_357, %gather3A_362 : vector<16xf32>
        %select_n3A_369 = arith.select %gt3A_364, %gather3A_363, %select_n3A_358 : vector<16xi1>, vector<16xf32>
        %max3A_370 = arith.maximumf %max3A_359, %gather3A_363 : vector<16xf32>
        %scan3A_371 = arith.constant 2 : i32
        %scan3A_372 = arith.addi %scan3A_346, %scan3A_371 : i32
        %gather3A_373 = tpu.vector_load_idx %arg8[%add3A_243, %add3A_367] : memref<64x313xf32, #tpu.memory_space<vmem>>[vector<16xi32>, vector<16xi32>], vector<16xf32>,
        %gather3A_374 = tpu.vector_load_idx %arg6[%add3A_243, %add3A_367] : memref<64x313xf32, #tpu.memory_space<vmem>>[vector<16xi32>, vector<16xi32>], vector<16xf32>,
        %gt3A_375 = arith.cmpf ogt, %gather3A_373, %max3A_368 : vector<16xf32>
        %add3A_376 = arith.constant 1 : i32
        %add3A_377 = vector.broadcast %add3A_376 : i32 to vector<16xi32>
        %add3A_378 = arith.addi %add3A_367, %add3A_377 : vector<16xi32>
        %max3A_379 = arith.maximumf %max3A_368, %gather3A_373 : vector<16xf32>
        %select_n3A_380 = arith.select %gt3A_375, %gather3A_374, %select_n3A_369 : vector<16xi1>, vector<16xf32>
        %max3A_381 = arith.maximumf %max3A_370, %gather3A_374 : vector<16xf32>
        %scan3A_382 = arith.constant 3 : i32
        %scan3A_383 = arith.addi %scan3A_346, %scan3A_382 : i32
        %gather3A_384 = tpu.vector_load_idx %arg8[%add3A_243, %add3A_378] : memref<64x313xf32, #tpu.memory_space<vmem>>[vector<16xi32>, vector<16xi32>], vector<16xf32>,
        %gather3A_385 = tpu.vector_load_idx %arg6[%add3A_243, %add3A_378] : memref<64x313xf32, #tpu.memory_space<vmem>>[vector<16xi32>, vector<16xi32>], vector<16xf32>,
        %gt3A_386 = arith.cmpf ogt, %gather3A_384, %max3A_379 : vector<16xf32>
        %add3A_387 = arith.constant 1 : i32
        %add3A_388 = vector.broadcast %add3A_387 : i32 to vector<16xi32>
        %add3A_389 = arith.addi %add3A_378, %add3A_388 : vector<16xi32>
        %max3A_390 = arith.maximumf %max3A_379, %gather3A_384 : vector<16xf32>
        %select_n3A_391 = arith.select %gt3A_386, %gather3A_385, %select_n3A_380 : vector<16xi1>, vector<16xf32>
        %max3A_392 = arith.maximumf %max3A_381, %gather3A_385 : vector<16xf32>
        %scan3A_393 = arith.constant 4 : i32
        %scan3A_394 = arith.addi %scan3A_346, %scan3A_393 : i32
        %gather3A_395 = tpu.vector_load_idx %arg8[%add3A_243, %add3A_389] : memref<64x313xf32, #tpu.memory_space<vmem>>[vector<16xi32>, vector<16xi32>], vector<16xf32>,
        %gather3A_396 = tpu.vector_load_idx %arg6[%add3A_243, %add3A_389] : memref<64x313xf32, #tpu.memory_space<vmem>>[vector<16xi32>, vector<16xi32>], vector<16xf32>,
        %gt3A_397 = arith.cmpf ogt, %gather3A_395, %max3A_390 : vector<16xf32>
        %add3A_398 = arith.constant 1 : i32
        %add3A_399 = vector.broadcast %add3A_398 : i32 to vector<16xi32>
        %add3A_400 = arith.addi %add3A_389, %add3A_399 : vector<16xi32>
        %max3A_401 = arith.maximumf %max3A_390, %gather3A_395 : vector<16xf32>
        %select_n3A_402 = arith.select %gt3A_397, %gather3A_396, %select_n3A_391 : vector<16xi1>, vector<16xf32>
        %max3A_403 = arith.maximumf %max3A_392, %gather3A_396 : vector<16xf32>
        %scan3A_404 = arith.constant 5 : i32
        %scan3A_405 = arith.addi %scan3A_346, %scan3A_404 : i32
        %gather3A_406 = tpu.vector_load_idx %arg8[%add3A_243, %add3A_400] : memref<64x313xf32, #tpu.memory_space<vmem>>[vector<16xi32>, vector<16xi32>], vector<16xf32>,
        %gather3A_407 = tpu.vector_load_idx %arg6[%add3A_243, %add3A_400] : memref<64x313xf32, #tpu.memory_space<vmem>>[vector<16xi32>, vector<16xi32>], vector<16xf32>,
        %gt3A_408 = arith.cmpf ogt, %gather3A_406, %max3A_401 : vector<16xf32>
        %add3A_409 = arith.constant 1 : i32
        %add3A_410 = vector.broadcast %add3A_409 : i32 to vector<16xi32>
        %add3A_411 = arith.addi %add3A_400, %add3A_410 : vector<16xi32>
        %max3A_412 = arith.maximumf %max3A_401, %gather3A_406 : vector<16xf32>
        %select_n3A_413 = arith.select %gt3A_408, %gather3A_407, %select_n3A_402 : vector<16xi1>, vector<16xf32>
        %max3A_414 = arith.maximumf %max3A_403, %gather3A_407 : vector<16xf32>
        %scan3A_415 = arith.constant 6 : i32
        %scan3A_416 = arith.addi %scan3A_346, %scan3A_415 : i32
        %gather3A_417 = tpu.vector_load_idx %arg8[%add3A_243, %add3A_411] : memref<64x313xf32, #tpu.memory_space<vmem>>[vector<16xi32>, vector<16xi32>], vector<16xf32>,
        %gather3A_418 = tpu.vector_load_idx %arg6[%add3A_243, %add3A_411] : memref<64x313xf32, #tpu.memory_space<vmem>>[vector<16xi32>, vector<16xi32>], vector<16xf32>,
        %gt3A_419 = arith.cmpf ogt, %gather3A_417, %max3A_412 : vector<16xf32>
        %add3A_420 = arith.constant 1 : i32
        %add3A_421 = vector.broadcast %add3A_420 : i32 to vector<16xi32>
        %add3A_422 = arith.addi %add3A_411, %add3A_421 : vector<16xi32>
        %max3A_423 = arith.maximumf %max3A_412, %gather3A_417 : vector<16xf32>
        %select_n3A_424 = arith.select %gt3A_419, %gather3A_418, %select_n3A_413 : vector<16xi1>, vector<16xf32>
        %max3A_425 = arith.maximumf %max3A_414, %gather3A_418 : vector<16xf32>
        %scan3A_426 = arith.constant 7 : i32
        %scan3A_427 = arith.addi %scan3A_346, %scan3A_426 : i32
        %gather3A_428 = tpu.vector_load_idx %arg8[%add3A_243, %add3A_422] : memref<64x313xf32, #tpu.memory_space<vmem>>[vector<16xi32>, vector<16xi32>], vector<16xf32>,
        %gather3A_429 = tpu.vector_load_idx %arg6[%add3A_243, %add3A_422] : memref<64x313xf32, #tpu.memory_space<vmem>>[vector<16xi32>, vector<16xi32>], vector<16xf32>,
        %gt3A_430 = arith.cmpf ogt, %gather3A_428, %max3A_423 : vector<16xf32>
        %add3A_431 = arith.constant 1 : i32
        %add3A_432 = vector.broadcast %add3A_431 : i32 to vector<16xi32>
        %add3A_433 = arith.addi %add3A_422, %add3A_432 : vector<16xi32>
        %max3A_434 = arith.maximumf %max3A_423, %gather3A_428 : vector<16xf32>
        %select_n3A_435 = arith.select %gt3A_430, %gather3A_429, %select_n3A_424 : vector<16xi1>, vector<16xf32>
        %max3A_436 = arith.maximumf %max3A_425, %gather3A_429 : vector<16xf32>
        scf.yield %add3A_433, %max3A_434, %select_n3A_435, %max3A_436 : vector<16xi32>, vector<16xf32>, vector<16xf32>, vector<16xf32>
      }
      %scan3A_249 = arith.constant 296 : i32
      %scan3A_250 = arith.addi %scan3A_244, %scan3A_249 : i32
      %gather3A_251 = tpu.vector_load_idx %arg8[%add3A_243, %scan3A_248#0] : memref<64x313xf32, #tpu.memory_space<vmem>>[vector<16xi32>, vector<16xi32>], vector<16xf32>,
      %gather3A_252 = tpu.vector_load_idx %arg6[%add3A_243, %scan3A_248#0] : memref<64x313xf32, #tpu.memory_space<vmem>>[vector<16xi32>, vector<16xi32>], vector<16xf32>,
      %gt3A_253 = arith.cmpf ogt, %gather3A_251, %scan3A_248#1 : vector<16xf32>
      %add3A_254 = arith.constant 1 : i32
      %add3A_255 = vector.broadcast %add3A_254 : i32 to vector<16xi32>
      %add3A_256 = arith.addi %scan3A_248#0, %add3A_255 : vector<16xi32>
      %max3A_257 = arith.maximumf %scan3A_248#1, %gather3A_251 : vector<16xf32>
      %select_n3A_258 = arith.select %gt3A_253, %gather3A_252, %scan3A_248#2 : vector<16xi1>, vector<16xf32>
      %max3A_259 = arith.maximumf %scan3A_248#3, %gather3A_252 : vector<16xf32>
      %scan3A_260 = arith.constant 297 : i32
      %broadcast_in_dim3A_261 = arith.constant false
      %broadcast_in_dim3A_262 = vector.broadcast %broadcast_in_dim3A_261 : i1 to vector<16xi1>
      %scan3A_263 = arith.constant 0 : i32
      %scan3A_264 = arith.constant 16 : i32
      %scan3A_265 = arith.addi %scan3A_263, %scan3A_264 : i32
      %scan3A_266 = arith.constant 1 : i32
      %scan3A_267:7 = scf.for %scan3A_346 = %scan3A_263 to %scan3A_265 step %scan3A_266 iter_args(%scan3A_347 = %add3A_256, %scan3A_348 = %broadcast_in_dim3A_262, %scan3A_349 = %max3A_257, %scan3A_350 = %select_n3A_258, %scan3A_351 = %broadcast_in_dim3A_22, %scan3A_352 = %broadcast_in_dim3A_24, %scan3A_353 = %max3A_259) -> (vector<16xi32>, vector<16xi1>, vector<16xf32>, vector<16xf32>, vector<16xf32>, vector<16xf32>, vector<16xf32>)  : i32 {
        %gather3A_354 = tpu.vector_load_idx %arg8[%add3A_243, %scan3A_347] : memref<64x313xf32, #tpu.memory_space<vmem>>[vector<16xi32>, vector<16xi32>], vector<16xf32>,
        %gather3A_355 = tpu.vector_load_idx %arg6[%add3A_243, %scan3A_347] : memref<64x313xf32, #tpu.memory_space<vmem>>[vector<16xi32>, vector<16xi32>], vector<16xf32>,
        %gt3A_356 = arith.cmpf ogt, %gather3A_354, %scan3A_349 : vector<16xf32>
        %not3A = arith.constant dense<true> : vector<16xi1>
        %not3A_357 = arith.xori %scan3A_348, %not3A : vector<16xi1>
        %and3A = arith.andi %gt3A_356, %not3A_357 : vector<16xi1>
        %gt3A_358 = arith.cmpf ogt, %gather3A_354, %scan3A_351 : vector<16xf32>
        %and3A_359 = arith.andi %gt3A_358, %scan3A_348 : vector<16xi1>
        %add3A_360 = arith.constant 1 : i32
        %add3A_361 = vector.broadcast %add3A_360 : i32 to vector<16xi32>
        %add3A_362 = arith.addi %scan3A_347, %add3A_361 : vector<16xi32>
        %ge3A_363 = arith.constant 313 : i32
        %ge3A_364 = vector.broadcast %ge3A_363 : i32 to vector<16xi32>
        %ge3A_365 = arith.cmpi sge, %add3A_362, %ge3A_364 : vector<16xi32>
        %sub3A_366 = arith.constant 313 : i32
        %sub3A_367 = vector.broadcast %sub3A_366 : i32 to vector<16xi32>
        %sub3A_368 = arith.subi %add3A_362, %sub3A_367 : vector<16xi32>
        %select_n3A_369 = arith.select %ge3A_365, %sub3A_368, %add3A_362 : vector<16xi1>, vector<16xi32>
        %or3A = arith.ori %scan3A_348, %ge3A_365 : vector<16xi1>
        %select_n3A_370 = arith.select %and3A, %gather3A_354, %scan3A_349 : vector<16xi1>, vector<16xf32>
        %select_n3A_371 = arith.select %and3A, %gather3A_355, %scan3A_350 : vector<16xi1>, vector<16xf32>
        %select_n3A_372 = arith.select %and3A_359, %gather3A_354, %scan3A_351 : vector<16xi1>, vector<16xf32>
        %select_n3A_373 = arith.select %and3A_359, %gather3A_355, %scan3A_352 : vector<16xi1>, vector<16xf32>
        %max3A_374 = arith.maximumf %scan3A_353, %gather3A_355 : vector<16xf32>
        scf.yield %select_n3A_369, %or3A, %select_n3A_370, %select_n3A_371, %select_n3A_372, %select_n3A_373, %max3A_374 : vector<16xi32>, vector<16xi1>, vector<16xf32>, vector<16xf32>, vector<16xf32>, vector<16xf32>, vector<16xf32>
      }
      %scan3A_268 = arith.constant 16 : i32
      %ge3A_269 = arith.cmpf oge, %scan3A_267#4, %scan3A_267#2 : vector<16xf32>
      %select_n3A_270 = arith.select %ge3A_269, %scan3A_267#5, %scan3A_267#3 : vector<16xi1>, vector<16xf32>
      %div3A_271 = arith.divf %select_n3A_270, %scan3A_267#6 : vector<16xf32>
      %sub3A_272 = arith.constant 1.000000e+00 : f32
      %sub3A_273 = vector.broadcast %sub3A_272 : f32 to vector<16xf32>
      %sub3A_274 = arith.subf %sub3A_273, %div3A_271 : vector<16xf32>
      %add3A_275 = arith.addf %add3A_240, %sub3A_274 : vector<16xf32>
      %add3A_276 = arith.constant 32 : i32
      %add3A_277 = vector.broadcast %add3A_276 : i32 to vector<16xi32>
      %add3A_278 = arith.addi %add3A_277, %iota3A : vector<16xi32>
      %scan3A_279 = arith.constant 0 : i32
      %scan3A_280 = arith.constant 296 : i32
      %scan3A_281 = arith.addi %scan3A_279, %scan3A_280 : i32
      %scan3A_282 = arith.constant 8 : i32
      %scan3A_283:4 = scf.for %scan3A_346 = %scan3A_279 to %scan3A_281 step %scan3A_282 iter_args(%scan3A_347 = %iota3A, %scan3A_348 = %broadcast_in_dim3A_22, %scan3A_349 = %broadcast_in_dim3A_24, %scan3A_350 = %broadcast_in_dim3A_22) -> (vector<16xi32>, vector<16xf32>, vector<16xf32>, vector<16xf32>)  : i32 {
        %gather3A_351 = tpu.vector_load_idx %arg8[%add3A_278, %scan3A_347] : memref<64x313xf32, #tpu.memory_space<vmem>>[vector<16xi32>, vector<16xi32>], vector<16xf32>,
        %gather3A_352 = tpu.vector_load_idx %arg6[%add3A_278, %scan3A_347] : memref<64x313xf32, #tpu.memory_space<vmem>>[vector<16xi32>, vector<16xi32>], vector<16xf32>,
        %gt3A_353 = arith.cmpf ogt, %gather3A_351, %scan3A_348 : vector<16xf32>
        %add3A_354 = arith.constant 1 : i32
        %add3A_355 = vector.broadcast %add3A_354 : i32 to vector<16xi32>
        %add3A_356 = arith.addi %scan3A_347, %add3A_355 : vector<16xi32>
        %max3A_357 = arith.maximumf %scan3A_348, %gather3A_351 : vector<16xf32>
        %select_n3A_358 = arith.select %gt3A_353, %gather3A_352, %scan3A_349 : vector<16xi1>, vector<16xf32>
        %max3A_359 = arith.maximumf %scan3A_350, %gather3A_352 : vector<16xf32>
        %scan3A_360 = arith.constant 1 : i32
        %scan3A_361 = arith.addi %scan3A_346, %scan3A_360 : i32
        %gather3A_362 = tpu.vector_load_idx %arg8[%add3A_278, %add3A_356] : memref<64x313xf32, #tpu.memory_space<vmem>>[vector<16xi32>, vector<16xi32>], vector<16xf32>,
        %gather3A_363 = tpu.vector_load_idx %arg6[%add3A_278, %add3A_356] : memref<64x313xf32, #tpu.memory_space<vmem>>[vector<16xi32>, vector<16xi32>], vector<16xf32>,
        %gt3A_364 = arith.cmpf ogt, %gather3A_362, %max3A_357 : vector<16xf32>
        %add3A_365 = arith.constant 1 : i32
        %add3A_366 = vector.broadcast %add3A_365 : i32 to vector<16xi32>
        %add3A_367 = arith.addi %add3A_356, %add3A_366 : vector<16xi32>
        %max3A_368 = arith.maximumf %max3A_357, %gather3A_362 : vector<16xf32>
        %select_n3A_369 = arith.select %gt3A_364, %gather3A_363, %select_n3A_358 : vector<16xi1>, vector<16xf32>
        %max3A_370 = arith.maximumf %max3A_359, %gather3A_363 : vector<16xf32>
        %scan3A_371 = arith.constant 2 : i32
        %scan3A_372 = arith.addi %scan3A_346, %scan3A_371 : i32
        %gather3A_373 = tpu.vector_load_idx %arg8[%add3A_278, %add3A_367] : memref<64x313xf32, #tpu.memory_space<vmem>>[vector<16xi32>, vector<16xi32>], vector<16xf32>,
        %gather3A_374 = tpu.vector_load_idx %arg6[%add3A_278, %add3A_367] : memref<64x313xf32, #tpu.memory_space<vmem>>[vector<16xi32>, vector<16xi32>], vector<16xf32>,
        %gt3A_375 = arith.cmpf ogt, %gather3A_373, %max3A_368 : vector<16xf32>
        %add3A_376 = arith.constant 1 : i32
        %add3A_377 = vector.broadcast %add3A_376 : i32 to vector<16xi32>
        %add3A_378 = arith.addi %add3A_367, %add3A_377 : vector<16xi32>
        %max3A_379 = arith.maximumf %max3A_368, %gather3A_373 : vector<16xf32>
        %select_n3A_380 = arith.select %gt3A_375, %gather3A_374, %select_n3A_369 : vector<16xi1>, vector<16xf32>
        %max3A_381 = arith.maximumf %max3A_370, %gather3A_374 : vector<16xf32>
        %scan3A_382 = arith.constant 3 : i32
        %scan3A_383 = arith.addi %scan3A_346, %scan3A_382 : i32
        %gather3A_384 = tpu.vector_load_idx %arg8[%add3A_278, %add3A_378] : memref<64x313xf32, #tpu.memory_space<vmem>>[vector<16xi32>, vector<16xi32>], vector<16xf32>,
        %gather3A_385 = tpu.vector_load_idx %arg6[%add3A_278, %add3A_378] : memref<64x313xf32, #tpu.memory_space<vmem>>[vector<16xi32>, vector<16xi32>], vector<16xf32>,
        %gt3A_386 = arith.cmpf ogt, %gather3A_384, %max3A_379 : vector<16xf32>
        %add3A_387 = arith.constant 1 : i32
        %add3A_388 = vector.broadcast %add3A_387 : i32 to vector<16xi32>
        %add3A_389 = arith.addi %add3A_378, %add3A_388 : vector<16xi32>
        %max3A_390 = arith.maximumf %max3A_379, %gather3A_384 : vector<16xf32>
        %select_n3A_391 = arith.select %gt3A_386, %gather3A_385, %select_n3A_380 : vector<16xi1>, vector<16xf32>
        %max3A_392 = arith.maximumf %max3A_381, %gather3A_385 : vector<16xf32>
        %scan3A_393 = arith.constant 4 : i32
        %scan3A_394 = arith.addi %scan3A_346, %scan3A_393 : i32
        %gather3A_395 = tpu.vector_load_idx %arg8[%add3A_278, %add3A_389] : memref<64x313xf32, #tpu.memory_space<vmem>>[vector<16xi32>, vector<16xi32>], vector<16xf32>,
        %gather3A_396 = tpu.vector_load_idx %arg6[%add3A_278, %add3A_389] : memref<64x313xf32, #tpu.memory_space<vmem>>[vector<16xi32>, vector<16xi32>], vector<16xf32>,
        %gt3A_397 = arith.cmpf ogt, %gather3A_395, %max3A_390 : vector<16xf32>
        %add3A_398 = arith.constant 1 : i32
        %add3A_399 = vector.broadcast %add3A_398 : i32 to vector<16xi32>
        %add3A_400 = arith.addi %add3A_389, %add3A_399 : vector<16xi32>
        %max3A_401 = arith.maximumf %max3A_390, %gather3A_395 : vector<16xf32>
        %select_n3A_402 = arith.select %gt3A_397, %gather3A_396, %select_n3A_391 : vector<16xi1>, vector<16xf32>
        %max3A_403 = arith.maximumf %max3A_392, %gather3A_396 : vector<16xf32>
        %scan3A_404 = arith.constant 5 : i32
        %scan3A_405 = arith.addi %scan3A_346, %scan3A_404 : i32
        %gather3A_406 = tpu.vector_load_idx %arg8[%add3A_278, %add3A_400] : memref<64x313xf32, #tpu.memory_space<vmem>>[vector<16xi32>, vector<16xi32>], vector<16xf32>,
        %gather3A_407 = tpu.vector_load_idx %arg6[%add3A_278, %add3A_400] : memref<64x313xf32, #tpu.memory_space<vmem>>[vector<16xi32>, vector<16xi32>], vector<16xf32>,
        %gt3A_408 = arith.cmpf ogt, %gather3A_406, %max3A_401 : vector<16xf32>
        %add3A_409 = arith.constant 1 : i32
        %add3A_410 = vector.broadcast %add3A_409 : i32 to vector<16xi32>
        %add3A_411 = arith.addi %add3A_400, %add3A_410 : vector<16xi32>
        %max3A_412 = arith.maximumf %max3A_401, %gather3A_406 : vector<16xf32>
        %select_n3A_413 = arith.select %gt3A_408, %gather3A_407, %select_n3A_402 : vector<16xi1>, vector<16xf32>
        %max3A_414 = arith.maximumf %max3A_403, %gather3A_407 : vector<16xf32>
        %scan3A_415 = arith.constant 6 : i32
        %scan3A_416 = arith.addi %scan3A_346, %scan3A_415 : i32
        %gather3A_417 = tpu.vector_load_idx %arg8[%add3A_278, %add3A_411] : memref<64x313xf32, #tpu.memory_space<vmem>>[vector<16xi32>, vector<16xi32>], vector<16xf32>,
        %gather3A_418 = tpu.vector_load_idx %arg6[%add3A_278, %add3A_411] : memref<64x313xf32, #tpu.memory_space<vmem>>[vector<16xi32>, vector<16xi32>], vector<16xf32>,
        %gt3A_419 = arith.cmpf ogt, %gather3A_417, %max3A_412 : vector<16xf32>
        %add3A_420 = arith.constant 1 : i32
        %add3A_421 = vector.broadcast %add3A_420 : i32 to vector<16xi32>
        %add3A_422 = arith.addi %add3A_411, %add3A_421 : vector<16xi32>
        %max3A_423 = arith.maximumf %max3A_412, %gather3A_417 : vector<16xf32>
        %select_n3A_424 = arith.select %gt3A_419, %gather3A_418, %select_n3A_413 : vector<16xi1>, vector<16xf32>
        %max3A_425 = arith.maximumf %max3A_414, %gather3A_418 : vector<16xf32>
        %scan3A_426 = arith.constant 7 : i32
        %scan3A_427 = arith.addi %scan3A_346, %scan3A_426 : i32
        %gather3A_428 = tpu.vector_load_idx %arg8[%add3A_278, %add3A_422] : memref<64x313xf32, #tpu.memory_space<vmem>>[vector<16xi32>, vector<16xi32>], vector<16xf32>,
        %gather3A_429 = tpu.vector_load_idx %arg6[%add3A_278, %add3A_422] : memref<64x313xf32, #tpu.memory_space<vmem>>[vector<16xi32>, vector<16xi32>], vector<16xf32>,
        %gt3A_430 = arith.cmpf ogt, %gather3A_428, %max3A_423 : vector<16xf32>
        %add3A_431 = arith.constant 1 : i32
        %add3A_432 = vector.broadcast %add3A_431 : i32 to vector<16xi32>
        %add3A_433 = arith.addi %add3A_422, %add3A_432 : vector<16xi32>
        %max3A_434 = arith.maximumf %max3A_423, %gather3A_428 : vector<16xf32>
        %select_n3A_435 = arith.select %gt3A_430, %gather3A_429, %select_n3A_424 : vector<16xi1>, vector<16xf32>
        %max3A_436 = arith.maximumf %max3A_425, %gather3A_429 : vector<16xf32>
        scf.yield %add3A_433, %max3A_434, %select_n3A_435, %max3A_436 : vector<16xi32>, vector<16xf32>, vector<16xf32>, vector<16xf32>
      }
      %scan3A_284 = arith.constant 296 : i32
      %scan3A_285 = arith.addi %scan3A_279, %scan3A_284 : i32
      %gather3A_286 = tpu.vector_load_idx %arg8[%add3A_278, %scan3A_283#0] : memref<64x313xf32, #tpu.memory_space<vmem>>[vector<16xi32>, vector<16xi32>], vector<16xf32>,
      %gather3A_287 = tpu.vector_load_idx %arg6[%add3A_278, %scan3A_283#0] : memref<64x313xf32, #tpu.memory_space<vmem>>[vector<16xi32>, vector<16xi32>], vector<16xf32>,
      %gt3A_288 = arith.cmpf ogt, %gather3A_286, %scan3A_283#1 : vector<16xf32>
      %add3A_289 = arith.constant 1 : i32
      %add3A_290 = vector.broadcast %add3A_289 : i32 to vector<16xi32>
      %add3A_291 = arith.addi %scan3A_283#0, %add3A_290 : vector<16xi32>
      %max3A_292 = arith.maximumf %scan3A_283#1, %gather3A_286 : vector<16xf32>
      %select_n3A_293 = arith.select %gt3A_288, %gather3A_287, %scan3A_283#2 : vector<16xi1>, vector<16xf32>
      %max3A_294 = arith.maximumf %scan3A_283#3, %gather3A_287 : vector<16xf32>
      %scan3A_295 = arith.constant 297 : i32
      %broadcast_in_dim3A_296 = arith.constant false
      %broadcast_in_dim3A_297 = vector.broadcast %broadcast_in_dim3A_296 : i1 to vector<16xi1>
      %scan3A_298 = arith.constant 0 : i32
      %scan3A_299 = arith.constant 16 : i32
      %scan3A_300 = arith.addi %scan3A_298, %scan3A_299 : i32
      %scan3A_301 = arith.constant 1 : i32
      %scan3A_302:7 = scf.for %scan3A_346 = %scan3A_298 to %scan3A_300 step %scan3A_301 iter_args(%scan3A_347 = %add3A_291, %scan3A_348 = %broadcast_in_dim3A_297, %scan3A_349 = %max3A_292, %scan3A_350 = %select_n3A_293, %scan3A_351 = %broadcast_in_dim3A_22, %scan3A_352 = %broadcast_in_dim3A_24, %scan3A_353 = %max3A_294) -> (vector<16xi32>, vector<16xi1>, vector<16xf32>, vector<16xf32>, vector<16xf32>, vector<16xf32>, vector<16xf32>)  : i32 {
        %gather3A_354 = tpu.vector_load_idx %arg8[%add3A_278, %scan3A_347] : memref<64x313xf32, #tpu.memory_space<vmem>>[vector<16xi32>, vector<16xi32>], vector<16xf32>,
        %gather3A_355 = tpu.vector_load_idx %arg6[%add3A_278, %scan3A_347] : memref<64x313xf32, #tpu.memory_space<vmem>>[vector<16xi32>, vector<16xi32>], vector<16xf32>,
        %gt3A_356 = arith.cmpf ogt, %gather3A_354, %scan3A_349 : vector<16xf32>
        %not3A = arith.constant dense<true> : vector<16xi1>
        %not3A_357 = arith.xori %scan3A_348, %not3A : vector<16xi1>
        %and3A = arith.andi %gt3A_356, %not3A_357 : vector<16xi1>
        %gt3A_358 = arith.cmpf ogt, %gather3A_354, %scan3A_351 : vector<16xf32>
        %and3A_359 = arith.andi %gt3A_358, %scan3A_348 : vector<16xi1>
        %add3A_360 = arith.constant 1 : i32
        %add3A_361 = vector.broadcast %add3A_360 : i32 to vector<16xi32>
        %add3A_362 = arith.addi %scan3A_347, %add3A_361 : vector<16xi32>
        %ge3A_363 = arith.constant 313 : i32
        %ge3A_364 = vector.broadcast %ge3A_363 : i32 to vector<16xi32>
        %ge3A_365 = arith.cmpi sge, %add3A_362, %ge3A_364 : vector<16xi32>
        %sub3A_366 = arith.constant 313 : i32
        %sub3A_367 = vector.broadcast %sub3A_366 : i32 to vector<16xi32>
        %sub3A_368 = arith.subi %add3A_362, %sub3A_367 : vector<16xi32>
        %select_n3A_369 = arith.select %ge3A_365, %sub3A_368, %add3A_362 : vector<16xi1>, vector<16xi32>
        %or3A = arith.ori %scan3A_348, %ge3A_365 : vector<16xi1>
        %select_n3A_370 = arith.select %and3A, %gather3A_354, %scan3A_349 : vector<16xi1>, vector<16xf32>
        %select_n3A_371 = arith.select %and3A, %gather3A_355, %scan3A_350 : vector<16xi1>, vector<16xf32>
        %select_n3A_372 = arith.select %and3A_359, %gather3A_354, %scan3A_351 : vector<16xi1>, vector<16xf32>
        %select_n3A_373 = arith.select %and3A_359, %gather3A_355, %scan3A_352 : vector<16xi1>, vector<16xf32>
        %max3A_374 = arith.maximumf %scan3A_353, %gather3A_355 : vector<16xf32>
        scf.yield %select_n3A_369, %or3A, %select_n3A_370, %select_n3A_371, %select_n3A_372, %select_n3A_373, %max3A_374 : vector<16xi32>, vector<16xi1>, vector<16xf32>, vector<16xf32>, vector<16xf32>, vector<16xf32>, vector<16xf32>
      }
      %scan3A_303 = arith.constant 16 : i32
      %ge3A_304 = arith.cmpf oge, %scan3A_302#4, %scan3A_302#2 : vector<16xf32>
      %select_n3A_305 = arith.select %ge3A_304, %scan3A_302#5, %scan3A_302#3 : vector<16xi1>, vector<16xf32>
      %div3A_306 = arith.divf %select_n3A_305, %scan3A_302#6 : vector<16xf32>
      %sub3A_307 = arith.constant 1.000000e+00 : f32
      %sub3A_308 = vector.broadcast %sub3A_307 : f32 to vector<16xf32>
      %sub3A_309 = arith.subf %sub3A_308, %div3A_306 : vector<16xf32>
      %add3A_310 = arith.addf %add3A_275, %sub3A_309 : vector<16xf32>
      %add3A_311 = arith.constant 48 : i32
      %add3A_312 = vector.broadcast %add3A_311 : i32 to vector<16xi32>
      %add3A_313 = arith.addi %add3A_312, %iota3A : vector<16xi32>
      %scan3A_314 = arith.constant 0 : i32
      %scan3A_315 = arith.constant 296 : i32
      %scan3A_316 = arith.addi %scan3A_314, %scan3A_315 : i32
      %scan3A_317 = arith.constant 8 : i32
      %scan3A_318:4 = scf.for %scan3A_346 = %scan3A_314 to %scan3A_316 step %scan3A_317 iter_args(%scan3A_347 = %iota3A, %scan3A_348 = %broadcast_in_dim3A_22, %scan3A_349 = %broadcast_in_dim3A_24, %scan3A_350 = %broadcast_in_dim3A_22) -> (vector<16xi32>, vector<16xf32>, vector<16xf32>, vector<16xf32>)  : i32 {
        %gather3A_351 = tpu.vector_load_idx %arg8[%add3A_313, %scan3A_347] : memref<64x313xf32, #tpu.memory_space<vmem>>[vector<16xi32>, vector<16xi32>], vector<16xf32>,
        %gather3A_352 = tpu.vector_load_idx %arg6[%add3A_313, %scan3A_347] : memref<64x313xf32, #tpu.memory_space<vmem>>[vector<16xi32>, vector<16xi32>], vector<16xf32>,
        %gt3A_353 = arith.cmpf ogt, %gather3A_351, %scan3A_348 : vector<16xf32>
        %add3A_354 = arith.constant 1 : i32
        %add3A_355 = vector.broadcast %add3A_354 : i32 to vector<16xi32>
        %add3A_356 = arith.addi %scan3A_347, %add3A_355 : vector<16xi32>
        %max3A_357 = arith.maximumf %scan3A_348, %gather3A_351 : vector<16xf32>
        %select_n3A_358 = arith.select %gt3A_353, %gather3A_352, %scan3A_349 : vector<16xi1>, vector<16xf32>
        %max3A_359 = arith.maximumf %scan3A_350, %gather3A_352 : vector<16xf32>
        %scan3A_360 = arith.constant 1 : i32
        %scan3A_361 = arith.addi %scan3A_346, %scan3A_360 : i32
        %gather3A_362 = tpu.vector_load_idx %arg8[%add3A_313, %add3A_356] : memref<64x313xf32, #tpu.memory_space<vmem>>[vector<16xi32>, vector<16xi32>], vector<16xf32>,
        %gather3A_363 = tpu.vector_load_idx %arg6[%add3A_313, %add3A_356] : memref<64x313xf32, #tpu.memory_space<vmem>>[vector<16xi32>, vector<16xi32>], vector<16xf32>,
        %gt3A_364 = arith.cmpf ogt, %gather3A_362, %max3A_357 : vector<16xf32>
        %add3A_365 = arith.constant 1 : i32
        %add3A_366 = vector.broadcast %add3A_365 : i32 to vector<16xi32>
        %add3A_367 = arith.addi %add3A_356, %add3A_366 : vector<16xi32>
        %max3A_368 = arith.maximumf %max3A_357, %gather3A_362 : vector<16xf32>
        %select_n3A_369 = arith.select %gt3A_364, %gather3A_363, %select_n3A_358 : vector<16xi1>, vector<16xf32>
        %max3A_370 = arith.maximumf %max3A_359, %gather3A_363 : vector<16xf32>
        %scan3A_371 = arith.constant 2 : i32
        %scan3A_372 = arith.addi %scan3A_346, %scan3A_371 : i32
        %gather3A_373 = tpu.vector_load_idx %arg8[%add3A_313, %add3A_367] : memref<64x313xf32, #tpu.memory_space<vmem>>[vector<16xi32>, vector<16xi32>], vector<16xf32>,
        %gather3A_374 = tpu.vector_load_idx %arg6[%add3A_313, %add3A_367] : memref<64x313xf32, #tpu.memory_space<vmem>>[vector<16xi32>, vector<16xi32>], vector<16xf32>,
        %gt3A_375 = arith.cmpf ogt, %gather3A_373, %max3A_368 : vector<16xf32>
        %add3A_376 = arith.constant 1 : i32
        %add3A_377 = vector.broadcast %add3A_376 : i32 to vector<16xi32>
        %add3A_378 = arith.addi %add3A_367, %add3A_377 : vector<16xi32>
        %max3A_379 = arith.maximumf %max3A_368, %gather3A_373 : vector<16xf32>
        %select_n3A_380 = arith.select %gt3A_375, %gather3A_374, %select_n3A_369 : vector<16xi1>, vector<16xf32>
        %max3A_381 = arith.maximumf %max3A_370, %gather3A_374 : vector<16xf32>
        %scan3A_382 = arith.constant 3 : i32
        %scan3A_383 = arith.addi %scan3A_346, %scan3A_382 : i32
        %gather3A_384 = tpu.vector_load_idx %arg8[%add3A_313, %add3A_378] : memref<64x313xf32, #tpu.memory_space<vmem>>[vector<16xi32>, vector<16xi32>], vector<16xf32>,
        %gather3A_385 = tpu.vector_load_idx %arg6[%add3A_313, %add3A_378] : memref<64x313xf32, #tpu.memory_space<vmem>>[vector<16xi32>, vector<16xi32>], vector<16xf32>,
        %gt3A_386 = arith.cmpf ogt, %gather3A_384, %max3A_379 : vector<16xf32>
        %add3A_387 = arith.constant 1 : i32
        %add3A_388 = vector.broadcast %add3A_387 : i32 to vector<16xi32>
        %add3A_389 = arith.addi %add3A_378, %add3A_388 : vector<16xi32>
        %max3A_390 = arith.maximumf %max3A_379, %gather3A_384 : vector<16xf32>
        %select_n3A_391 = arith.select %gt3A_386, %gather3A_385, %select_n3A_380 : vector<16xi1>, vector<16xf32>
        %max3A_392 = arith.maximumf %max3A_381, %gather3A_385 : vector<16xf32>
        %scan3A_393 = arith.constant 4 : i32
        %scan3A_394 = arith.addi %scan3A_346, %scan3A_393 : i32
        %gather3A_395 = tpu.vector_load_idx %arg8[%add3A_313, %add3A_389] : memref<64x313xf32, #tpu.memory_space<vmem>>[vector<16xi32>, vector<16xi32>], vector<16xf32>,
        %gather3A_396 = tpu.vector_load_idx %arg6[%add3A_313, %add3A_389] : memref<64x313xf32, #tpu.memory_space<vmem>>[vector<16xi32>, vector<16xi32>], vector<16xf32>,
        %gt3A_397 = arith.cmpf ogt, %gather3A_395, %max3A_390 : vector<16xf32>
        %add3A_398 = arith.constant 1 : i32
        %add3A_399 = vector.broadcast %add3A_398 : i32 to vector<16xi32>
        %add3A_400 = arith.addi %add3A_389, %add3A_399 : vector<16xi32>
        %max3A_401 = arith.maximumf %max3A_390, %gather3A_395 : vector<16xf32>
        %select_n3A_402 = arith.select %gt3A_397, %gather3A_396, %select_n3A_391 : vector<16xi1>, vector<16xf32>
        %max3A_403 = arith.maximumf %max3A_392, %gather3A_396 : vector<16xf32>
        %scan3A_404 = arith.constant 5 : i32
        %scan3A_405 = arith.addi %scan3A_346, %scan3A_404 : i32
        %gather3A_406 = tpu.vector_load_idx %arg8[%add3A_313, %add3A_400] : memref<64x313xf32, #tpu.memory_space<vmem>>[vector<16xi32>, vector<16xi32>], vector<16xf32>,
        %gather3A_407 = tpu.vector_load_idx %arg6[%add3A_313, %add3A_400] : memref<64x313xf32, #tpu.memory_space<vmem>>[vector<16xi32>, vector<16xi32>], vector<16xf32>,
        %gt3A_408 = arith.cmpf ogt, %gather3A_406, %max3A_401 : vector<16xf32>
        %add3A_409 = arith.constant 1 : i32
        %add3A_410 = vector.broadcast %add3A_409 : i32 to vector<16xi32>
        %add3A_411 = arith.addi %add3A_400, %add3A_410 : vector<16xi32>
        %max3A_412 = arith.maximumf %max3A_401, %gather3A_406 : vector<16xf32>
        %select_n3A_413 = arith.select %gt3A_408, %gather3A_407, %select_n3A_402 : vector<16xi1>, vector<16xf32>
        %max3A_414 = arith.maximumf %max3A_403, %gather3A_407 : vector<16xf32>
        %scan3A_415 = arith.constant 6 : i32
        %scan3A_416 = arith.addi %scan3A_346, %scan3A_415 : i32
        %gather3A_417 = tpu.vector_load_idx %arg8[%add3A_313, %add3A_411] : memref<64x313xf32, #tpu.memory_space<vmem>>[vector<16xi32>, vector<16xi32>], vector<16xf32>,
        %gather3A_418 = tpu.vector_load_idx %arg6[%add3A_313, %add3A_411] : memref<64x313xf32, #tpu.memory_space<vmem>>[vector<16xi32>, vector<16xi32>], vector<16xf32>,
        %gt3A_419 = arith.cmpf ogt, %gather3A_417, %max3A_412 : vector<16xf32>
        %add3A_420 = arith.constant 1 : i32
        %add3A_421 = vector.broadcast %add3A_420 : i32 to vector<16xi32>
        %add3A_422 = arith.addi %add3A_411, %add3A_421 : vector<16xi32>
        %max3A_423 = arith.maximumf %max3A_412, %gather3A_417 : vector<16xf32>
        %select_n3A_424 = arith.select %gt3A_419, %gather3A_418, %select_n3A_413 : vector<16xi1>, vector<16xf32>
        %max3A_425 = arith.maximumf %max3A_414, %gather3A_418 : vector<16xf32>
        %scan3A_426 = arith.constant 7 : i32
        %scan3A_427 = arith.addi %scan3A_346, %scan3A_426 : i32
        %gather3A_428 = tpu.vector_load_idx %arg8[%add3A_313, %add3A_422] : memref<64x313xf32, #tpu.memory_space<vmem>>[vector<16xi32>, vector<16xi32>], vector<16xf32>,
        %gather3A_429 = tpu.vector_load_idx %arg6[%add3A_313, %add3A_422] : memref<64x313xf32, #tpu.memory_space<vmem>>[vector<16xi32>, vector<16xi32>], vector<16xf32>,
        %gt3A_430 = arith.cmpf ogt, %gather3A_428, %max3A_423 : vector<16xf32>
        %add3A_431 = arith.constant 1 : i32
        %add3A_432 = vector.broadcast %add3A_431 : i32 to vector<16xi32>
        %add3A_433 = arith.addi %add3A_422, %add3A_432 : vector<16xi32>
        %max3A_434 = arith.maximumf %max3A_423, %gather3A_428 : vector<16xf32>
        %select_n3A_435 = arith.select %gt3A_430, %gather3A_429, %select_n3A_424 : vector<16xi1>, vector<16xf32>
        %max3A_436 = arith.maximumf %max3A_425, %gather3A_429 : vector<16xf32>
        scf.yield %add3A_433, %max3A_434, %select_n3A_435, %max3A_436 : vector<16xi32>, vector<16xf32>, vector<16xf32>, vector<16xf32>
      }
      %scan3A_319 = arith.constant 296 : i32
      %scan3A_320 = arith.addi %scan3A_314, %scan3A_319 : i32
      %gather3A_321 = tpu.vector_load_idx %arg8[%add3A_313, %scan3A_318#0] : memref<64x313xf32, #tpu.memory_space<vmem>>[vector<16xi32>, vector<16xi32>], vector<16xf32>,
      %gather3A_322 = tpu.vector_load_idx %arg6[%add3A_313, %scan3A_318#0] : memref<64x313xf32, #tpu.memory_space<vmem>>[vector<16xi32>, vector<16xi32>], vector<16xf32>,
      %gt3A_323 = arith.cmpf ogt, %gather3A_321, %scan3A_318#1 : vector<16xf32>
      %add3A_324 = arith.constant 1 : i32
      %add3A_325 = vector.broadcast %add3A_324 : i32 to vector<16xi32>
      %add3A_326 = arith.addi %scan3A_318#0, %add3A_325 : vector<16xi32>
      %max3A_327 = arith.maximumf %scan3A_318#1, %gather3A_321 : vector<16xf32>
      %select_n3A_328 = arith.select %gt3A_323, %gather3A_322, %scan3A_318#2 : vector<16xi1>, vector<16xf32>
      %max3A_329 = arith.maximumf %scan3A_318#3, %gather3A_322 : vector<16xf32>
      %scan3A_330 = arith.constant 297 : i32
      %broadcast_in_dim3A_331 = arith.constant false
      %broadcast_in_dim3A_332 = vector.broadcast %broadcast_in_dim3A_331 : i1 to vector<16xi1>
      %scan3A_333 = arith.constant 0 : i32
      %scan3A_334 = arith.constant 16 : i32
      %scan3A_335 = arith.addi %scan3A_333, %scan3A_334 : i32
      %scan3A_336 = arith.constant 1 : i32
      %scan3A_337:7 = scf.for %scan3A_346 = %scan3A_333 to %scan3A_335 step %scan3A_336 iter_args(%scan3A_347 = %add3A_326, %scan3A_348 = %broadcast_in_dim3A_332, %scan3A_349 = %max3A_327, %scan3A_350 = %select_n3A_328, %scan3A_351 = %broadcast_in_dim3A_22, %scan3A_352 = %broadcast_in_dim3A_24, %scan3A_353 = %max3A_329) -> (vector<16xi32>, vector<16xi1>, vector<16xf32>, vector<16xf32>, vector<16xf32>, vector<16xf32>, vector<16xf32>)  : i32 {
        %gather3A_354 = tpu.vector_load_idx %arg8[%add3A_313, %scan3A_347] : memref<64x313xf32, #tpu.memory_space<vmem>>[vector<16xi32>, vector<16xi32>], vector<16xf32>,
        %gather3A_355 = tpu.vector_load_idx %arg6[%add3A_313, %scan3A_347] : memref<64x313xf32, #tpu.memory_space<vmem>>[vector<16xi32>, vector<16xi32>], vector<16xf32>,
        %gt3A_356 = arith.cmpf ogt, %gather3A_354, %scan3A_349 : vector<16xf32>
        %not3A = arith.constant dense<true> : vector<16xi1>
        %not3A_357 = arith.xori %scan3A_348, %not3A : vector<16xi1>
        %and3A = arith.andi %gt3A_356, %not3A_357 : vector<16xi1>
        %gt3A_358 = arith.cmpf ogt, %gather3A_354, %scan3A_351 : vector<16xf32>
        %and3A_359 = arith.andi %gt3A_358, %scan3A_348 : vector<16xi1>
        %add3A_360 = arith.constant 1 : i32
        %add3A_361 = vector.broadcast %add3A_360 : i32 to vector<16xi32>
        %add3A_362 = arith.addi %scan3A_347, %add3A_361 : vector<16xi32>
        %ge3A_363 = arith.constant 313 : i32
        %ge3A_364 = vector.broadcast %ge3A_363 : i32 to vector<16xi32>
        %ge3A_365 = arith.cmpi sge, %add3A_362, %ge3A_364 : vector<16xi32>
        %sub3A_366 = arith.constant 313 : i32
        %sub3A_367 = vector.broadcast %sub3A_366 : i32 to vector<16xi32>
        %sub3A_368 = arith.subi %add3A_362, %sub3A_367 : vector<16xi32>
        %select_n3A_369 = arith.select %ge3A_365, %sub3A_368, %add3A_362 : vector<16xi1>, vector<16xi32>
        %or3A = arith.ori %scan3A_348, %ge3A_365 : vector<16xi1>
        %select_n3A_370 = arith.select %and3A, %gather3A_354, %scan3A_349 : vector<16xi1>, vector<16xf32>
        %select_n3A_371 = arith.select %and3A, %gather3A_355, %scan3A_350 : vector<16xi1>, vector<16xf32>
        %select_n3A_372 = arith.select %and3A_359, %gather3A_354, %scan3A_351 : vector<16xi1>, vector<16xf32>
        %select_n3A_373 = arith.select %and3A_359, %gather3A_355, %scan3A_352 : vector<16xi1>, vector<16xf32>
        %max3A_374 = arith.maximumf %scan3A_353, %gather3A_355 : vector<16xf32>
        scf.yield %select_n3A_369, %or3A, %select_n3A_370, %select_n3A_371, %select_n3A_372, %select_n3A_373, %max3A_374 : vector<16xi32>, vector<16xi1>, vector<16xf32>, vector<16xf32>, vector<16xf32>, vector<16xf32>, vector<16xf32>
      }
      %scan3A_338 = arith.constant 16 : i32
      %ge3A_339 = arith.cmpf oge, %scan3A_337#4, %scan3A_337#2 : vector<16xf32>
      %select_n3A_340 = arith.select %ge3A_339, %scan3A_337#5, %scan3A_337#3 : vector<16xi1>, vector<16xf32>
      %div3A_341 = arith.divf %select_n3A_340, %scan3A_337#6 : vector<16xf32>
      %sub3A_342 = arith.constant 1.000000e+00 : f32
      %sub3A_343 = vector.broadcast %sub3A_342 : f32 to vector<16xf32>
      %sub3A_344 = arith.subf %sub3A_343, %div3A_341 : vector<16xf32>
      %add3A_345 = arith.addf %add3A_310, %sub3A_344 : vector<16xf32>
      scf.yield %add3A_345 : vector<16xf32>
    }
    %scan3A_29 = arith.constant 21 : i32
    %swap3A = arith.constant 0 : index
    %swap3A_30 = tpu.vector_load %arg9[%swap3A] {strides = array<i32>} : memref<16xf32, #tpu.memory_space<vmem>>, vector<16xf32>,
    tpu.vector_store %arg9[%swap3A], %scan3A_28 {strides = array<i32>} : memref<16xf32, #tpu.memory_space<vmem>>, vector<16xf32>,
    "tpu.region"() ({
      %run_scoped3A = tpu.sem_alloc : memref<!tpu.dma_semaphore, #tpu.memory_space<semaphore_mem>>
      %dma_start3A_31 = arith.constant 0 : i32
      %dma_start3A_32 = tpu.memref_slice %arg4[%arg0, %arg1, %dma_start3A_31] : memref<2x16x16xf32, #tpu.memory_space<hbm>> -> memref<1x1x16xf32, #tpu.memory_space<hbm>>
      %dma_start3A_33 = tpu.memref_squeeze %dma_start3A_32 : memref<1x1x16xf32, #tpu.memory_space<hbm>> -> memref<16xf32, #tpu.memory_space<hbm>>
      %dma_start3A_34 = arith.constant 0 : i32
      %dma_start3A_35 = tpu.memref_slice %arg4[%arg0, %arg1, %dma_start3A_34] : memref<2x16x16xf32, #tpu.memory_space<hbm>> -> memref<1x1x16xf32, #tpu.memory_space<hbm>>
      %dma_start3A_36 = tpu.memref_squeeze %dma_start3A_35 : memref<1x1x16xf32, #tpu.memory_space<hbm>> -> memref<16xf32, #tpu.memory_space<hbm>>
      tpu.enqueue_dma source(%arg9 : memref<16xf32, #tpu.memory_space<vmem>>) target(%dma_start3A_36 : memref<16xf32, #tpu.memory_space<hbm>>) target_semaphore(%run_scoped3A : memref<!tpu.dma_semaphore, #tpu.memory_space<semaphore_mem>>)
      %dma_wait3A = arith.constant 0 : i32
      %dma_wait3A_37 = tpu.memref_slice %arg4[%arg0, %arg1, %dma_wait3A] : memref<2x16x16xf32, #tpu.memory_space<hbm>> -> memref<1x1x16xf32, #tpu.memory_space<hbm>>
      %dma_wait3A_38 = tpu.memref_squeeze %dma_wait3A_37 : memref<1x1x16xf32, #tpu.memory_space<hbm>> -> memref<16xf32, #tpu.memory_space<hbm>>
      %dma_wait3A_39 = arith.constant 0 : i32
      %dma_wait3A_40 = tpu.memref_slice %arg4[%arg0, %arg1, %dma_wait3A_39] : memref<2x16x16xf32, #tpu.memory_space<hbm>> -> memref<1x1x16xf32, #tpu.memory_space<hbm>>
      %dma_wait3A_41 = tpu.memref_squeeze %dma_wait3A_40 : memref<1x1x16xf32, #tpu.memory_space<hbm>> -> memref<16xf32, #tpu.memory_space<hbm>>
      tpu.wait_dma2 semaphore(%run_scoped3A : memref<!tpu.dma_semaphore, #tpu.memory_space<semaphore_mem>>) src(%arg9 : memref<16xf32, #tpu.memory_space<vmem>>) dst(%dma_wait3A_41 : memref<16xf32, #tpu.memory_space<hbm>>)
      tpu.yield
    }) : () -> ()
    return
  }
}

module attributes {stable_mosaic.version = 14 : i64} {
  func.func @body(%arg0: i32, %arg1: memref<512x313xf32, #tpu.memory_space<vmem>>, %arg2: memref<512x313xf32, #tpu.memory_space<vmem>>, %arg3: memref<1x1xf32, #tpu.memory_space<smem>>) attributes {dimension_semantics = [#tpu.dimension_semantics<arbitrary>], iteration_bounds = array<i64: 88>, scalar_prefetch = 0 : i64, scratch_operands = 0 : i64, tpu.core_type = #tpu.core_type<tc>, window_params = [{transform_indices = @transform_0, window_bounds = array<i64: 512, 313>}, {transform_indices = @transform_1, window_bounds = array<i64: 512, 313>}, {transform_indices = @transform_2, window_bounds = array<i64: 1, 1>}]} {
    %eq3A = arith.constant 0 : i32
    %eq3A_0 = arith.cmpi eq, %arg0, %eq3A : i32
    %convert_element_type3A = arith.extui %eq3A_0 : i1 to i32
    %cond3A = arith.constant 0 : i32
    %cond3A_1 = arith.cmpi ne, %convert_element_type3A, %cond3A : i32
    scf.if %cond3A_1 {
      %swap3A_33 = arith.constant 0.000000e+00 : f32
      %swap3A_34 = arith.constant 0 : index
      %swap3A_35 = arith.constant 0 : index
      %swap3A_36 = memref.load %arg3[%swap3A_34, %swap3A_35] : memref<1x1xf32, #tpu.memory_space<smem>>
      memref.store %swap3A_33, %arg3[%swap3A_34, %swap3A_35] : memref<1x1xf32, #tpu.memory_space<smem>>
    } else {
    }
    %get3A = arith.constant 0 : index
    %get3A_2 = arith.constant 0 : index
    %get3A_3 = vector.load %arg1[%get3A, %get3A_2] : memref<512x313xf32, #tpu.memory_space<vmem>>, vector<512x313xf32>
    %get3A_4 = arith.constant 0 : index
    %get3A_5 = arith.constant 0 : index
    %get3A_6 = vector.load %arg2[%get3A_4, %get3A_5] : memref<512x313xf32, #tpu.memory_space<vmem>>, vector<512x313xf32>
    %reduce_max3A = arith.constant dense<0xFF800000> : vector<512xf32>
    %reduce_max3A_7 = vector.multi_reduction <maximumf>, %get3A_6, %reduce_max3A [1] : vector<512x313xf32> to vector<512xf32>
    %broadcast_in_dim3A = vector.shape_cast %reduce_max3A_7 : vector<512xf32> to vector<512x1xf32>
    %iota3A = tpu.iota {dimensions = array<i32: 1>} : vector<512x313xi32>
    %eq3A_8 = vector.broadcast %broadcast_in_dim3A : vector<512x1xf32> to vector<512x313xf32>
    %eq3A_9 = arith.cmpf oeq, %get3A_6, %eq3A_8 : vector<512x313xf32>
    %jit3A = arith.constant 313 : i32
    %broadcast_in_dim3A_10 = vector.broadcast %jit3A : i32 to vector<512x313xi32>
    %select_n3A = arith.select %eq3A_9, %iota3A, %broadcast_in_dim3A_10 : vector<512x313xi1>, vector<512x313xi32>
    %reduce_min3A = arith.constant dense<2147483647> : vector<512xi32>
    %reduce_min3A_11 = vector.multi_reduction <minsi>, %select_n3A, %reduce_min3A [1] : vector<512x313xi32> to vector<512xi32>
    %broadcast_in_dim3A_12 = vector.shape_cast %reduce_min3A_11 : vector<512xi32> to vector<512x1xi32>
    %eq3A_13 = vector.broadcast %broadcast_in_dim3A_12 : vector<512x1xi32> to vector<512x313xi32>
    %eq3A_14 = arith.cmpi eq, %iota3A, %eq3A_13 : vector<512x313xi32>
    %jit3A_15 = arith.constant 0xFF800000 : f32
    %broadcast_in_dim3A_16 = vector.broadcast %jit3A_15 : f32 to vector<512x313xf32>
    %select_n3A_17 = arith.select %eq3A_14, %get3A_3, %broadcast_in_dim3A_16 : vector<512x313xi1>, vector<512x313xf32>
    %reduce_max3A_18 = arith.constant dense<0xFF800000> : vector<512xf32>
    %reduce_max3A_19 = vector.multi_reduction <maximumf>, %select_n3A_17, %reduce_max3A_18 [1] : vector<512x313xf32> to vector<512xf32>
    %reduce_max3A_20 = arith.constant dense<0xFF800000> : vector<512xf32>
    %reduce_max3A_21 = vector.multi_reduction <maximumf>, %get3A_3, %reduce_max3A_20 [1] : vector<512x313xf32> to vector<512xf32>
    %get3A_22 = arith.constant 0 : index
    %get3A_23 = arith.constant 0 : index
    %get3A_24 = memref.load %arg3[%get3A_22, %get3A_23] : memref<1x1xf32, #tpu.memory_space<smem>>
    %div3A = arith.divf %reduce_max3A_19, %reduce_max3A_21 : vector<512xf32>
    %sub3A = arith.constant 1.000000e+00 : f32
    %sub3A_25 = vector.broadcast %sub3A : f32 to vector<512xf32>
    %sub3A_26 = arith.subf %sub3A_25, %div3A : vector<512xf32>
    %reduce_sum3A = vector.shape_cast %sub3A_26 : vector<512xf32> to vector<1x512xf32>
    %reduce_sum3A_27 = arith.constant dense<0.000000e+00> : vector<1xf32>
    %reduce_sum3A_28 = vector.multi_reduction <add>, %reduce_sum3A, %reduce_sum3A_27 [1] : vector<1x512xf32> to vector<1xf32>
    %reduce_sum3A_29 = vector.shape_cast %reduce_sum3A_28 : vector<1xf32> to vector<1x1xf32>
    %reduce_sum3A_30 = vector.extract %reduce_sum3A_29[0, 0] : f32 from vector<1x1xf32>
    %add3A = arith.addf %get3A_24, %reduce_sum3A_30 : f32
    %swap3A = arith.constant 0 : index
    %swap3A_31 = arith.constant 0 : index
    %swap3A_32 = memref.load %arg3[%swap3A, %swap3A_31] : memref<1x1xf32, #tpu.memory_space<smem>>
    memref.store %add3A, %arg3[%swap3A, %swap3A_31] : memref<1x1xf32, #tpu.memory_space<smem>>
    return
  }
  func.func @transform_0(%arg0: i32) -> (i32, i32) {
    %add3A = arith.constant 168 : i32
    %add3A_0 = arith.addi %add3A, %arg0 : i32
    %c0_i32 = arith.constant 0 : i32
    %c0_i32_1 = arith.constant 0 : i32
    return %add3A_0, %c0_i32 : i32, i32
  }
  func.func @transform_1(%arg0: i32) -> (i32, i32) {
    %add3A = arith.constant 168 : i32
    %add3A_0 = arith.addi %add3A, %arg0 : i32
    %c0_i32 = arith.constant 0 : i32
    %c0_i32_1 = arith.constant 0 : i32
    return %add3A_0, %c0_i32 : i32, i32
  }
  func.func @transform_2(%arg0: i32) -> (i32, i32) {
    %c0_i32 = arith.constant 0 : i32
    %c0_i32_0 = arith.constant 0 : i32
    %c0_i32_1 = arith.constant 0 : i32
    return %c0_i32, %c0_i32_0 : i32, i32
  }
}

module attributes {stable_mosaic.version = 14 : i64} {
  func.func @body(%arg0: memref<2x16x16xf32, #tpu.memory_space<vmem>>, %arg1: memref<1x1xf32, #tpu.memory_space<smem>>, %arg2: memref<1x1xf32, #tpu.memory_space<smem>>) attributes {dimension_semantics = [], scalar_prefetch = 0 : i64, scratch_operands = 0 : i64, tpu.core_type = #tpu.core_type<tc>} {
    %get3A = arith.constant 0 : index
    %get3A_0 = arith.constant 0 : index
    %get3A_1 = arith.constant 0 : index
    %get3A_2 = vector.load %arg0[%get3A, %get3A_0, %get3A_1] : memref<2x16x16xf32, #tpu.memory_space<vmem>>, vector<2x16x16xf32>
    %reduce_sum3A = vector.shape_cast %get3A_2 : vector<2x16x16xf32> to vector<1x2x16x16xf32>
    %reduce_sum3A_3 = arith.constant dense<0.000000e+00> : vector<1xf32>
    %reduce_sum3A_4 = vector.multi_reduction <add>, %reduce_sum3A, %reduce_sum3A_3 [1, 2, 3] : vector<1x2x16x16xf32> to vector<1xf32>
    %reduce_sum3A_5 = vector.shape_cast %reduce_sum3A_4 : vector<1xf32> to vector<1x1x1x1xf32>
    %reduce_sum3A_6 = vector.extract %reduce_sum3A_5[0, 0, 0, 0] : f32 from vector<1x1x1x1xf32>
    %get3A_7 = arith.constant 0 : index
    %get3A_8 = arith.constant 0 : index
    %get3A_9 = memref.load %arg1[%get3A_7, %get3A_8] : memref<1x1xf32, #tpu.memory_space<smem>>
    %add3A = arith.addf %reduce_sum3A_6, %get3A_9 : f32
    %swap3A = arith.constant 0 : index
    %swap3A_10 = arith.constant 0 : index
    %swap3A_11 = memref.load %arg2[%swap3A, %swap3A_10] : memref<1x1xf32, #tpu.memory_space<smem>>
    memref.store %add3A, %arg2[%swap3A, %swap3A_10] : memref<1x1xf32, #tpu.memory_space<smem>>
    return
  }
}

</mosaic_0001>

<sc_bundles>
// kernel: kernel.5.cloned.1.call-start
scs
__scs_entry_jumppad:
0x0: {  	(pc) =	sbr.rel $0x88, $3  }
0x1: {  	(tag) =	ssettag $0x0;
	lr =	simm.s32 $0x1  }
0x2: {  	[smem:$0x3F9F] =	sst lr;
	_ =	strace $0xD0000000  }
0x3: {  	_ = 	snop  }
0x4: {  	_ = 	snop  }
0x5: {  	_ = 	snop  }
0x6: {  	_ = 	snop  }
0x7: {  	_ = 	snop  }
__scs_overlays_trampoline_lowered:
0x8: {  	[smem:$0x3FAE] =	sst s0  }
0x9: {  	[smem:$0x3FAF] =	sst s1  }
0xa: {  	[smem:$0x3FB0] =	sst s2  }
0xb: {  	[smem:$0x3FB1] =	sst s3  }
0xc: {  	[smem:$0x3FB2] =	sst s4  }
0xd: {  	[smem:$0x3FB3] =	sst s5  }
0xe: {  	[smem:$0x3FB4] =	sst s6  }
0xf: {  	[smem:$0x3FB5] =	sst s7  }
0x10: {  	[smem:$0x3FB6] =	sst s8  }
0x11: {  	[smem:$0x3FB7] =	sst s9;
	s0 =	simm.s32 @!p0 $0x0  }
0x12: {  	s1 =	sld [smem:$0x3F9D];
	s0 =	simm.s32 @p0 $0x1  }
0x13: {  	[smem:$0x3FB8] =	sst s0;
	s0 =	simm.s32 @!p1 $0x0  }
0x14: {  	s2 =	sld [smem:$0x3F9C];
	s0 =	simm.s32 @p1 $0x1  }
0x15: {  	[smem:$0x3FB9] =	sst s0;
	s0 =	simm.s32 @!p2 $0x0  }
0x16: {  	s3 =	sld [smem:$0x3FDB];
	s0 =	simm.s32 @p2 $0x1  }
0x17: {  	s4 =	simm.s32 $0x1BF5;
	[smem:$0x3FBB] =	sst s0  }
0x18: {  	s0 =	sld [smem:$0x3F9E];
	_ =	swait.ge [sflag:s4], $0x0  }
0x19: {  	s7 =	sld [smem:$0x3F9F]  }
0x1a: {  	s8 =	sadd.s32 $0xFFFFE003, lr  }
0x1b: {  	s9 =	sadd.s32 $0xFFFFFEF7, lr;
	s5 =	simm.s32 $0xFFFFFFFF;
	p2 =	slt.u32 s8, $0xFFFFF086  }
0x1c: {  	p1 =	slt.u32 s9, $0xF7A;
	s5 =	simm.s32 @!p2 $0x0  }
0x1d: {  	s5 =	simm.s32 @p1 $0x1;
	p0 =	seq.s32 s7, s2  }
0x1e: {  	s7 =	smul.u32 @!p0 $0xF7A, s2;
	p2 =	seq.s32 @!p0 s5, $0x0  }
0x1f: {  	s9 =	smul.u32 $0xF7A, s1;
	s8 =	simm.s32 @!p0 $0x1BF5;
	p2 =	por !p2, p0  }
0x20: {  	[sflag:s8] =	ssyncset.s32 @!p0 $0xFFFFF086;
	s6 =	sadd.s32 @!p0 s3, s7;
	s7 =	simm.s32 @!p0 $0x108  }
0x21: {  	s3 =	sadd.s32 s3, s9;
	s6 =	sadd.s32 @!p0 $0x88, s6;
	s7 =	simm.s32 @p2 $0x1082  }
0x22: {  	[simem:s7], [sflag:s8] =	dma.local @!p0 [hbm:s6], $0xF7A  }
0x23: {  	s9 =	sor.u32 $0xD0000000, s2;
	s6 =	simm.s32 $0x108;
	_ =	swait.ge @!p0 [sflag:s8], $0x0  }
0x24: {  	s3 =	sadd.s32 $0x88, s3;
	s6 =	simm.s32 @!p1 $0x1082;
	[sflag:s4] =	ssyncset.s32 $0xFFFFF086  }
0x25: {  	[simem:s6], [sflag:s4] =	dma.local [hbm:s3], $0xF7A  }
0x26: {  	[smem:$0x3F9F] =	sst s1;
	(tag) =	ssettag s2;
	_ =	strace s9  }
0x27: {  	s1 =	sld [smem:$0x3FAF]  }
0x28: {  	s2 =	sld [smem:$0x3FB0]  }
0x29: {  	s4 =	sld [smem:$0x3FB2]  }
0x2a: {  	p0 =	seq.s32 s5, $0x0;
	s5 =	sld [smem:$0x3FB3]  }
0x2b: {  	s6 =	sld [smem:$0x3FB4]  }
0x2c: {  	s7 =	sld [smem:$0x3FB5]  }
0x2d: {  	s3 =	simm.s32 $0x108;
	s8 =	sld [smem:$0x3FB6]  }
0x2e: {  	s3 =	simm.s32 @!p0 $0x1082;
	s9 =	sld [smem:$0x3FB7]  }
0x2f: {  	lr =	sadd.s32 s0, s3;
	s0 =	sld [smem:$0x3FAE]  }
0x30: {  	s3 =	sld [smem:$0x3FB1]  }
0x31: {  	[smem:$0x3FBA] =	sst s10  }
0x32: {  	s10 =	sld [smem:$0x3FB8];
	_ =	sdelay $0x3  }
0x33: {  	p0 =	seq.s32 s10, $0x1;
	s10 =	sld [smem:$0x3FBA];
	_ =	sdelay $0x3  }
0x34: {  	[smem:$0x3FBA] =	sst s10  }
0x35: {  	s10 =	sld [smem:$0x3FB9];
	_ =	sdelay $0x3  }
0x36: {  	p1 =	seq.s32 s10, $0x1;
	s10 =	sld [smem:$0x3FBA];
	_ =	sdelay $0x3  }
0x37: {  	[smem:$0x3FBA] =	sst s10  }
0x38: {  	s10 =	sld [smem:$0x3FBB]  }
0x39: {  	_ = 	snop;
	(pc) =	sbr.ind lr, $3  }
0x3a: {  	_ = 	snop  }
0x3b: {  	_ = 	snop  }
0x3c: {  	p2 =	seq.s32 s10, $0x1;
	s10 =	sld [smem:$0x3FBA]  }
0x3d: {  	_ =	shalt  }
0x3e: {  	_ =	shalt  }
0x3f: {  	_ =	shalt  }
0x40: {  	_ =	shalt  }
0x41: {  	_ =	shalt  }
0x42: {  	_ =	shalt  }
0x43: {  	_ =	shalt  }
0x44: {  	_ =	shalt  }
0x45: {  	_ =	shalt  }
0x46: {  	_ =	shalt  }
0x47: {  	_ =	shalt  }
0x48: {  	_ =	shalt  }
0x49: {  	_ =	shalt  }
0x4a: {  	_ =	shalt  }
0x4b: {  	_ =	shalt  }
0x4c: {  	_ =	shalt  }
0x4d: {  	_ =	shalt  }
0x4e: {  	_ =	shalt  }
0x4f: {  	_ =	shalt  }
0x50: {  	_ =	shalt  }
0x51: {  	_ =	shalt  }
0x52: {  	_ =	shalt  }
0x53: {  	_ =	shalt  }
0x54: {  	_ =	shalt  }
0x55: {  	_ =	shalt  }
0x56: {  	_ =	shalt  }
0x57: {  	_ =	shalt  }
0x58: {  	_ =	shalt  }
0x59: {  	_ =	shalt  }
0x5a: {  	_ =	shalt  }
0x5b: {  	_ =	shalt  }
0x5c: {  	_ =	shalt  }
0x5d: {  	_ =	shalt  }
0x5e: {  	_ =	shalt  }
0x5f: {  	_ =	shalt  }
0x60: {  	_ =	shalt  }
0x61: {  	_ =	shalt  }
0x62: {  	_ =	shalt  }
0x63: {  	_ =	shalt  }
0x64: {  	_ =	shalt  }
0x65: {  	_ =	shalt  }
0x66: {  	_ =	shalt  }
0x67: {  	_ =	shalt  }
0x68: {  	_ =	shalt  }
0x69: {  	_ =	shalt  }
0x6a: {  	_ =	shalt  }
0x6b: {  	_ =	shalt  }
0x6c: {  	_ =	shalt  }
0x6d: {  	_ =	shalt  }
0x6e: {  	_ =	shalt  }
0x6f: {  	_ =	shalt  }
0x70: {  	_ =	shalt  }
0x71: {  	_ =	shalt  }
0x72: {  	_ =	shalt  }
0x73: {  	_ =	shalt  }
0x74: {  	_ =	shalt  }
0x75: {  	_ =	shalt  }
0x76: {  	_ =	shalt  }
0x77: {  	_ =	shalt  }
0x78: {  	_ =	shalt  }
0x79: {  	_ =	shalt  }
0x7a: {  	_ =	shalt  }
0x7b: {  	_ =	shalt  }
0x7c: {  	_ =	shalt  }
0x7d: {  	_ =	shalt  }
0x7e: {  	_ =	shalt  }
0x7f: {  	_ =	shalt  }
0x80: {  	_ =	shalt  }
0x81: {  	_ =	shalt  }
0x82: {  	_ =	shalt  }
0x83: {  	_ =	shalt  }
0x84: {  	_ =	shalt  }
0x85: {  	_ =	shalt  }
0x86: {  	_ =	shalt  }
0x87: {  	_ =	shalt  }
.Lfunc_end0:
.L_simem_size_0:
called_computation_lowered:
.L_overlay_start_0:
0x88: {  	s2 =	sld [smem:$0x3FD9]  }
0x89: {  	s3 =	sld [smem:$0x3FFE];
	_ =	sdelay $0x1  }
0x8a: {  	s1 =	srdreg.scid  }
0x8b: {  	s0 =	sand.u32 $0x1, s1  }
0x8c: {  	s17 =	sshll.u32 s0, $0xA;
	s2 =	sadd.s32 s3, s2  }
0x8d: {  	s2 =	sadd.s32 s2, s17  }
0x8e: {  	[smem:$0x3FC6] =	sst s2  }
0x8f: {  	_ = 	snop  }
0x90: {  	s2 =	sld [smem:$0x3FC9]  }
0x91: {  	s18 =	sld [smem:$0x3FC8];
	(tm) =	ssettm $0x1  }
0x92: {  	s4 =	sld [smem:$0x3FFB];
	_ =	sdelay $0x3  }
0x93: {  	_ =	strace s4  }
0x94: {  	s4 =	sld [smem:$0x3FFC];
	_ =	sdelay $0x3  }
0x95: {  	_ =	strace s4  }
0x96: {  	s4 =	sld [smem:$0x3FFD];
	_ =	sdelay $0x3  }
0x97: {  	_ =	strace s4  }
0x98: {  	_ =	strace $0x8FFFFFFF  }
0x99: {  	s19 =	sld [smem:$0x3FDB];
	_ =	sdelay $0x1  }
0x9a: {  	s5 =	simm.s32 $_scs_section_size  }
0x9b: {  	s6 =	simm.s32 $_size__tile_overlayer_lowered;
	s7 =	simm.s32 $_tile_overlayer_lowered  }
0x9c: {  	s22 =	simm.s32 $0x1BFF;
	s21 =	sshll.u32 s7, $0x1;
	s4 =	sadd.s32 s5, s19  }
0x9d: {  	s8 =	simm.s32 $0x0;
	s20 =	sshll.u32 s6, $0x1;
	s6 =	sadd.s32 s21, s4  }
0x9e: {  	[timem:s8], [sflag:s22] =	dma.local [hbm:s6], s20  }
0x9f: {  	_ =	swait.ge [sflag:s22], s20  }
0xa0: {  	s5 =	ssub.s32 $0x0, s20;
	[sflag:s22] =	ssyncset.done $0x0  }
0xa1: {  	[sflag:s22] =	ssyncadd.s32 s5;
	_ =	sdelay $0x1  }
0xa2: {  	s23 =	simm.s32 $0x1B8B  }
0xa3: {  	_ =	swait.ge [sflag:s23], $0x1  }
0xa4: {  	[sflag:s23] =	ssyncset.done $0x0  }
0xa5: {  	s25 =	simm.s32 $0x1B8E;
	s24 =	sld [smem:$0x3FFE];
	[sflag:s23] =	ssyncadd.s32 $0xFFFFFFFF  }
0xa6: {  	s26 =	simm.s32 $execute0_lowered;
	[smem:$0x3FD2] =	sst s25  }
0xa7: {  	s6 =	sshll.u32 s26, $0x1;
	_ =	strace $0x80000046;
	[dreg:$0x1] =	wrdreg $0xFFFFFFFF  }
0xa8: {  	s28 =	simm.s32 $_size_execute0_lowered;
	s4 =	sadd.s32 s4, s6;
	[dreg:$0x0] =	wrdreg $0x0  }
0xa9: {  	s6 =	sshll.u32 s28, $0x1;
	[dreg:$0x2] =	wrdreg s4  }
0xaa: {  	[dreg:$0x3] =	wrdreg s6  }
0xab: {  	[dreg:$0x4] =	wrdreg $0xC0  }
0xac: {  	_ =	task [dreg:s8], $0x5FFFF  }
0xad: {  	[dreg:$0x1] =	wrdreg $0xFFFFFFFF  }
0xae: {  	[dreg:$0x0] =	wrdreg $0x60  }
0xaf: {  	[dreg:$0x2] =	wrdreg s2  }
0xb0: {  	[dreg:$0x3] =	wrdreg s18  }
0xb1: {  	[dreg:$0x4] =	wrdreg s24  }
0xb2: {  	[dreg:$0x5] =	wrdreg $0x9  }
0xb3: {  	_ =	task.clear_ibuf [dreg:s8], $0x6FFFF;
	_ =	strace $0x90000046  }
0xb4: {  	s29 =	simm.s32 $0x9;
	_ =	strace $0x80000048  }
0xb5: {  	_ =	swait.ge [sflag:s29], $0x1  }
0xb6: {  	[sflag:s29] =	ssyncadd.s32 $0xFFFFFFFF  }
0xb7: {  	_ =	strace $0x90000048  }
0xb8: {  	_ =	sfence  }
0xb9: {  	s30 =	sld [smem:$0x0];
	_ =	sdelay $0x2  }
0xba: {  	s31 =	sshll.u32 s1, $0xD;
	s1 =	sshrl.u32 s1, $0x2  }
0xbb: {  	s3 =	sand.u32 $0x4000, s31;
	s1 =	sadd.s32 s1, s30  }
0xbc: {  	s0 =	sor.u32 s3, s0;
	s1 =	sshll.u32 s1, $0x11  }
0xbd: {  	s0 =	sor.u32 s1, s0  }
0xbe: {  	s0 =	sadd.s32 $0x8F2B, s0  }
0xbf: {  	[sflag:s0] =	ssyncadd.remote.s32 $0x1  }
0xc0: {  	_ =	sfence.sel $0xFFFF  }
0xc1: {  	[dreg:$0x0] =	wrdreg $0xFFFFFFFF;
	(pc) =	sbr.abs _section_cstart, $3  }
0xc2: {  	[dreg:$0x1] =	wrdreg $0xFFFFFFFF  }
0xc3: {  	_ =	task.clear_ibuf [dreg:s8], $0x2FFFF;
	_ =	strace $0x9FFFFFFF  }
0xc4: {  	(tm) =	ssettm $0x7FFFFFFF  }
0xc5: {  	_ =	shalt  }
tec
execute0_lowered:
.L_overlay_start_1:
0x0: {  	(tag) =	ssettag $0x1  }
0x1: {  	v0 =	vimm.s32 $0xF80;
	vm15 =	vcmask $0x300;
	vm14 =	vcmask $0x704  }
0x2: {  	vm13 =	vcmask $0xB08;
	vm12 =	vcmask $0xF0C;
	vm11 =	vcmask $0x1310  }
0x3: {  	vm10 =	vcmask $0x1714;
	vm9 =	vcmask $0x1B18;
	vm8 =	vcmask $0x1F1C  }
0x4: {  	vm7 =	vcmask $0x2320;
	vm6 =	vcmask $0x2724;
	vm5 =	vcmask $0x2B28  }
0x5: {  	vm4 =	vcmask $0x2F2C;
	vm3 =	vcmask $0x3330;
	vm2 =	vcmask $0x3734  }
0x6: {  	vm1 =	vcmask $0x3B38;
	vm0 =	vmxor vm0, vm0;
	v1 =	vimm.s32 $0x2780  }
0x7: {  	v2 =	vimm.s32 $0x3F80;
	v3 =	vimm.s32 $0x5780;
	v4 =	vimm.f32 $0.0e+00  }
0x8: {  	v0 =	vsel vm15, $0x0, v0;
	v1 =	vsel vm15, $0x1800, v1;
	v2 =	vsel vm15, $0x3000, v2  }
0x9: {  	v3 =	vsel vm15, $0x4800, v3;
	v0 =	vsel vm14, $0x80, v0;
	v1 =	vsel vm14, $0x1880, v1  }
0xa: {  	v2 =	vsel vm14, $0x3080, v2;
	v3 =	vsel vm14, $0x4880, v3;
	v0 =	vsel vm13, $0x100, v0  }
0xb: {  	v1 =	vsel vm13, $0x1900, v1;
	v2 =	vsel vm13, $0x3100, v2;
	v3 =	vsel vm13, $0x4900, v3  }
0xc: {  	v0 =	vsel vm12, $0x180, v0;
	v1 =	vsel vm12, $0x1980, v1;
	v2 =	vsel vm12, $0x3180, v2  }
0xd: {  	s0 =	stileid.u32;
	s1 =	rddreg [dreg:$0x0];
	v3 =	vsel vm12, $0x4980, v3;
	v0 =	vsel vm11, $0x200, v0;
	v1 =	vsel vm11, $0x1A00, v1  }
0xe: {  	s2 =	srdreg.scid;
	s5 =	rddreg [dreg:$0x2];
	v2 =	vsel vm11, $0x3200, v2;
	v3 =	vsel vm11, $0x4A00, v3;
	v0 =	vsel vm10, $0x280, v0  }
0xf: {  	s4 =	simm.s32 $0x0;
	s14 =	simm.s32 $0x6000;
	s15 =	simm.s32 $0x12000;
	v1 =	vsel vm10, $0x1A80, v1;
	v2 =	vsel vm10, $0x3280, v2;
	v3 =	vsel vm10, $0x4A80, v3  }
0x10: {  	s16 =	simm.s32 $0x1;
	s17 =	simm.s32 $0x3;
	s18 =	simm.s32 $0x2;
	v0 =	vsel vm9, $0x300, v0;
	v1 =	vsel vm9, $0x1B00, v1;
	v2 =	vsel vm9, $0x3300, v2  }
0x11: {  	s19 =	simm.s32 $0x4;
	s20 =	simm.s32 $0x18000;
	s21 =	simm.s32 $0x5;
	v3 =	vsel vm9, $0x4B00, v3;
	v0 =	vsel vm8, $0x380, v0;
	v1 =	vsel vm8, $0x1B80, v1  }
0x12: {  	s9 =	sand.u32 $0x1, s2;
	s3 =	sshll.u32 s0, $0x1;
	s2 =	rddreg [dreg:$0x1];
	v2 =	vsel vm8, $0x3380, v2;
	v3 =	vsel vm8, $0x4B80, v3;
	v0 =	vsel vm7, $0xC00, v0  }
0x13: {  	s22 =	simm.s32 $0x0;
	[smem:$0x7FF] =	sst s4;
	s3 =	sor.u32 s9, s3;
	v1 =	vsel vm7, $0x2400, v1;
	v2 =	vsel vm7, $0x3C00, v2;
	v3 =	vsel vm7, $0x5400, v3  }
0x14: {  	s11 =	sshll.u32 s0, $0x4;
	s7 =	ssub.s32 $0x2, s9;
	s10 =	smul.u32 $0xA80, s3;
	v0 =	vsel vm6, $0xC80, v0;
	v1 =	vsel vm6, $0x2480, v1;
	v2 =	vsel vm6, $0x3C80, v2  }
0x15: {  	s11 =	sadd.s32 s11, s5;
	s13 =	sshll.u32 s9, $0x8;
	s3 =	rddreg [dreg:$0x3];
	v3 =	vsel vm6, $0x5480, v3;
	v0 =	vsel vm5, $0xD00, v0;
	v1 =	vsel vm5, $0x2500, v1  }
0x16: {  	_ =	strace $0x80000047;
	s12 =	sshrl.u32 s7, $0x1;
	s6 =	sshrl.u32 s10, $0x3;
	v2 =	vsel vm5, $0x3D00, v2;
	v3 =	vsel vm5, $0x5500, v3;
	v0 =	vsel vm4, $0xD80, v0  }
0x17: {  	s11 =	sadd.s32 s13, s11;
	s13 =	simm.s32 $0xC000;
	s8 =	smul.u32 $0xC00, s6;
	v1 =	vsel vm4, $0x2580, v1;
	v2 =	vsel vm4, $0x3D80, v2;
	v3 =	vsel vm4, $0x5580, v3  }
0x18: {  	s12 =	ssub.s32 s7, s12;
	s11 =	sadd.s32 $0x600, s11;
	s6 =	smul.u32 $0x180, s6;
	v0 =	vsel vm3, $0xE00, v0;
	v1 =	vsel vm3, $0x2600, v1;
	v2 =	vsel vm3, $0x3E00, v2  }
0x19: {  	s9 =	sadd.s32 $0x80, s10;
	s10 =	sadd.s32 $0xC0, s10;
	s31 =	sshrl.u32 s8, $0x3;
	v3 =	vsel vm3, $0x5600, v3;
	v0 =	vsel vm2, $0xE80, v0;
	v1 =	vsel vm2, $0x2680, v1  }
0x1a: {  	s12 =	smax.u32 s12, $0x1;
	s5 =	sadd.s32 s1, s6;
	s8 =	sadd.s32 $0xC00, s31;
	v2 =	vsel vm2, $0x3E80, v2;
	v3 =	vsel vm2, $0x5680, v3;
	v0 =	vsel vm1, $0xF00, v0  }
0x1b: {  	s6 =	sadd.s32 s2, s6;
	s7 =	sadd.s32 s1, s8;
	s8 =	sadd.s32 s2, s8;
	v1 =	vsel vm1, $0x2700, v1;
	v2 =	vsel vm1, $0x3F00, v2;
	v3 =	vsel vm1, $0x5700, v3  }
.LBB2_1:
0x1c: {  	[tilespmem:s4], [sflag:$0x1] =	stream.linear.gather [hbm4b:s5+s4], $0x6000, $0x38;
	[tilespmem:$0x18080] =	vst v63  }
0x1d: {  	_ = 	snop  }
0x1e: {  	[tilespmem:s13], [sflag:$0x3] =	stream.linear.gather [hbm4b:s6+s4], $0x6000, $0x38;
	[tilespmem:$0x18080] =	vst v63  }
0x1f: {  	_ = 	snop  }
0x20: {  	[tilespmem:s14], [sflag:$0x2] =	stream.linear.gather [hbm4b:s7+s4], $0x6000, $0x38;
	[tilespmem:$0x18080] =	vst v63  }
0x21: {  	s23 =	simm.s32 $0x0  }
0x22: {  	v5 =	vimm.f32 $0.0e+00;
	[tilespmem:s15], [sflag:$0x4] =	stream.linear.gather [hbm4b:s8+s4], $0x6000, $0x38;
	[tilespmem:$0x18080] =	vst v63  }
.LBB2_2:
0x23: {  	s24 =	sshll.u32 s23, $0x7;
	_ =	swait.ge [sflag:s16], $0x6000;
	p0 =	seq.s32 s23, $0x14;
	v6 =	vlaneseq.u32  }
0x24: {  	[sflag:s16] =	ssyncset.done $0x0;
	s25 =	sadd.s32 @!p0 s24, s9;
	v7 =	vshll.u32 v6, $0x3  }
0x25: {  	v8 =	vand.u32 $0x7F, v6;
	v9 =	vadd.s32 $0x1, v6;
	[sflag:s16] =	ssyncadd.s32 $0xFFFFA000;
	s25 =	sshrl.u32 @!p0 s25, $0x3;
	v7 =	vand.u32 $0xFFFFFC00, v7  }
0x26: {  	v10 =	vadd.s32 $0x2, v6;
	_ =	swait.ge [sflag:s17], $0x6000;
	s25 =	smul.u32 @!p0 $0x180, s25;
	v7 =	vor.u32 v8, v7;
	v8 =	vshll.u32 v9, $0x3  }
0x27: {  	v9 =	vand.u32 $0x7F, v9;
	[sflag:s17] =	ssyncset.done $0x0;
	v7 =	vadd.s32 v0, v7;
	v8 =	vand.u32 $0xFFFFFC00, v8  }
0x28: {  	s28 =	simm.s32 @!p0 $0x0;
	v12 =	vadd.s32 $0x3, v6;
	v11 =	vshll.u32 v10, $0x3;
	[sflag:s17] =	ssyncadd.s32 $0xFFFFA000;
	s26 =	sadd.s32 @!p0 s1, s25;
	v8 =	vor.u32 v9, v8  }
0x29: {  	v9 =	vand.u32 $0x7F, v10;
	[tilespmem:s28], [sflag:$0x1] =	stream.linear.gather @!p0 [hbm4b:s26+s28], $0x6000, $0x38;
	v10 =	vadd.s32 v0, v8;
	v8 =	vand.u32 $0xFFFFFC00, v11;
	[tilespmem:$0x18080] =	vst v63  }
0x2a: {  	s25 =	sadd.s32 @!p0 s2, s25;
	s26 =	simm.s32 @!p0 $0xC000;
	v11 =	vadd.s32 $0x4, v6;
	v8 =	vor.u32 v9, v8;
	v9 =	vshll.u32 v12, $0x3  }
0x2b: {  	v12 =	vand.u32 $0x7F, v12;
	[tilespmem:s26], [sflag:$0x3] =	stream.linear.gather @!p0 [hbm4b:s25+s28], $0x6000, $0x38;
	v9 =	vand.u32 $0xFFFFFC00, v9;
	v14 =	vadd.s32 v0, v8;
	[tilespmem:$0x18080] =	vst v63  }
0x2c: {  	v8 =	vshll.u32 v11, $0x3;
	v13 =	vld.idx.msk [tilespmem:v7+s13+$0x0], $0xffff;
	v9 =	vor.u32 v12, v9  }
0x2d: {  	v11 =	vand.u32 $0x7F, v11;
	v8 =	vand.u32 $0xFFFFFC00, v8;
	v7 =	vld.idx.msk [tilespmem:v7+s4+$0x0], $0xffff;
	v15 =	vadd.s32 v0, v9  }
0x2e: {  	v16 =	vimm.f32 $-Inf;
	v9 =	vor.u32 v11, v8;
	v17 =	vld.idx.msk [tilespmem:v10+s13+$0x0], $0xffff  }
0x2f: {  	v11 =	vadd.s32 $0x6, v6;
	v10 =	vld.idx.msk [tilespmem:v10+s4+$0x0], $0xffff;
	v12 =	vadd.s32 v0, v9;
	v9 =	vadd.s32 $0x5, v6  }
0x30: {  	v8 =	vadd.s32 $0x7, v6;
	v21 =	vshll.u32 v11, $0x3;
	v20 =	vshll.u32 v9, $0x3;
	v18 =	vld.idx.msk [tilespmem:v14+s13+$0x0], $0xffff  }
0x31: {  	v21 =	vand.u32 $0xFFFFFC00, v21;
	v19 =	vld.idx.msk [tilespmem:v14+s4+$0x0], $0xffff;
	v14 =	vand.u32 $0x7F, v9;
	vm1 =	vgt.f32 v13, v16  }
0x32: {  	v20 =	vand.u32 $0xFFFFFC00, v20;
	v13 =	vmax.f32 v16, v13;
	v9 =	vld.idx.msk [tilespmem:v15+s4+$0x0], $0xffff;
	v22 =	vsel vm1, v7, v4  }
0x33: {  	v7 =	vmax.f32 v16, v7;
	vm1 =	vgt.f32 v17, v13;
	v13 =	vmax.f32 v13, v17  }
0x34: {  	v7 =	vmax.f32 v7, v10;
	v17 =	vor.u32 v14, v20;
	v16 =	vsel vm1, v10, v22  }
0x35: {  	v10 =	vand.u32 $0x7F, v11;
	v17 =	vadd.s32 v0, v17;
	vm1 =	vgt.f32 v18, v13  }
0x36: {  	v11 =	vld.idx.msk [tilespmem:v15+s13+$0x0], $0xffff;
	v63 =	vor.u32 v10, v21;
	v14 =	vmax.f32 v13, v18;
	v7 =	vmax.f32 v7, v19  }
0x37: {  	s25 =	simm.s32 $0x0;
	v10 =	vld.idx.msk [tilespmem:v12+s4+$0x0], $0xffff;
	v13 =	vsel vm1, v19, v16;
	v15 =	vadd.s32 v0, v63;
	v16 =	vmax.f32 v7, v9  }
.LBB2_3:
0x38: {  	v7 =	vmov v6  }
0x39: {  	s25 =	sadd.s32 $0x8, s25;
	v18 =	vshll.u32 v8, $0x3;
	v6 =	vadd.s32 $0x8, v6  }
0x3a: {  	v8 =	vand.u32 $0x7F, v8;
	v19 =	vadd.s32 $0x2, v6;
	p1 =	slt.u32 s25, $0x120;
	v18 =	vand.u32 $0xFFFFFC00, v18  }
0x3b: {  	v21 =	vadd.s32 $0x4, v6;
	v20 =	vshll.u32 v19, $0x3;
	v8 =	vor.u32 v8, v18;
	v12 =	vld.idx.msk [tilespmem:v12+s13+$0x0], $0xffff  }
0x3c: {  	v18 =	vand.u32 $0x7F, v21;
	v21 =	vshll.u32 v21, $0x3;
	v22 =	vadd.s32 v0, v8  }
0x3d: {  	v23 =	vadd.s32 $0x3, v6;
	v8 =	vand.u32 $0x7F, v6;
	v21 =	vand.u32 $0xFFFFFC00, v21;
	v24 =	vld.idx.msk [tilespmem:v17+s4+$0x0], $0xffff  }
0x3e: {  	v25 =	vshll.u32 v6, $0x3;
	v26 =	vadd.s32 $0x1, v6;
	v16 =	vmax.f32 v16, v10  }
0x3f: {  	v28 =	vmax.f32 v14, v11;
	v25 =	vand.u32 $0xFFFFFC00, v25;
	v27 =	vshll.u32 v26, $0x3;
	v17 =	vld.idx.msk [tilespmem:v17+s13+$0x0], $0xffff  }
0x40: {  	v27 =	vand.u32 $0xFFFFFC00, v27;
	v25 =	vor.u32 v8, v25;
	v8 =	vadd.s32 $0x7, v6;
	v29 =	vld.idx.msk [tilespmem:v15+s13+$0x0], $0xffff  }
0x41: {  	v26 =	vand.u32 $0x7F, v26;
	v25 =	vadd.s32 v0, v25;
	v30 =	vmax.f32 v28, v12;
	v31 =	vld.idx.msk [tilespmem:v22+s13+$0x0], $0xffff  }
0x42: {  	vm1 =	vgt.f32 v11, v14;
	v19 =	vand.u32 $0x7F, v19;
	v26 =	vor.u32 v26, v27;
	v11 =	vld.idx.msk [tilespmem:v15+s4+$0x0], $0xffff  }
0x43: {  	v14 =	vadd.s32 v0, v26;
	v15 =	vand.u32 $0xFFFFFC00, v20;
	v16 =	vmax.f32 v16, v24  }
0x44: {  	v9 =	vsel vm1, v9, v13;
	v15 =	vor.u32 v19, v15;
	v19 =	vshll.u32 v23, $0x3  }
0x45: {  	v13 =	vand.u32 $0x7F, v23;
	v19 =	vand.u32 $0xFFFFFC00, v19;
	v20 =	vmax.f32 v30, v17;
	v22 =	vld.idx.msk [tilespmem:v22+s4+$0x0], $0xffff  }
0x46: {  	v15 =	vadd.s32 v0, v15;
	v13 =	vor.u32 v13, v19;
	v19 =	vmax.f32 v20, v29;
	v23 =	vld.idx.msk [tilespmem:v25+s13+$0x0], $0xffff  }
0x47: {  	vm1 =	vgt.f32 v12, v28;
	v13 =	vadd.s32 v0, v13;
	v26 =	vmax.f32 v19, v31;
	v25 =	vld.idx.msk [tilespmem:v25+s4+$0x0], $0xffff  }
0x48: {  	v9 =	vsel vm1, v10, v9;
	vm1 =	vgt.f32 v17, v30;
	v10 =	vmax.f32 v16, v11;
	v27 =	vld.idx.msk [tilespmem:v14+s4+$0x0], $0xffff  }
0x49: {  	v12 =	vor.u32 v18, v21;
	v9 =	vsel vm1, v24, v9;
	vm1 =	vgt.f32 v29, v20;
	v14 =	vld.idx.msk [tilespmem:v14+s13+$0x0], $0xffff  }
0x4a: {  	v12 =	vadd.s32 v0, v12;
	v9 =	vsel vm1, v11, v9;
	vm1 =	vgt.f32 v31, v19  }
0x4b: {  	v17 =	vadd.s32 $0x6, v6;
	v11 =	vadd.s32 $0x5, v6;
	v18 =	vsel vm1, v22, v9;
	v16 =	vld.idx.msk [tilespmem:v15+s13+$0x0], $0xffff  }
0x4c: {  	v10 =	vmax.f32 v10, v22;
	vm1 =	vgt.f32 v23, v26;
	v19 =	vmax.f32 v26, v23;
	v15 =	vld.idx.msk [tilespmem:v15+s4+$0x0], $0xffff  }
0x4d: {  	v20 =	vand.u32 $0x7F, v11;
	v21 =	vshll.u32 v11, $0x3;
	v22 =	vshll.u32 v17, $0x3;
	v9 =	vld.idx.msk [tilespmem:v13+s4+$0x0], $0xffff  }
0x4e: {  	v18 =	vsel vm1, v25, v18;
	v11 =	vld.idx.msk [tilespmem:v13+s13+$0x0], $0xffff;
	v13 =	vand.u32 $0xFFFFFC00, v21;
	v21 =	vand.u32 $0xFFFFFC00, v22  }
.Ltmp0:
0x4f: {  	v10 =	vmax.f32 v10, v25;
	vm1 =	vgt.f32 v14, v19;
	v14 =	vmax.f32 v19, v14;
	(pc) =	sbr.rel @p1 .LBB2_3-.Ltmp0, $4  }
0x50: {  	v17 =	vand.u32 $0x7F, v17;
	v10 =	vmax.f32 v10, v27;
	v18 =	vsel vm1, v27, v18  }
0x51: {  	v19 =	vor.u32 v20, v13;
	v20 =	vor.u32 v17, v21;
	vm1 =	vgt.f32 v16, v14  }
0x52: {  	v14 =	vmax.f32 v14, v16;
	v13 =	vsel vm1, v15, v18;
	v10 =	vmax.f32 v10, v15  }
0x53: {  	v17 =	vadd.s32 v0, v19;
	v15 =	vadd.s32 v0, v20;
	v16 =	vmax.f32 v10, v9;
	v10 =	vld.idx.msk [tilespmem:v12+s4+$0x0], $0xffff  }
0x54: {  	_ =	sdelay $0x2  }
0x55: {  	v18 =	vshll.u32 v8, $0x3  }
0x56: {  	v8 =	vand.u32 $0x7F, v8;
	v6 =	vadd.s32 $0x8, v6;
	v12 =	vld.idx.msk [tilespmem:v12+s13+$0x0], $0xffff;
	v18 =	vand.u32 $0xFFFFFC00, v18  }
0x57: {  	v19 =	vshll.u32 v6, $0x3;
	v8 =	vor.u32 v8, v18;
	v18 =	vld.idx.msk [tilespmem:v17+s4+$0x0], $0xffff  }
0x58: {  	v6 =	vand.u32 $0x7F, v6;
	v17 =	vld.idx.msk [tilespmem:v17+s13+$0x0], $0xffff;
	v19 =	vand.u32 $0xFFFFFC00, v19;
	v8 =	vadd.s32 v0, v8  }
0x59: {  	v20 =	vld.idx.msk [tilespmem:v15+s13+$0x0], $0xffff;
	v6 =	vor.u32 v6, v19  }
0x5a: {  	v6 =	vadd.s32 v0, v6  }
0x5b: {  	v21 =	vmax.f32 v14, v11;
	v15 =	vld.idx.msk [tilespmem:v15+s4+$0x0], $0xffff;
	vm1 =	vgt.f32 v11, v14  }
0x5c: {  	v9 =	vsel vm1, v9, v13;
	v22 =	vmax.f32 v21, v12;
	vm1 =	vgt.f32 v12, v21  }
0x5d: {  	v16 =	vmax.f32 v16, v10;
	v9 =	vsel vm1, v10, v9;
	v14 =	vmax.f32 v22, v17;
	v19 =	vld.idx.msk [tilespmem:v8+s13+$0x0], $0xffff  }
0x5e: {  	v11 =	vmax.f32 v16, v18;
	vm1 =	vgt.f32 v17, v22;
	v8 =	vld.idx.msk [tilespmem:v8+s4+$0x0], $0xffff;
	v13 =	vmax.f32 v14, v20  }
0x5f: {  	v9 =	vsel vm1, v18, v9;
	vm1 =	vgt.f32 v20, v14;
	v14 =	vadd.s32 $0x9, v7;
	v10 =	vld.idx.msk [tilespmem:v6+s13+$0x0], $0xffff  }
0x60: {  	v7 =	vmax.f32 v11, v15;
	v11 =	vld.idx.msk [tilespmem:v6+s4+$0x0], $0xffff;
	v6 =	vshll.u32 v14, $0x3  }
0x61: {  	v9 =	vsel vm1, v15, v9;
	v6 =	vand.u32 $0xFFFFFC00, v6  }
0x62: {  	v12 =	vmax.f32 v13, v19;
	vm1 =	vgt.f32 v19, v13;
	v13 =	vand.u32 $0x7F, v14  }
0x63: {  	v9 =	vsel vm1, v8, v9;
	v8 =	vmax.f32 v7, v8;
	v6 =	vor.u32 v13, v6  }
0x64: {  	vm1 =	vgt.f32 v10, v12;
	v13 =	vadd.s32 $0x1, v14;
	v7 =	vmax.f32 v12, v10  }
0x65: {  	v10 =	vadd.s32 $0xFFFFFEC8, v14;
	v15 =	vadd.s32 v0, v6;
	vm2 =	vgt.s32 v13, $0x138  }
0x66: {  	v12 =	vimm.f32 $-Inf;
	v14 =	vmax.f32 v8, v11;
	v8 =	vsel vm2, v10, v13  }
0x67: {  	v6 =	vsel vm1, v11, v9;
	vm1 =	vmmov vm0;
	v9 =	vshll.u32 v8, $0x3  }
0x68: {  	v13 =	vimm.f32 $0.0e+00;
	v10 =	vand.u32 $0x7F, v8;
	v11 =	vand.u32 $0xFFFFFC00, v9  }
0x69: {  	vm2 =	vmor vm0, vm2;
	v16 =	vadd.s32 $0x1, v8;
	v10 =	vor.u32 v10, v11  }
0x6a: {  	v8 =	vadd.s32 $0xFFFFFEC8, v8;
	vm4 =	vgt.s32 v16, $0x138;
	v9 =	vld.idx.msk [tilespmem:v15+s13+$0x0], $0xffff;
	v10 =	vadd.s32 v0, v10  }
0x6b: {  	vm1 =	vmmov vm1;
	vm3 =	vmmov vm2;
	v8 =	vsel vm4, v8, v16;
	v11 =	vld.idx.msk [tilespmem:v15+s4+$0x0], $0xffff  }
0x6c: {  	vm2 =	vmor vm2, vm4;
	vm4 =	vmmov vm1;
	v15 =	vshll.u32 v8, $0x3  }
0x6d: {  	v17 =	vadd.s32 $0x1, v8;
	v16 =	vand.u32 $0x7F, v8;
	v15 =	vand.u32 $0xFFFFFC00, v15  }
0x6e: {  	v18 =	vadd.s32 $0xFFFFFEC8, v8;
	vm5 =	vgt.s32 v17, $0x138;
	v19 =	vor.u32 v16, v15  }
0x6f: {  	v15 =	vimm.f32 $-Inf;
	v16 =	vimm.f32 $0.0e+00;
	vm7 =	vgt.f32 v9, v12;
	v8 =	vld.idx.msk [tilespmem:v10+s13+$0x0], $0xffff  }
0x70: {  	s25 =	simm.s32 $0xD;
	vm6 =	vgt.f32 v9, v7;
	v10 =	vld.idx.msk [tilespmem:v10+s4+$0x0], $0xffff;
	v14 =	vmax.f32 v14, v11;
	vm7 =	vmand vm4, vm7  }
.LBB2_5:
0x71: {  	v20 =	vadd.s32 v0, v19;
	v19 =	vsel vm5, v18, v17  }
0x72: {  	p1 =	sne.s32 s25, $0x1;
	s25 =	sadd.s32 $0xFFFFFFFF, s25;
	vm6 =	vmneg vm6;
	vm8 =	vmmov vm3;
	vm3 =	vmmov vm2  }
0x73: {  	v15 =	vsel vm7, v9, v15;
	v16 =	vsel vm7, v11, v16;
	vm4 =	vmor vm4, vm6  }
.Ltmp1:
0x74: {  	vm2 =	vmor vm2, vm5;
	v7 =	vsel vm4, v7, v9;
	v6 =	vsel vm4, v6, v11;
	(pc) =	sbr.rel @p1 .LBB2_5-.Ltmp1, $4  }
0x75: {  	v17 =	vadd.s32 $0x1, v19;
	v18 =	vadd.s32 $0xFFFFFEC8, v19;
	vm4 =	vmmov vm8  }
0x76: {  	v22 =	vshll.u32 v19, $0x3;
	vm5 =	vgt.s32 v17, $0x138;
	vm6 =	vgt.f32 v8, v7;
	v9 =	vmovc v8  }
0x77: {  	v19 =	vand.u32 $0x7F, v19;
	v21 =	vand.u32 $0xFFFFFC00, v22;
	vm7 =	vgt.f32 v9, v15;
	v11 =	vmovc v10;
	v8 =	vld.idx.msk [tilespmem:v20+s13+$0x0], $0xffff  }
0x78: {  	v19 =	vor.u32 v19, v21;
	vm7 =	vmand vm4, vm7;
	v14 =	vmax.f32 v14, v11;
	v10 =	vld.idx.msk [tilespmem:v20+s4+$0x0], $0xffff  }
0x79: {  	v17 =	vadd.s32 v0, v19  }
0x7a: {  	vm5 =	vmneg vm6  }
0x7b: {  	vm3 =	vmmov vm3;
	vm2 =	vmmov vm2;
	v15 =	vsel vm7, v9, v15  }
0x7c: {  	v16 =	vsel vm7, v11, v16;
	vm4 =	vmor vm4, vm5;
	vm3 =	vmmov vm3  }
0x7d: {  	vm2 =	vmmov vm2;
	v7 =	vsel vm4, v7, v9;
	v6 =	vsel vm4, v6, v11  }
0x7e: {  	vm2 =	vmmov vm2;
	v11 =	vlaneseq.u32;
	vm14 =	vgt.f32 v8, v7;
	v9 =	vld.idx.msk [tilespmem:v17+s13+$0x0], $0xffff  }
0x7f: {  	vm13 =	vgt.f32 v8, v15;
	v21 =	vadd.s32 $0x3, v11;
	vm4 =	vmneg vm14;
	v17 =	vld.idx.msk [tilespmem:v17+s4+$0x0], $0xffff  }
0x80: {  	vm5 =	vmand vm3, vm13;
	v14 =	vmax.f32 v14, v10;
	vm3 =	vmor vm3, vm4  }
0x81: {  	v15 =	vsel vm5, v8, v15;
	v19 =	vsel vm3, v6, v10;
	v6 =	vshll.u32 v11, $0x3  }
0x82: {  	v18 =	vsel vm3, v7, v8;
	v7 =	vand.u32 $0x7F, v11;
	v6 =	vand.u32 $0xFFFFFC00, v6  }
0x83: {  	v16 =	vsel vm5, v10, v16;
	v10 =	vadd.s32 $0x1, v11;
	v7 =	vor.u32 v7, v6  }
0x84: {  	vm3 =	vgt.f32 v9, v18;
	vm15 =	vgt.f32 v9, v15;
	v8 =	vmax.f32 v14, v17  }
0x85: {  	v14 =	vshll.u32 v10, $0x3;
	v10 =	vand.u32 $0x7F, v10;
	vm4 =	vmand vm2, vm15  }
0x86: {  	v14 =	vand.u32 $0xFFFFFC00, v14;
	v6 =	vsel vm4, v9, v15;
	v15 =	vadd.s32 v1, v7  }
0x87: {  	vm3 =	vmneg vm3;
	v7 =	vadd.s32 $0x2, v11;
	v10 =	vor.u32 v10, v14  }
0x88: {  	vm2 =	vmor vm2, vm3;
	v20 =	vshll.u32 v7, $0x3;
	v22 =	vadd.s32 v1, v10  }
0x89: {  	v14 =	vadd.s32 $0x4, v11;
	v7 =	vand.u32 $0x7F, v7;
	v10 =	vand.u32 $0xFFFFFC00, v20  }
0x8a: {  	v20 =	vand.u32 $0x7F, v21;
	v7 =	vor.u32 v7, v10;
	v10 =	vshll.u32 v21, $0x3  }
0x8b: {  	v10 =	vand.u32 $0xFFFFFC00, v10;
	v23 =	vadd.s32 v1, v7;
	v7 =	vsel vm4, v17, v16;
	v21 =	vld.idx.msk [tilespmem:v15+s13+$0x0], $0xffff  }
0x8c: {  	v16 =	vshll.u32 v14, $0x3;
	v14 =	vand.u32 $0x7F, v14;
	v10 =	vor.u32 v20, v10;
	v20 =	vld.idx.msk [tilespmem:v15+s4+$0x0], $0xffff  }
0x8d: {  	v16 =	vand.u32 $0xFFFFFC00, v16;
	v24 =	vadd.s32 v1, v10;
	v10 =	vsel vm2, v18, v9;
	v18 =	vld.idx.msk [tilespmem:v22+s13+$0x0], $0xffff  }
0x8e: {  	v9 =	vsel vm2, v19, v17;
	v15 =	vor.u32 v14, v16;
	v16 =	vld.idx.msk [tilespmem:v22+s4+$0x0], $0xffff  }
0x8f: {  	v22 =	vadd.s32 $0x6, v11;
	v17 =	vadd.s32 v1, v15;
	v15 =	vadd.s32 $0x5, v11  }
0x90: {  	v14 =	vadd.s32 $0x7, v11;
	v27 =	vshll.u32 v22, $0x3;
	v26 =	vshll.u32 v15, $0x3;
	v19 =	vld.idx.msk [tilespmem:v23+s13+$0x0], $0xffff  }
0x91: {  	v25 =	vand.u32 $0x7F, v15;
	v27 =	vand.u32 $0xFFFFFC00, v27;
	v23 =	vld.idx.msk [tilespmem:v23+s4+$0x0], $0xffff;
	v26 =	vand.u32 $0xFFFFFC00, v26  }
0x92: {  	vm2 =	vgt.f32 v21, v12;
	v21 =	vmax.f32 v12, v21;
	v12 =	vmax.f32 v12, v20;
	v15 =	vld.idx.msk [tilespmem:v24+s4+$0x0], $0xffff  }
0x93: {  	v13 =	vsel vm2, v20, v13;
	vm2 =	vgt.f32 v18, v21;
	v12 =	vmax.f32 v12, v16  }
0x94: {  	v20 =	vor.u32 v25, v26;
	v13 =	vsel vm2, v16, v13;
	v16 =	vand.u32 $0x7F, v22  }
0x95: {  	v18 =	vmax.f32 v21, v18;
	v22 =	vadd.s32 v1, v20;
	v63 =	vor.u32 v16, v27  }
0x96: {  	v16 =	vld.idx.msk [tilespmem:v24+s13+$0x0], $0xffff;
	vm2 =	vgt.f32 v19, v18;
	v19 =	vmax.f32 v18, v19;
	v12 =	vmax.f32 v12, v23  }
0x97: {  	s25 =	simm.s32 $0x0;
	v20 =	vadd.s32 v1, v63;
	v18 =	vsel vm2, v23, v13;
	v13 =	vld.idx.msk [tilespmem:v17+s4+$0x0], $0xffff;
	v21 =	vmax.f32 v12, v15  }
.LBB2_7:
0x98: {  	v12 =	vmov v11  }
0x99: {  	s25 =	sadd.s32 $0x8, s25;
	v23 =	vshll.u32 v14, $0x3;
	v11 =	vadd.s32 $0x8, v11  }
0x9a: {  	v14 =	vand.u32 $0x7F, v14;
	v24 =	vadd.s32 $0x2, v11;
	p1 =	slt.u32 s25, $0x120;
	v23 =	vand.u32 $0xFFFFFC00, v23  }
0x9b: {  	v26 =	vadd.s32 $0x4, v11;
	v25 =	vshll.u32 v24, $0x3;
	v14 =	vor.u32 v14, v23;
	v17 =	vld.idx.msk [tilespmem:v17+s13+$0x0], $0xffff  }
0x9c: {  	v23 =	vand.u32 $0x7F, v26;
	v26 =	vshll.u32 v26, $0x3;
	v27 =	vadd.s32 v1, v14  }
0x9d: {  	v28 =	vadd.s32 $0x3, v11;
	v14 =	vand.u32 $0x7F, v11;
	v26 =	vand.u32 $0xFFFFFC00, v26;
	v29 =	vld.idx.msk [tilespmem:v22+s4+$0x0], $0xffff  }
0x9e: {  	v30 =	vshll.u32 v11, $0x3;
	v31 =	vadd.s32 $0x1, v11;
	v21 =	vmax.f32 v21, v13  }
0x9f: {  	v33 =	vmax.f32 v19, v16;
	v30 =	vand.u32 $0xFFFFFC00, v30;
	v32 =	vshll.u32 v31, $0x3;
	v22 =	vld.idx.msk [tilespmem:v22+s13+$0x0], $0xffff  }
0xa0: {  	v32 =	vand.u32 $0xFFFFFC00, v32;
	v30 =	vor.u32 v14, v30;
	v14 =	vadd.s32 $0x7, v11;
	v34 =	vld.idx.msk [tilespmem:v20+s13+$0x0], $0xffff  }
0xa1: {  	v31 =	vand.u32 $0x7F, v31;
	v30 =	vadd.s32 v1, v30;
	v35 =	vmax.f32 v33, v17;
	v36 =	vld.idx.msk [tilespmem:v27+s13+$0x0], $0xffff  }
0xa2: {  	vm2 =	vgt.f32 v16, v19;
	v24 =	vand.u32 $0x7F, v24;
	v31 =	vor.u32 v31, v32;
	v16 =	vld.idx.msk [tilespmem:v20+s4+$0x0], $0xffff  }
0xa3: {  	v19 =	vadd.s32 v1, v31;
	v20 =	vand.u32 $0xFFFFFC00, v25;
	v21 =	vmax.f32 v21, v29  }
0xa4: {  	v15 =	vsel vm2, v15, v18;
	v20 =	vor.u32 v24, v20;
	v24 =	vshll.u32 v28, $0x3  }
0xa5: {  	v18 =	vand.u32 $0x7F, v28;
	v24 =	vand.u32 $0xFFFFFC00, v24;
	v25 =	vmax.f32 v35, v22;
	v27 =	vld.idx.msk [tilespmem:v27+s4+$0x0], $0xffff  }
0xa6: {  	v20 =	vadd.s32 v1, v20;
	v18 =	vor.u32 v18, v24;
	v24 =	vmax.f32 v25, v34;
	v28 =	vld.idx.msk [tilespmem:v30+s13+$0x0], $0xffff  }
0xa7: {  	vm2 =	vgt.f32 v17, v33;
	v18 =	vadd.s32 v1, v18;
	v31 =	vmax.f32 v24, v36;
	v30 =	vld.idx.msk [tilespmem:v30+s4+$0x0], $0xffff  }
0xa8: {  	v13 =	vsel vm2, v13, v15;
	vm2 =	vgt.f32 v22, v35;
	v15 =	vmax.f32 v21, v16;
	v32 =	vld.idx.msk [tilespmem:v19+s4+$0x0], $0xffff  }
0xa9: {  	v17 =	vor.u32 v23, v26;
	v13 =	vsel vm2, v29, v13;
	vm2 =	vgt.f32 v34, v25;
	v19 =	vld.idx.msk [tilespmem:v19+s13+$0x0], $0xffff  }
0xaa: {  	v17 =	vadd.s32 v1, v17;
	v13 =	vsel vm2, v16, v13;
	vm2 =	vgt.f32 v36, v24  }
0xab: {  	v22 =	vadd.s32 $0x6, v11;
	v16 =	vadd.s32 $0x5, v11;
	v13 =	vsel vm2, v27, v13;
	v21 =	vld.idx.msk [tilespmem:v20+s13+$0x0], $0xffff  }
0xac: {  	v24 =	vmax.f32 v15, v27;
	vm2 =	vgt.f32 v28, v31;
	v23 =	vmax.f32 v31, v28;
	v20 =	vld.idx.msk [tilespmem:v20+s4+$0x0], $0xffff  }
0xad: {  	v25 =	vand.u32 $0x7F, v16;
	v26 =	vshll.u32 v16, $0x3;
	v27 =	vshll.u32 v22, $0x3;
	v15 =	vld.idx.msk [tilespmem:v18+s4+$0x0], $0xffff  }
0xae: {  	v13 =	vsel vm2, v30, v13;
	v16 =	vld.idx.msk [tilespmem:v18+s13+$0x0], $0xffff;
	v18 =	vand.u32 $0xFFFFFC00, v26;
	v26 =	vand.u32 $0xFFFFFC00, v27  }
.Ltmp2:
0xaf: {  	v24 =	vmax.f32 v24, v30;
	vm2 =	vgt.f32 v19, v23;
	v19 =	vmax.f32 v23, v19;
	(pc) =	sbr.rel @p1 .LBB2_7-.Ltmp2, $4  }
0xb0: {  	v22 =	vand.u32 $0x7F, v22;
	v23 =	vmax.f32 v24, v32;
	v13 =	vsel vm2, v32, v13  }
0xb1: {  	v24 =	vor.u32 v25, v18;
	v25 =	vor.u32 v22, v26;
	vm2 =	vgt.f32 v21, v19  }
0xb2: {  	v19 =	vmax.f32 v19, v21;
	v18 =	vsel vm2, v20, v13;
	v13 =	vmax.f32 v23, v20  }
0xb3: {  	v22 =	vadd.s32 v1, v24;
	v20 =	vadd.s32 v1, v25;
	v21 =	vmax.f32 v13, v15;
	v13 =	vld.idx.msk [tilespmem:v17+s4+$0x0], $0xffff  }
0xb4: {  	_ =	sdelay $0x1  }
0xb5: {  	v23 =	vshll.u32 v14, $0x3  }
0xb6: {  	v14 =	vand.u32 $0x7F, v14;
	v23 =	vand.u32 $0xFFFFFC00, v23  }
0xb7: {  	v17 =	vld.idx.msk [tilespmem:v17+s13+$0x0], $0xffff;
	v11 =	vadd.s32 $0x8, v11;
	v14 =	vor.u32 v14, v23  }
0xb8: {  	v24 =	vld.idx.msk [tilespmem:v20+s13+$0x0], $0xffff;
	v25 =	vshll.u32 v11, $0x3;
	v14 =	vadd.s32 v1, v14  }
0xb9: {  	v11 =	vand.u32 $0x7F, v11;
	v23 =	vld.idx.msk [tilespmem:v22+s4+$0x0], $0xffff;
	v25 =	vand.u32 $0xFFFFFC00, v25  }
0xba: {  	v22 =	vld.idx.msk [tilespmem:v22+s13+$0x0], $0xffff;
	v11 =	vor.u32 v11, v25  }
0xbb: {  	v20 =	vld.idx.msk [tilespmem:v20+s4+$0x0], $0xffff;
	vm2 =	vgt.f32 v16, v19;
	v12 =	vadd.s32 $0x9, v12;
	v11 =	vadd.s32 v1, v11  }
0xbc: {  	v27 =	vmax.f32 v19, v16;
	v15 =	vsel vm2, v15, v18;
	v18 =	vshll.u32 v12, $0x3  }
0xbd: {  	v18 =	vand.u32 $0xFFFFFC00, v18;
	vm2 =	vgt.f32 v17, v27;
	v26 =	vld.idx.msk [tilespmem:v14+s13+$0x0], $0xffff  }
0xbe: {  	v21 =	vmax.f32 v21, v13;
	v25 =	vmax.f32 v27, v17;
	v13 =	vsel vm2, v13, v15  }
0xbf: {  	v28 =	vmax.f32 v25, v22;
	v16 =	vmax.f32 v21, v23;
	vm2 =	vgt.f32 v22, v25;
	v14 =	vld.idx.msk [tilespmem:v14+s4+$0x0], $0xffff  }
0xc0: {  	v15 =	vmax.f32 v16, v20;
	v13 =	vsel vm2, v23, v13;
	vm2 =	vgt.f32 v24, v28;
	v16 =	vld.idx.msk [tilespmem:v11+s13+$0x0], $0xffff  }
0xc1: {  	v19 =	vmax.f32 v28, v24;
	v21 =	vld.idx.msk [tilespmem:v11+s4+$0x0], $0xffff;
	v11 =	vand.u32 $0x7F, v12;
	v13 =	vsel vm2, v20, v13  }
0xc2: {  	v11 =	vor.u32 v11, v18;
	v18 =	vadd.s32 $0x1, v12;
	v17 =	vmax.f32 v19, v26  }
0xc3: {  	vm2 =	vgt.f32 v26, v19;
	v19 =	vadd.s32 v1, v11;
	v11 =	vadd.s32 $0xFFFFFEC8, v12  }
0xc4: {  	v13 =	vsel vm2, v14, v13;
	v14 =	vmax.f32 v15, v14;
	vm2 =	vgt.s32 v18, $0x138  }
0xc5: {  	vm3 =	vgt.f32 v16, v17;
	v12 =	vmax.f32 v17, v16;
	v15 =	vsel vm2, v11, v18  }
0xc6: {  	v17 =	vimm.f32 $-Inf;
	v11 =	vsel vm3, v21, v13;
	v13 =	vshll.u32 v15, $0x3  }
0xc7: {  	v16 =	vmax.f32 v14, v21;
	v18 =	vand.u32 $0x7F, v15;
	v13 =	vand.u32 $0xFFFFFC00, v13  }
0xc8: {  	vm2 =	vmor vm0, vm2;
	v20 =	vadd.s32 $0x1, v15;
	v13 =	vor.u32 v18, v13  }
0xc9: {  	v15 =	vadd.s32 $0xFFFFFEC8, v15;
	vm4 =	vgt.s32 v20, $0x138;
	v14 =	vld.idx.msk [tilespmem:v19+s13+$0x0], $0xffff;
	v21 =	vadd.s32 v1, v13  }
0xca: {  	vm3 =	vmmov vm2;
	v18 =	vimm.f32 $0.0e+00;
	v19 =	vld.idx.msk [tilespmem:v19+s4+$0x0], $0xffff;
	v13 =	vsel vm4, v15, v20  }
0xcb: {  	vm2 =	vmor vm2, vm4;
	vm4 =	vmmov vm1;
	v15 =	vshll.u32 v13, $0x3  }
0xcc: {  	v22 =	vadd.s32 $0x1, v13;
	v20 =	vand.u32 $0x7F, v13;
	v15 =	vand.u32 $0xFFFFFC00, v15  }
0xcd: {  	v23 =	vadd.s32 $0xFFFFFEC8, v13;
	vm5 =	vgt.s32 v22, $0x138;
	v24 =	vor.u32 v20, v15  }
0xce: {  	v20 =	vimm.f32 $-Inf;
	vm7 =	vgt.f32 v14, v17;
	vm6 =	vgt.f32 v14, v12;
	v13 =	vld.idx.msk [tilespmem:v21+s13+$0x0], $0xffff  }
0xcf: {  	s25 =	simm.s32 $0xD;
	v16 =	vmax.f32 v16, v19;
	vm7 =	vmand vm4, vm7;
	v15 =	vld.idx.msk [tilespmem:v21+s4+$0x0], $0xffff;
	v21 =	vimm.f32 $0.0e+00  }
.LBB2_9:
0xd0: {  	v25 =	vadd.s32 v1, v24;
	v24 =	vsel vm5, v23, v22  }
0xd1: {  	p1 =	sne.s32 s25, $0x1;
	s25 =	sadd.s32 $0xFFFFFFFF, s25;
	vm6 =	vmneg vm6;
	vm8 =	vmmov vm3;
	vm3 =	vmmov vm2  }
0xd2: {  	v20 =	vsel vm7, v14, v20;
	v21 =	vsel vm7, v19, v21;
	vm4 =	vmor vm4, vm6  }
.Ltmp3:
0xd3: {  	vm2 =	vmor vm2, vm5;
	v12 =	vsel vm4, v12, v14;
	v11 =	vsel vm4, v11, v19;
	(pc) =	sbr.rel @p1 .LBB2_9-.Ltmp3, $4  }
0xd4: {  	v22 =	vadd.s32 $0x1, v24;
	v23 =	vadd.s32 $0xFFFFFEC8, v24;
	vm4 =	vmmov vm8  }
0xd5: {  	v27 =	vshll.u32 v24, $0x3;
	vm5 =	vgt.s32 v22, $0x138;
	vm6 =	vgt.f32 v13, v12;
	v14 =	vmovc v13  }
0xd6: {  	v24 =	vand.u32 $0x7F, v24;
	v26 =	vand.u32 $0xFFFFFC00, v27;
	vm7 =	vgt.f32 v14, v20;
	v19 =	vmovc v15;
	v13 =	vld.idx.msk [tilespmem:v25+s13+$0x0], $0xffff  }
0xd7: {  	v24 =	vor.u32 v24, v26;
	vm7 =	vmand vm4, vm7;
	v16 =	vmax.f32 v16, v19;
	v15 =	vld.idx.msk [tilespmem:v25+s4+$0x0], $0xffff  }
0xd8: {  	v22 =	vadd.s32 v1, v24  }
0xd9: {  	vm5 =	vmneg vm6;
	vm3 =	vmmov vm3;
	vm2 =	vmmov vm2  }
0xda: {  	v20 =	vsel vm7, v14, v20;
	v21 =	vsel vm7, v19, v21;
	vm4 =	vmor vm4, vm5  }
0xdb: {  	vm3 =	vmmov vm3;
	vm2 =	vmmov vm2;
	v12 =	vsel vm4, v12, v14  }
0xdc: {  	v11 =	vsel vm4, v11, v19;
	vm13 =	vgt.f32 v13, v20;
	vm14 =	vgt.f32 v13, v12  }
0xdd: {  	vm2 =	vmmov vm2;
	vm5 =	vmand vm3, vm13;
	vm4 =	vmneg vm14;
	v14 =	vld.idx.msk [tilespmem:v22+s13+$0x0], $0xffff  }
0xde: {  	v19 =	vld.idx.msk [tilespmem:v22+s4+$0x0], $0xffff;
	v22 =	vmax.f32 v16, v15;
	vm3 =	vmor vm3, vm4;
	v20 =	vsel vm5, v13, v20  }
0xdf: {  	v21 =	vsel vm5, v15, v21;
	v16 =	vlaneseq.u32;
	v23 =	vsel vm3, v12, v13  }
0xe0: {  	v24 =	vsel vm3, v11, v15;
	v11 =	vshll.u32 v16, $0x3;
	v12 =	vand.u32 $0x7F, v16  }
0xe1: {  	v15 =	vadd.s32 $0x1, v16;
	v26 =	vadd.s32 $0x3, v16;
	v11 =	vand.u32 $0xFFFFFC00, v11  }
0xe2: {  	v12 =	vor.u32 v12, v11;
	vm3 =	vgt.f32 v14, v23;
	vm15 =	vgt.f32 v14, v20  }
0xe3: {  	v13 =	vmax.f32 v22, v19;
	v22 =	vadd.s32 v2, v12;
	vm4 =	vmand vm2, vm15  }
0xe4: {  	v12 =	vadd.s32 $0x2, v16;
	v11 =	vsel vm4, v14, v20;
	v20 =	vshll.u32 v15, $0x3  }
0xe5: {  	vm3 =	vmneg vm3;
	v15 =	vand.u32 $0x7F, v15;
	v20 =	vand.u32 $0xFFFFFC00, v20  }
0xe6: {  	v25 =	vshll.u32 v12, $0x3;
	v12 =	vand.u32 $0x7F, v12;
	v15 =	vor.u32 v15, v20  }
0xe7: {  	vm2 =	vmor vm2, vm3;
	v20 =	vadd.s32 v2, v15;
	v15 =	vand.u32 $0xFFFFFC00, v25  }
0xe8: {  	v25 =	vadd.s32 $0x4, v16;
	v12 =	vor.u32 v12, v15;
	v15 =	vshll.u32 v26, $0x3  }
0xe9: {  	v27 =	vld.idx.msk [tilespmem:v22+s13+$0x0], $0xffff;
	v26 =	vand.u32 $0x7F, v26;
	v15 =	vand.u32 $0xFFFFFC00, v15;
	v28 =	vadd.s32 v2, v12  }
0xea: {  	v12 =	vsel vm4, v19, v21;
	v21 =	vshll.u32 v25, $0x3;
	v15 =	vor.u32 v26, v15  }
0xeb: {  	v25 =	vand.u32 $0x7F, v25;
	v21 =	vand.u32 $0xFFFFFC00, v21;
	v26 =	vld.idx.msk [tilespmem:v22+s4+$0x0], $0xffff;
	v29 =	vadd.s32 v2, v15  }
0xec: {  	v15 =	vsel vm2, v23, v14;
	v14 =	vsel vm2, v24, v19;
	v21 =	vor.u32 v25, v21;
	v23 =	vld.idx.msk [tilespmem:v20+s13+$0x0], $0xffff  }
0xed: {  	v19 =	vadd.s32 $0x7, v16;
	v24 =	vld.idx.msk [tilespmem:v20+s4+$0x0], $0xffff;
	v22 =	vadd.s32 v2, v21;
	v20 =	vadd.s32 $0x5, v16  }
0xee: {  	v21 =	vadd.s32 $0x6, v16;
	vm2 =	vgt.f32 v27, v17;
	v27 =	vmax.f32 v17, v27;
	v25 =	vld.idx.msk [tilespmem:v28+s13+$0x0], $0xffff  }
0xef: {  	v30 =	vand.u32 $0x7F, v20;
	v31 =	vshll.u32 v20, $0x3;
	v32 =	vshll.u32 v21, $0x3;
	v28 =	vld.idx.msk [tilespmem:v28+s4+$0x0], $0xffff  }
0xf0: {  	v21 =	vand.u32 $0x7F, v21;
	v31 =	vand.u32 $0xFFFFFC00, v31;
	v32 =	vand.u32 $0xFFFFFC00, v32;
	v20 =	vld.idx.msk [tilespmem:v29+s4+$0x0], $0xffff  }
0xf1: {  	v18 =	vsel vm2, v26, v18;
	v17 =	vmax.f32 v17, v26;
	v63 =	vor.u32 v21, v32  }
0xf2: {  	vm2 =	vgt.f32 v23, v27;
	v23 =	vmax.f32 v27, v23;
	v27 =	vor.u32 v30, v31  }
0xf3: {  	v17 =	vmax.f32 v17, v24;
	v18 =	vsel vm2, v24, v18;
	v27 =	vadd.s32 v2, v27  }
0xf4: {  	v21 =	vld.idx.msk [tilespmem:v29+s13+$0x0], $0xffff;
	vm2 =	vgt.f32 v25, v23;
	v24 =	vmax.f32 v23, v25;
	v17 =	vmax.f32 v17, v28  }
0xf5: {  	s25 =	simm.s32 $0x0;
	v25 =	vadd.s32 v2, v63;
	v23 =	vsel vm2, v28, v18;
	v18 =	vld.idx.msk [tilespmem:v22+s4+$0x0], $0xffff;
	v26 =	vmax.f32 v17, v20  }
.LBB2_11:
0xf6: {  	v17 =	vmov v16  }
0xf7: {  	s25 =	sadd.s32 $0x8, s25;
	v28 =	vshll.u32 v19, $0x3;
	v16 =	vadd.s32 $0x8, v16  }
0xf8: {  	v19 =	vand.u32 $0x7F, v19;
	v29 =	vadd.s32 $0x2, v16;
	p1 =	slt.u32 s25, $0x120;
	v28 =	vand.u32 $0xFFFFFC00, v28  }
0xf9: {  	v31 =	vadd.s32 $0x4, v16;
	v30 =	vshll.u32 v29, $0x3;
	v19 =	vor.u32 v19, v28;
	v22 =	vld.idx.msk [tilespmem:v22+s13+$0x0], $0xffff  }
0xfa: {  	v28 =	vand.u32 $0x7F, v31;
	v31 =	vshll.u32 v31, $0x3;
	v32 =	vadd.s32 v2, v19  }
0xfb: {  	v33 =	vadd.s32 $0x3, v16;
	v19 =	vand.u32 $0x7F, v16;
	v31 =	vand.u32 $0xFFFFFC00, v31;
	v34 =	vld.idx.msk [tilespmem:v27+s4+$0x0], $0xffff  }
0xfc: {  	v35 =	vshll.u32 v16, $0x3;
	v36 =	vadd.s32 $0x1, v16;
	v26 =	vmax.f32 v26, v18  }
0xfd: {  	v38 =	vmax.f32 v24, v21;
	v35 =	vand.u32 $0xFFFFFC00, v35;
	v37 =	vshll.u32 v36, $0x3;
	v27 =	vld.idx.msk [tilespmem:v27+s13+$0x0], $0xffff  }
0xfe: {  	v37 =	vand.u32 $0xFFFFFC00, v37;
	v35 =	vor.u32 v19, v35;
	v19 =	vadd.s32 $0x7, v16;
	v39 =	vld.idx.msk [tilespmem:v25+s13+$0x0], $0xffff  }
0xff: {  	v36 =	vand.u32 $0x7F, v36;
	v35 =	vadd.s32 v2, v35;
	v40 =	vmax.f32 v38, v22;
	v41 =	vld.idx.msk [tilespmem:v32+s13+$0x0], $0xffff  }
0x100: {  	vm2 =	vgt.f32 v21, v24;
	v29 =	vand.u32 $0x7F, v29;
	v36 =	vor.u32 v36, v37;
	v21 =	vld.idx.msk [tilespmem:v25+s4+$0x0], $0xffff  }
0x101: {  	v24 =	vadd.s32 v2, v36;
	v25 =	vand.u32 $0xFFFFFC00, v30;
	v26 =	vmax.f32 v26, v34  }
0x102: {  	v20 =	vsel vm2, v20, v23;
	v25 =	vor.u32 v29, v25;
	v29 =	vshll.u32 v33, $0x3  }
0x103: {  	v23 =	vand.u32 $0x7F, v33;
	v29 =	vand.u32 $0xFFFFFC00, v29;
	v30 =	vmax.f32 v40, v27;
	v32 =	vld.idx.msk [tilespmem:v32+s4+$0x0], $0xffff  }
0x104: {  	v25 =	vadd.s32 v2, v25;
	v23 =	vor.u32 v23, v29;
	v29 =	vmax.f32 v30, v39;
	v33 =	vld.idx.msk [tilespmem:v35+s13+$0x0], $0xffff  }
0x105: {  	vm2 =	vgt.f32 v22, v38;
	v23 =	vadd.s32 v2, v23;
	v36 =	vmax.f32 v29, v41;
	v35 =	vld.idx.msk [tilespmem:v35+s4+$0x0], $0xffff  }
0x106: {  	v18 =	vsel vm2, v18, v20;
	vm2 =	vgt.f32 v27, v40;
	v20 =	vmax.f32 v26, v21;
	v37 =	vld.idx.msk [tilespmem:v24+s4+$0x0], $0xffff  }
0x107: {  	v22 =	vor.u32 v28, v31;
	v18 =	vsel vm2, v34, v18;
	vm2 =	vgt.f32 v39, v30;
	v24 =	vld.idx.msk [tilespmem:v24+s13+$0x0], $0xffff  }
0x108: {  	v22 =	vadd.s32 v2, v22;
	v18 =	vsel vm2, v21, v18;
	vm2 =	vgt.f32 v41, v29  }
0x109: {  	v27 =	vadd.s32 $0x6, v16;
	v21 =	vadd.s32 $0x5, v16;
	v18 =	vsel vm2, v32, v18;
	v26 =	vld.idx.msk [tilespmem:v25+s13+$0x0], $0xffff  }
0x10a: {  	v29 =	vmax.f32 v20, v32;
	vm2 =	vgt.f32 v33, v36;
	v28 =	vmax.f32 v36, v33;
	v25 =	vld.idx.msk [tilespmem:v25+s4+$0x0], $0xffff  }
0x10b: {  	v30 =	vand.u32 $0x7F, v21;
	v31 =	vshll.u32 v21, $0x3;
	v32 =	vshll.u32 v27, $0x3;
	v20 =	vld.idx.msk [tilespmem:v23+s4+$0x0], $0xffff  }
0x10c: {  	v18 =	vsel vm2, v35, v18;
	v21 =	vld.idx.msk [tilespmem:v23+s13+$0x0], $0xffff;
	v23 =	vand.u32 $0xFFFFFC00, v31;
	v31 =	vand.u32 $0xFFFFFC00, v32  }
.Ltmp4:
0x10d: {  	v29 =	vmax.f32 v29, v35;
	vm2 =	vgt.f32 v24, v28;
	v24 =	vmax.f32 v28, v24;
	(pc) =	sbr.rel @p1 .LBB2_11-.Ltmp4, $4  }
0x10e: {  	v27 =	vand.u32 $0x7F, v27;
	v28 =	vmax.f32 v29, v37;
	v18 =	vsel vm2, v37, v18  }
0x10f: {  	v29 =	vor.u32 v30, v23;
	v30 =	vor.u32 v27, v31;
	vm2 =	vgt.f32 v26, v24  }
0x110: {  	v24 =	vmax.f32 v24, v26;
	v23 =	vsel vm2, v25, v18;
	v18 =	vmax.f32 v28, v25  }
0x111: {  	v27 =	vadd.s32 v2, v29;
	v25 =	vadd.s32 v2, v30;
	v26 =	vmax.f32 v18, v20;
	v18 =	vld.idx.msk [tilespmem:v22+s4+$0x0], $0xffff  }
0x112: {  	_ =	sdelay $0x1  }
0x113: {  	v28 =	vshll.u32 v19, $0x3  }
0x114: {  	v19 =	vand.u32 $0x7F, v19;
	v28 =	vand.u32 $0xFFFFFC00, v28  }
0x115: {  	v22 =	vld.idx.msk [tilespmem:v22+s13+$0x0], $0xffff;
	v16 =	vadd.s32 $0x8, v16;
	v19 =	vor.u32 v19, v28  }
0x116: {  	v29 =	vld.idx.msk [tilespmem:v25+s13+$0x0], $0xffff;
	v30 =	vshll.u32 v16, $0x3;
	v19 =	vadd.s32 v2, v19  }
0x117: {  	v16 =	vand.u32 $0x7F, v16;
	v28 =	vld.idx.msk [tilespmem:v27+s4+$0x0], $0xffff;
	v30 =	vand.u32 $0xFFFFFC00, v30  }
0x118: {  	v27 =	vld.idx.msk [tilespmem:v27+s13+$0x0], $0xffff;
	v16 =	vor.u32 v16, v30  }
0x119: {  	v25 =	vld.idx.msk [tilespmem:v25+s4+$0x0], $0xffff;
	vm2 =	vgt.f32 v21, v24;
	v17 =	vadd.s32 $0x9, v17;
	v16 =	vadd.s32 v2, v16  }
0x11a: {  	v32 =	vmax.f32 v24, v21;
	v20 =	vsel vm2, v20, v23;
	v23 =	vshll.u32 v17, $0x3  }
0x11b: {  	v23 =	vand.u32 $0xFFFFFC00, v23;
	vm2 =	vgt.f32 v22, v32;
	v31 =	vld.idx.msk [tilespmem:v19+s13+$0x0], $0xffff  }
0x11c: {  	v26 =	vmax.f32 v26, v18;
	v30 =	vmax.f32 v32, v22;
	v18 =	vsel vm2, v18, v20  }
0x11d: {  	v33 =	vmax.f32 v30, v27;
	v21 =	vmax.f32 v26, v28;
	vm2 =	vgt.f32 v27, v30;
	v19 =	vld.idx.msk [tilespmem:v19+s4+$0x0], $0xffff  }
0x11e: {  	v20 =	vmax.f32 v21, v25;
	v18 =	vsel vm2, v28, v18;
	vm2 =	vgt.f32 v29, v33;
	v21 =	vld.idx.msk [tilespmem:v16+s13+$0x0], $0xffff  }
0x11f: {  	v24 =	vmax.f32 v33, v29;
	v26 =	vld.idx.msk [tilespmem:v16+s4+$0x0], $0xffff;
	v16 =	vand.u32 $0x7F, v17;
	v18 =	vsel vm2, v25, v18  }
0x120: {  	v16 =	vor.u32 v16, v23;
	v23 =	vadd.s32 $0x1, v17;
	v22 =	vmax.f32 v24, v31  }
0x121: {  	vm2 =	vgt.f32 v31, v24;
	v24 =	vadd.s32 v2, v16;
	v16 =	vadd.s32 $0xFFFFFEC8, v17  }
0x122: {  	v18 =	vsel vm2, v19, v18;
	v19 =	vmax.f32 v20, v19;
	vm2 =	vgt.s32 v23, $0x138  }
0x123: {  	vm3 =	vgt.f32 v21, v22;
	v17 =	vmax.f32 v22, v21;
	v20 =	vsel vm2, v16, v23  }
0x124: {  	v22 =	vimm.f32 $-Inf;
	v16 =	vsel vm3, v26, v18;
	v18 =	vshll.u32 v20, $0x3  }
0x125: {  	v21 =	vmax.f32 v19, v26;
	v23 =	vand.u32 $0x7F, v20;
	v18 =	vand.u32 $0xFFFFFC00, v18  }
0x126: {  	vm2 =	vmor vm0, vm2;
	v25 =	vadd.s32 $0x1, v20;
	v18 =	vor.u32 v23, v18  }
0x127: {  	v20 =	vadd.s32 $0xFFFFFEC8, v20;
	vm4 =	vgt.s32 v25, $0x138;
	v19 =	vld.idx.msk [tilespmem:v24+s13+$0x0], $0xffff;
	v26 =	vadd.s32 v2, v18  }
0x128: {  	vm3 =	vmmov vm2;
	v23 =	vimm.f32 $0.0e+00;
	v24 =	vld.idx.msk [tilespmem:v24+s4+$0x0], $0xffff;
	v18 =	vsel vm4, v20, v25  }
0x129: {  	vm2 =	vmor vm2, vm4;
	vm4 =	vmmov vm1;
	v20 =	vshll.u32 v18, $0x3  }
0x12a: {  	v27 =	vadd.s32 $0x1, v18;
	v25 =	vand.u32 $0x7F, v18;
	v20 =	vand.u32 $0xFFFFFC00, v20  }
0x12b: {  	v28 =	vadd.s32 $0xFFFFFEC8, v18;
	vm5 =	vgt.s32 v27, $0x138;
	v29 =	vor.u32 v25, v20  }
0x12c: {  	v25 =	vimm.f32 $-Inf;
	vm7 =	vgt.f32 v19, v22;
	vm6 =	vgt.f32 v19, v17;
	v18 =	vld.idx.msk [tilespmem:v26+s13+$0x0], $0xffff  }
0x12d: {  	s25 =	simm.s32 $0xD;
	v21 =	vmax.f32 v21, v24;
	vm7 =	vmand vm4, vm7;
	v20 =	vld.idx.msk [tilespmem:v26+s4+$0x0], $0xffff;
	v26 =	vimm.f32 $0.0e+00  }
.LBB2_13:
0x12e: {  	v30 =	vadd.s32 v2, v29;
	v29 =	vsel vm5, v28, v27  }
0x12f: {  	p1 =	sne.s32 s25, $0x1;
	s25 =	sadd.s32 $0xFFFFFFFF, s25;
	vm6 =	vmneg vm6;
	vm8 =	vmmov vm3;
	vm3 =	vmmov vm2  }
0x130: {  	v25 =	vsel vm7, v19, v25;
	v26 =	vsel vm7, v24, v26;
	vm4 =	vmor vm4, vm6  }
.Ltmp5:
0x131: {  	vm2 =	vmor vm2, vm5;
	v17 =	vsel vm4, v17, v19;
	v16 =	vsel vm4, v16, v24;
	(pc) =	sbr.rel @p1 .LBB2_13-.Ltmp5, $4  }
0x132: {  	v27 =	vadd.s32 $0x1, v29;
	v28 =	vadd.s32 $0xFFFFFEC8, v29;
	vm4 =	vmmov vm8  }
0x133: {  	v32 =	vshll.u32 v29, $0x3;
	vm5 =	vgt.s32 v27, $0x138;
	vm6 =	vgt.f32 v18, v17;
	v19 =	vmovc v18  }
0x134: {  	v29 =	vand.u32 $0x7F, v29;
	v31 =	vand.u32 $0xFFFFFC00, v32;
	vm7 =	vgt.f32 v19, v25;
	v24 =	vmovc v20;
	v18 =	vld.idx.msk [tilespmem:v30+s13+$0x0], $0xffff  }
0x135: {  	v29 =	vor.u32 v29, v31;
	vm7 =	vmand vm4, vm7;
	v21 =	vmax.f32 v21, v24;
	v20 =	vld.idx.msk [tilespmem:v30+s4+$0x0], $0xffff  }
0x136: {  	v27 =	vadd.s32 v2, v29  }
0x137: {  	vm5 =	vmneg vm6;
	vm3 =	vmmov vm3;
	vm2 =	vmmov vm2  }
0x138: {  	v25 =	vsel vm7, v19, v25;
	v26 =	vsel vm7, v24, v26;
	vm4 =	vmor vm4, vm5  }
0x139: {  	vm3 =	vmmov vm3;
	vm2 =	vmmov vm2;
	v17 =	vsel vm4, v17, v19  }
0x13a: {  	v16 =	vsel vm4, v16, v24;
	vm13 =	vgt.f32 v18, v25;
	vm14 =	vgt.f32 v18, v17  }
0x13b: {  	vm2 =	vmmov vm2;
	vm5 =	vmand vm3, vm13;
	vm4 =	vmneg vm14;
	v19 =	vld.idx.msk [tilespmem:v27+s13+$0x0], $0xffff  }
0x13c: {  	v24 =	vld.idx.msk [tilespmem:v27+s4+$0x0], $0xffff;
	v27 =	vmax.f32 v21, v20;
	vm3 =	vmor vm3, vm4;
	v25 =	vsel vm5, v18, v25  }
0x13d: {  	v26 =	vsel vm5, v20, v26;
	v21 =	vlaneseq.u32;
	v28 =	vsel vm3, v17, v18  }
0x13e: {  	v29 =	vsel vm3, v16, v20;
	v16 =	vshll.u32 v21, $0x3;
	v17 =	vand.u32 $0x7F, v21  }
0x13f: {  	v20 =	vadd.s32 $0x1, v21;
	v31 =	vadd.s32 $0x3, v21;
	v16 =	vand.u32 $0xFFFFFC00, v16  }
0x140: {  	v17 =	vor.u32 v17, v16;
	vm3 =	vgt.f32 v19, v28;
	vm15 =	vgt.f32 v19, v25  }
0x141: {  	v18 =	vmax.f32 v27, v24;
	v27 =	vadd.s32 v3, v17;
	vm4 =	vmand vm2, vm15  }
0x142: {  	v17 =	vadd.s32 $0x2, v21;
	v16 =	vsel vm4, v19, v25;
	v25 =	vshll.u32 v20, $0x3  }
0x143: {  	vm3 =	vmneg vm3;
	v20 =	vand.u32 $0x7F, v20;
	v25 =	vand.u32 $0xFFFFFC00, v25  }
0x144: {  	v30 =	vshll.u32 v17, $0x3;
	v17 =	vand.u32 $0x7F, v17;
	v20 =	vor.u32 v20, v25  }
0x145: {  	vm2 =	vmor vm2, vm3;
	v25 =	vadd.s32 v3, v20;
	v20 =	vand.u32 $0xFFFFFC00, v30  }
0x146: {  	v30 =	vadd.s32 $0x4, v21;
	v17 =	vor.u32 v17, v20;
	v20 =	vshll.u32 v31, $0x3  }
0x147: {  	v32 =	vld.idx.msk [tilespmem:v27+s13+$0x0], $0xffff;
	v31 =	vand.u32 $0x7F, v31;
	v20 =	vand.u32 $0xFFFFFC00, v20;
	v33 =	vadd.s32 v3, v17  }
0x148: {  	v17 =	vsel vm4, v24, v26;
	v26 =	vshll.u32 v30, $0x3;
	v20 =	vor.u32 v31, v20  }
0x149: {  	v30 =	vand.u32 $0x7F, v30;
	v26 =	vand.u32 $0xFFFFFC00, v26;
	v31 =	vld.idx.msk [tilespmem:v27+s4+$0x0], $0xffff;
	v34 =	vadd.s32 v3, v20  }
0x14a: {  	v20 =	vsel vm2, v28, v19;
	v19 =	vsel vm2, v29, v24;
	v26 =	vor.u32 v30, v26;
	v28 =	vld.idx.msk [tilespmem:v25+s13+$0x0], $0xffff  }
0x14b: {  	v24 =	vadd.s32 $0x7, v21;
	v29 =	vld.idx.msk [tilespmem:v25+s4+$0x0], $0xffff;
	v27 =	vadd.s32 v3, v26;
	v25 =	vadd.s32 $0x5, v21  }
0x14c: {  	v26 =	vadd.s32 $0x6, v21;
	vm2 =	vgt.f32 v32, v22;
	v32 =	vmax.f32 v22, v32;
	v30 =	vld.idx.msk [tilespmem:v33+s13+$0x0], $0xffff  }
0x14d: {  	v35 =	vand.u32 $0x7F, v25;
	v36 =	vshll.u32 v25, $0x3;
	v37 =	vshll.u32 v26, $0x3;
	v33 =	vld.idx.msk [tilespmem:v33+s4+$0x0], $0xffff  }
0x14e: {  	v26 =	vand.u32 $0x7F, v26;
	v36 =	vand.u32 $0xFFFFFC00, v36;
	v37 =	vand.u32 $0xFFFFFC00, v37;
	v25 =	vld.idx.msk [tilespmem:v34+s4+$0x0], $0xffff  }
0x14f: {  	v23 =	vsel vm2, v31, v23;
	v22 =	vmax.f32 v22, v31;
	v62 =	vor.u32 v35, v36  }
0x150: {  	v63 =	vor.u32 v26, v37;
	vm2 =	vgt.f32 v28, v32;
	v28 =	vmax.f32 v32, v28  }
0x151: {  	v22 =	vmax.f32 v22, v29;
	v32 =	vadd.s32 v3, v62;
	v23 =	vsel vm2, v29, v23  }
0x152: {  	v26 =	vld.idx.msk [tilespmem:v34+s13+$0x0], $0xffff;
	vm2 =	vgt.f32 v30, v28;
	v29 =	vmax.f32 v28, v30;
	v22 =	vmax.f32 v22, v33  }
0x153: {  	s25 =	simm.s32 $0x0;
	v30 =	vadd.s32 v3, v63;
	v28 =	vsel vm2, v33, v23;
	v23 =	vld.idx.msk [tilespmem:v27+s4+$0x0], $0xffff;
	v31 =	vmax.f32 v22, v25  }
.LBB2_15:
0x154: {  	v22 =	vmov v21  }
0x155: {  	s25 =	sadd.s32 $0x8, s25;
	v33 =	vshll.u32 v24, $0x3;
	v21 =	vadd.s32 $0x8, v21  }
0x156: {  	v24 =	vand.u32 $0x7F, v24;
	v34 =	vadd.s32 $0x2, v21;
	p1 =	slt.u32 s25, $0x120;
	v33 =	vand.u32 $0xFFFFFC00, v33  }
0x157: {  	v36 =	vadd.s32 $0x4, v21;
	v35 =	vshll.u32 v34, $0x3;
	v24 =	vor.u32 v24, v33;
	v27 =	vld.idx.msk [tilespmem:v27+s13+$0x0], $0xffff  }
0x158: {  	v33 =	vand.u32 $0x7F, v36;
	v36 =	vshll.u32 v36, $0x3;
	v37 =	vadd.s32 v3, v24  }
0x159: {  	v38 =	vadd.s32 $0x3, v21;
	v24 =	vand.u32 $0x7F, v21;
	v36 =	vand.u32 $0xFFFFFC00, v36;
	v39 =	vld.idx.msk [tilespmem:v32+s4+$0x0], $0xffff  }
0x15a: {  	v40 =	vshll.u32 v21, $0x3;
	v41 =	vadd.s32 $0x1, v21;
	v31 =	vmax.f32 v31, v23  }
0x15b: {  	v43 =	vmax.f32 v29, v26;
	v40 =	vand.u32 $0xFFFFFC00, v40;
	v42 =	vshll.u32 v41, $0x3;
	v32 =	vld.idx.msk [tilespmem:v32+s13+$0x0], $0xffff  }
0x15c: {  	v42 =	vand.u32 $0xFFFFFC00, v42;
	v40 =	vor.u32 v24, v40;
	v24 =	vadd.s32 $0x7, v21;
	v44 =	vld.idx.msk [tilespmem:v30+s13+$0x0], $0xffff  }
0x15d: {  	v41 =	vand.u32 $0x7F, v41;
	v40 =	vadd.s32 v3, v40;
	v45 =	vmax.f32 v43, v27;
	v46 =	vld.idx.msk [tilespmem:v37+s13+$0x0], $0xffff  }
0x15e: {  	vm2 =	vgt.f32 v26, v29;
	v34 =	vand.u32 $0x7F, v34;
	v41 =	vor.u32 v41, v42;
	v26 =	vld.idx.msk [tilespmem:v30+s4+$0x0], $0xffff  }
0x15f: {  	v29 =	vadd.s32 v3, v41;
	v30 =	vand.u32 $0xFFFFFC00, v35;
	v31 =	vmax.f32 v31, v39  }
0x160: {  	v25 =	vsel vm2, v25, v28;
	v30 =	vor.u32 v34, v30;
	v34 =	vshll.u32 v38, $0x3  }
0x161: {  	v28 =	vand.u32 $0x7F, v38;
	v34 =	vand.u32 $0xFFFFFC00, v34;
	v35 =	vmax.f32 v45, v32;
	v37 =	vld.idx.msk [tilespmem:v37+s4+$0x0], $0xffff  }
0x162: {  	v30 =	vadd.s32 v3, v30;
	v28 =	vor.u32 v28, v34;
	v34 =	vmax.f32 v35, v44;
	v38 =	vld.idx.msk [tilespmem:v40+s13+$0x0], $0xffff  }
0x163: {  	vm2 =	vgt.f32 v27, v43;
	v28 =	vadd.s32 v3, v28;
	v41 =	vmax.f32 v34, v46;
	v40 =	vld.idx.msk [tilespmem:v40+s4+$0x0], $0xffff  }
0x164: {  	v23 =	vsel vm2, v23, v25;
	vm2 =	vgt.f32 v32, v45;
	v25 =	vmax.f32 v31, v26;
	v42 =	vld.idx.msk [tilespmem:v29+s4+$0x0], $0xffff  }
0x165: {  	v27 =	vor.u32 v33, v36;
	v23 =	vsel vm2, v39, v23;
	vm2 =	vgt.f32 v44, v35;
	v29 =	vld.idx.msk [tilespmem:v29+s13+$0x0], $0xffff  }
0x166: {  	v27 =	vadd.s32 v3, v27;
	v23 =	vsel vm2, v26, v23;
	vm2 =	vgt.f32 v46, v34  }
0x167: {  	v32 =	vadd.s32 $0x6, v21;
	v26 =	vadd.s32 $0x5, v21;
	v23 =	vsel vm2, v37, v23;
	v31 =	vld.idx.msk [tilespmem:v30+s13+$0x0], $0xffff  }
0x168: {  	v34 =	vmax.f32 v25, v37;
	vm2 =	vgt.f32 v38, v41;
	v33 =	vmax.f32 v41, v38;
	v30 =	vld.idx.msk [tilespmem:v30+s4+$0x0], $0xffff  }
0x169: {  	v35 =	vand.u32 $0x7F, v26;
	v36 =	vshll.u32 v26, $0x3;
	v37 =	vshll.u32 v32, $0x3;
	v25 =	vld.idx.msk [tilespmem:v28+s4+$0x0], $0xffff  }
0x16a: {  	v23 =	vsel vm2, v40, v23;
	v26 =	vld.idx.msk [tilespmem:v28+s13+$0x0], $0xffff;
	v28 =	vand.u32 $0xFFFFFC00, v36;
	v36 =	vand.u32 $0xFFFFFC00, v37  }
.Ltmp6:
0x16b: {  	v34 =	vmax.f32 v34, v40;
	vm2 =	vgt.f32 v29, v33;
	v29 =	vmax.f32 v33, v29;
	(pc) =	sbr.rel @p1 .LBB2_15-.Ltmp6, $4  }
0x16c: {  	v32 =	vand.u32 $0x7F, v32;
	v33 =	vmax.f32 v34, v42;
	v23 =	vsel vm2, v42, v23  }
0x16d: {  	v34 =	vor.u32 v35, v28;
	v35 =	vor.u32 v32, v36;
	vm2 =	vgt.f32 v31, v29  }
0x16e: {  	v29 =	vmax.f32 v29, v31;
	v28 =	vsel vm2, v30, v23;
	v23 =	vmax.f32 v33, v30  }
0x16f: {  	v32 =	vadd.s32 v3, v34;
	v30 =	vadd.s32 v3, v35;
	v31 =	vmax.f32 v23, v25;
	v23 =	vld.idx.msk [tilespmem:v27+s4+$0x0], $0xffff  }
0x170: {  	_ =	sdelay $0x3  }
0x171: {  	v33 =	vshll.u32 v24, $0x3;
	v27 =	vld.idx.msk [tilespmem:v27+s13+$0x0], $0xffff  }
0x172: {  	v24 =	vand.u32 $0x7F, v24;
	v58 =	vld.idx.msk [tilespmem:v32+s4+$0x0], $0xffff;
	v21 =	vadd.s32 $0x8, v21;
	v33 =	vand.u32 $0xFFFFFC00, v33  }
0x173: {  	v59 =	vld.idx.msk [tilespmem:v32+s13+$0x0], $0xffff;
	v35 =	vshll.u32 v21, $0x3;
	v24 =	vor.u32 v24, v33  }
0x174: {  	v34 =	vld.idx.msk [tilespmem:v30+s13+$0x0], $0xffff;
	v21 =	vand.u32 $0x7F, v21;
	v35 =	vand.u32 $0xFFFFFC00, v35;
	v24 =	vadd.s32 v3, v24  }
0x175: {  	v37 =	vmax.f32 v29, v26;
	v30 =	vld.idx.msk [tilespmem:v30+s4+$0x0], $0xffff;
	v21 =	vor.u32 v21, v35  }
0x176: {  	vm2 =	vgt.f32 v26, v29;
	v22 =	vadd.s32 $0x9, v22;
	v21 =	vadd.s32 v3, v21  }
0x177: {  	v25 =	vsel vm2, v25, v28;
	v61 =	vand.u32 $0x7F, v22;
	v31 =	vmax.f32 v31, v23  }
0x178: {  	v60 =	vmax.f32 v37, v27;
	v29 =	vmax.f32 v31, v58;
	vm2 =	vgt.f32 v27, v37  }
0x179: {  	v26 =	vmax.f32 v60, v59;
	v23 =	vsel vm2, v23, v25;
	vm2 =	vgt.f32 v59, v60;
	v36 =	vld.idx.msk [tilespmem:v24+s13+$0x0], $0xffff  }
0x17a: {  	v25 =	vshll.u32 v22, $0x3;
	v29 =	vmax.f32 v29, v30;
	v28 =	vmax.f32 v26, v34;
	v24 =	vld.idx.msk [tilespmem:v24+s4+$0x0], $0xffff  }
0x17b: {  	v25 =	vand.u32 $0xFFFFFC00, v25;
	v23 =	vsel vm2, v58, v23;
	vm2 =	vgt.f32 v34, v26;
	v31 =	vld.idx.msk [tilespmem:v21+s13+$0x0], $0xffff  }
0x17c: {  	v23 =	vsel vm2, v30, v23;
	v26 =	vld.idx.msk [tilespmem:v21+s4+$0x0], $0xffff;
	v21 =	vor.u32 v61, v25;
	v25 =	vadd.s32 $0x1, v22  }
0x17d: {  	v30 =	vadd.s32 v3, v21;
	v21 =	vadd.s32 $0xFFFFFEC8, v22;
	vm3 =	vgt.s32 v25, $0x138  }
0x17e: {  	v25 =	vsel vm3, v21, v25;
	vm2 =	vgt.f32 v36, v28  }
0x17f: {  	v27 =	vmax.f32 v28, v36;
	v22 =	vsel vm2, v24, v23;
	v23 =	vmax.f32 v29, v24  }
0x180: {  	vm2 =	vgt.f32 v31, v27;
	v21 =	vmax.f32 v27, v31;
	v24 =	vshll.u32 v25, $0x3  }
0x181: {  	v27 =	vand.u32 $0x7F, v25;
	v31 =	vadd.s32 $0x1, v25;
	v24 =	vand.u32 $0xFFFFFC00, v24  }
0x182: {  	v25 =	vadd.s32 $0xFFFFFEC8, v25;
	v22 =	vsel vm2, v26, v22;
	v27 =	vor.u32 v27, v24  }
0x183: {  	v29 =	vmax.f32 v23, v26;
	v23 =	vimm.f32 $-Inf;
	v26 =	vld.idx.msk [tilespmem:v30+s13+$0x0], $0xffff;
	v27 =	vadd.s32 v3, v27  }
0x184: {  	vm2 =	vmor vm0, vm3;
	vm4 =	vgt.s32 v31, $0x138;
	v28 =	vld.idx.msk [tilespmem:v30+s4+$0x0], $0xffff;
	v24 =	vimm.f32 $0.0e+00  }
0x185: {  	v25 =	vsel vm4, v25, v31;
	vm3 =	vmmov vm2;
	vm2 =	vmor vm2, vm4  }
0x186: {  	vm4 =	vmmov vm1;
	v30 =	vadd.s32 $0x1, v25;
	v62 =	vshll.u32 v25, $0x3  }
0x187: {  	v31 =	vadd.s32 $0xFFFFFEC8, v25;
	v63 =	vand.u32 $0x7F, v25;
	v32 =	vand.u32 $0xFFFFFC00, v62  }
0x188: {  	vm5 =	vgt.s32 v30, $0x138;
	v32 =	vor.u32 v63, v32;
	vm7 =	vgt.f32 v26, v23;
	v25 =	vld.idx.msk [tilespmem:v27+s13+$0x0], $0xffff  }
0x189: {  	s25 =	simm.s32 $0xD;
	vm6 =	vgt.f32 v26, v21;
	v29 =	vmax.f32 v29, v28;
	vm7 =	vmand vm4, vm7;
	v27 =	vld.idx.msk [tilespmem:v27+s4+$0x0], $0xffff  }
.LBB2_17:
0x18a: {  	v33 =	vadd.s32 v3, v32;
	v32 =	vsel vm5, v31, v30  }
0x18b: {  	p1 =	sne.s32 s25, $0x1;
	s25 =	sadd.s32 $0xFFFFFFFF, s25;
	vm6 =	vmneg vm6;
	vm8 =	vmmov vm3;
	vm3 =	vmmov vm2  }
0x18c: {  	v23 =	vsel vm7, v26, v23;
	v24 =	vsel vm7, v28, v24;
	vm4 =	vmor vm4, vm6  }
.Ltmp7:
0x18d: {  	vm2 =	vmor vm2, vm5;
	v21 =	vsel vm4, v21, v26;
	v22 =	vsel vm4, v22, v28;
	(pc) =	sbr.rel @p1 .LBB2_17-.Ltmp7, $4  }
0x18e: {  	v30 =	vadd.s32 $0x1, v32;
	v31 =	vadd.s32 $0xFFFFFEC8, v32;
	vm4 =	vmmov vm8  }
0x18f: {  	v35 =	vshll.u32 v32, $0x3;
	vm5 =	vgt.s32 v30, $0x138;
	vm6 =	vgt.f32 v25, v21;
	v26 =	vmovc v25  }
0x190: {  	v32 =	vand.u32 $0x7F, v32;
	v34 =	vand.u32 $0xFFFFFC00, v35;
	vm7 =	vgt.f32 v26, v23;
	v28 =	vmovc v27;
	v25 =	vld.idx.msk [tilespmem:v33+s13+$0x0], $0xffff  }
0x191: {  	v32 =	vor.u32 v32, v34;
	vm7 =	vmand vm4, vm7;
	v29 =	vmax.f32 v29, v28;
	v27 =	vld.idx.msk [tilespmem:v33+s4+$0x0], $0xffff  }
0x192: {  	v30 =	vadd.s32 v3, v32;
	_ =	sdelay $0x3  }
0x193: {  	(erf) = vrcp.f32 v8;
	vm5 =	vmneg vm6  }
0x194: {  	vm3 =	vmmov vm3;
	vm2 =	vmmov vm2;
	vm4 =	vmor vm4, vm5;
	v31 =	vld.idx.msk [tilespmem:v30+s4+$0x0], $0xffff  }
0x195: {  	v8 =	vsel vm7, v26, v23;
	(erf) = vrcp.f32 v13;
	v13 =	vsel vm4, v21, v26  }
0x196: {  	vm3 =	vmmov vm3;
	v58 =	vsel vm4, v22, v28;
	vm12 =	vgt.f32 v25, v13  }
0x197: {  	(erf) = vrcp.f32 v18;
	vm13 =	vgt.f32 v25, v8;
	vm4 =	vmneg vm12  }
0x198: {  	v59 =	vmax.f32 v29, v27;
	vm5 =	vmand vm3, vm13;
	v60 =	vld.idx.msk [tilespmem:v30+s13+$0x0], $0xffff;
	vm3 =	vmor vm3, vm4  }
0x199: {  	v57 =	vsel vm7, v28, v24;
	v13 =	vsel vm3, v13, v25;
	v22 =	vmax.f32 v59, v31  }
0x19a: {  	v21 =	vsel vm3, v58, v27;
	vm3 =	vge.f32 v6, v10;
	(erf) = vrcp.f32 v22  }
0x19b: {  	vm15 =	vge.f32 v11, v15;
	vm2 =	vmmov vm2;
	v7 =	vsel vm3, v7, v9  }
0x19c: {  	vm2 =	vmmov vm2;
	v8 =	vsel vm5, v25, v8;
	v18 =	vsel vm5, v27, v57;
	v6 =	vpop (erf)  }
0x19d: {  	vm14 =	vgt.f32 v60, v13;
	vm3 =	vgt.f32 v60, v8;
	v6 =	vmul.f32 v6, v7  }
0x19e: {  	v9 =	vsel vm15, v12, v14;
	v7 =	vpop (erf);
	vm3 =	vmand vm2, vm3;
	vm4 =	vmneg vm14  }
0x19f: {  	v7 =	vmul.f32 v7, v9;
	vm2 =	vmor vm2, vm4;
	v6 =	vsub.f32 $1.000000000e+00, v6  }
0x1a0: {  	v8 =	vsel vm3, v60, v8;
	v10 =	vsel vm3, v31, v18;
	vm3 =	vge.f32 v16, v20  }
0x1a1: {  	v9 =	vpop (erf);
	v5 =	vadd.f32 v6, v5;
	v6 =	vsub.f32 $1.000000000e+00, v7;
	v7 =	vsel vm3, v17, v19  }
0x1a2: {  	v15 =	vimm.f32 $0.0e+00;
	v12 =	vsel vm2, v13, v60;
	v7 =	vmul.f32 v9, v7  }
0x1a3: {  	v13 =	vsel vm2, v21, v31;
	v5 =	vadd.f32 v6, v5;
	v6 =	vlaneseq.u32;
	v11 =	vpop (erf)  }
0x1a4: {  	vm2 =	vge.f32 v8, v12;
	v7 =	vsub.f32 $1.000000000e+00, v7;
	v9 =	vshll.u32 v6, $0x3;
	_ =	swait.ge [sflag:s18], $0x6000  }
0x1a5: {  	s24 =	sadd.s32 @!p0 s24, s10;
	v8 =	vsel vm2, v10, v13;
	v10 =	vand.u32 $0x7F, v6;
	v9 =	vand.u32 $0xFFFFFC00, v9;
	[sflag:s18] =	ssyncset.done $0x0  }
0x1a6: {  	s24 =	sshrl.u32 @!p0 s24, $0x3;
	v5 =	vadd.f32 v7, v5;
	v7 =	vadd.s32 $0x1, v6;
	v9 =	vor.u32 v10, v9;
	[sflag:s18] =	ssyncadd.s32 $0xFFFFA000  }
0x1a7: {  	s24 =	smul.u32 @!p0 $0x180, s24;
	v10 =	vshll.u32 v7, $0x3;
	v9 =	vadd.s32 v0, v9;
	v7 =	vand.u32 $0x7F, v7;
	_ =	swait.ge [sflag:s19], $0x6000  }
0x1a8: {  	s26 =	simm.s32 @!p0 $0x0;
	v8 =	vmul.f32 v11, v8;
	v11 =	vadd.s32 $0x2, v6;
	v10 =	vand.u32 $0xFFFFFC00, v10;
	[sflag:s19] =	ssyncset.done $0x0  }
0x1a9: {  	s28 =	simm.s32 @!p0 $0x6000;
	s25 =	sadd.s32 @!p0 s1, s24;
	v13 =	vadd.s32 $0x3, v6;
	v12 =	vshll.u32 v11, $0x3;
	v7 =	vor.u32 v7, v10;
	[sflag:s19] =	ssyncadd.s32 $0xFFFFA000  }
0x1aa: {  	v10 =	vand.u32 $0x7F, v11;
	v7 =	vadd.s32 v0, v7;
	v11 =	vand.u32 $0xFFFFFC00, v12;
	[tilespmem:s28], [sflag:$0x2] =	stream.linear.gather @!p0 [hbm4b:s25+s26], $0x6000, $0x38;
	[tilespmem:$0x18080] =	vst v63  }
0x1ab: {  	s24 =	sadd.s32 @!p0 s2, s24;
	v8 =	vsub.f32 $1.000000000e+00, v8;
	v10 =	vor.u32 v10, v11;
	v11 =	vshll.u32 v13, $0x3;
	s25 =	simm.s32 @!p0 $0x12000  }
0x1ac: {  	v13 =	vand.u32 $0x7F, v13;
	v11 =	vand.u32 $0xFFFFFC00, v11;
	v10 =	vadd.s32 v0, v10;
	[tilespmem:s25], [sflag:$0x4] =	stream.linear.gather @!p0 [hbm4b:s24+s26], $0x6000, $0x38;
	[tilespmem:$0x18080] =	vst v63  }
0x1ad: {  	v19 =	vadd.s32 $0x6, v6;
	v12 =	vadd.s32 $0x4, v6;
	v11 =	vor.u32 v13, v11;
	v14 =	vld.idx.msk [tilespmem:v9+s15+$0x0], $0xffff  }
0x1ae: {  	v5 =	vadd.f32 v8, v5;
	v8 =	vshll.u32 v12, $0x3;
	v11 =	vadd.s32 v0, v11;
	v13 =	vld.idx.msk [tilespmem:v9+s14+$0x0], $0xffff  }
0x1af: {  	v63 =	vshll.u32 v19, $0x3;
	v12 =	vand.u32 $0x7F, v12;
	v8 =	vand.u32 $0xFFFFFC00, v8;
	v17 =	vld.idx.msk [tilespmem:v7+s15+$0x0], $0xffff  }
0x1b0: {  	v16 =	vimm.f32 $-Inf;
	v22 =	vand.u32 $0xFFFFFC00, v63;
	v9 =	vor.u32 v12, v8;
	v7 =	vld.idx.msk [tilespmem:v7+s14+$0x0], $0xffff  }
0x1b1: {  	v8 =	vadd.s32 $0x7, v6;
	v18 =	vld.idx.msk [tilespmem:v10+s15+$0x0], $0xffff;
	v12 =	vadd.s32 v0, v9;
	v9 =	vadd.s32 $0x5, v6  }
0x1b2: {  	v10 =	vld.idx.msk [tilespmem:v10+s14+$0x0], $0xffff;
	v61 =	vand.u32 $0x7F, v9;
	v62 =	vshll.u32 v9, $0x3;
	vm2 =	vgt.f32 v14, v16  }
0x1b3: {  	v9 =	vld.idx.msk [tilespmem:v11+s14+$0x0], $0xffff;
	v21 =	vand.u32 $0xFFFFFC00, v62;
	v14 =	vmax.f32 v16, v14;
	v15 =	vsel vm2, v13, v15  }
0x1b4: {  	v13 =	vmax.f32 v16, v13;
	vm2 =	vgt.f32 v17, v14;
	v14 =	vmax.f32 v14, v17  }
0x1b5: {  	v17 =	vor.u32 v61, v21;
	v15 =	vsel vm2, v7, v15;
	v7 =	vmax.f32 v13, v7  }
0x1b6: {  	v13 =	vand.u32 $0x7F, v19;
	vm2 =	vgt.f32 v18, v14;
	v14 =	vmax.f32 v14, v18  }
0x1b7: {  	v11 =	vld.idx.msk [tilespmem:v11+s15+$0x0], $0xffff;
	v17 =	vadd.s32 v0, v17;
	v19 =	vor.u32 v13, v22;
	v7 =	vmax.f32 v7, v10  }
0x1b8: {  	s24 =	simm.s32 $0x0;
	v13 =	vsel vm2, v10, v15;
	v10 =	vld.idx.msk [tilespmem:v12+s14+$0x0], $0xffff;
	v16 =	vmax.f32 v7, v9;
	v15 =	vadd.s32 v0, v19  }
.LBB2_19:
0x1b9: {  	v7 =	vmov v6  }
0x1ba: {  	s24 =	sadd.s32 $0x8, s24;
	v18 =	vshll.u32 v8, $0x3;
	v6 =	vadd.s32 $0x8, v6  }
0x1bb: {  	v8 =	vand.u32 $0x7F, v8;
	v19 =	vadd.s32 $0x2, v6;
	p0 =	slt.u32 s24, $0x120;
	v18 =	vand.u32 $0xFFFFFC00, v18  }
0x1bc: {  	v21 =	vadd.s32 $0x4, v6;
	v20 =	vshll.u32 v19, $0x3;
	v8 =	vor.u32 v8, v18;
	v12 =	vld.idx.msk [tilespmem:v12+s15+$0x0], $0xffff  }
0x1bd: {  	v18 =	vand.u32 $0x7F, v21;
	v21 =	vshll.u32 v21, $0x3;
	v22 =	vadd.s32 v0, v8  }
0x1be: {  	v23 =	vadd.s32 $0x3, v6;
	v8 =	vand.u32 $0x7F, v6;
	v21 =	vand.u32 $0xFFFFFC00, v21;
	v24 =	vld.idx.msk [tilespmem:v17+s14+$0x0], $0xffff  }
0x1bf: {  	v25 =	vshll.u32 v6, $0x3;
	v26 =	vadd.s32 $0x1, v6;
	v16 =	vmax.f32 v16, v10  }
0x1c0: {  	v28 =	vmax.f32 v14, v11;
	v25 =	vand.u32 $0xFFFFFC00, v25;
	v27 =	vshll.u32 v26, $0x3;
	v17 =	vld.idx.msk [tilespmem:v17+s15+$0x0], $0xffff  }
0x1c1: {  	v27 =	vand.u32 $0xFFFFFC00, v27;
	v25 =	vor.u32 v8, v25;
	v8 =	vadd.s32 $0x7, v6;
	v29 =	vld.idx.msk [tilespmem:v15+s15+$0x0], $0xffff  }
0x1c2: {  	v26 =	vand.u32 $0x7F, v26;
	v25 =	vadd.s32 v0, v25;
	v30 =	vmax.f32 v28, v12;
	v31 =	vld.idx.msk [tilespmem:v22+s15+$0x0], $0xffff  }
0x1c3: {  	vm2 =	vgt.f32 v11, v14;
	v19 =	vand.u32 $0x7F, v19;
	v26 =	vor.u32 v26, v27;
	v11 =	vld.idx.msk [tilespmem:v15+s14+$0x0], $0xffff  }
0x1c4: {  	v14 =	vadd.s32 v0, v26;
	v15 =	vand.u32 $0xFFFFFC00, v20;
	v16 =	vmax.f32 v16, v24  }
0x1c5: {  	v9 =	vsel vm2, v9, v13;
	v15 =	vor.u32 v19, v15;
	v19 =	vshll.u32 v23, $0x3  }
0x1c6: {  	v13 =	vand.u32 $0x7F, v23;
	v19 =	vand.u32 $0xFFFFFC00, v19;
	v20 =	vmax.f32 v30, v17;
	v22 =	vld.idx.msk [tilespmem:v22+s14+$0x0], $0xffff  }
0x1c7: {  	v15 =	vadd.s32 v0, v15;
	v13 =	vor.u32 v13, v19;
	v19 =	vmax.f32 v20, v29;
	v23 =	vld.idx.msk [tilespmem:v25+s15+$0x0], $0xffff  }
0x1c8: {  	vm2 =	vgt.f32 v12, v28;
	v13 =	vadd.s32 v0, v13;
	v26 =	vmax.f32 v19, v31;
	v25 =	vld.idx.msk [tilespmem:v25+s14+$0x0], $0xffff  }
0x1c9: {  	v9 =	vsel vm2, v10, v9;
	vm2 =	vgt.f32 v17, v30;
	v10 =	vmax.f32 v16, v11;
	v27 =	vld.idx.msk [tilespmem:v14+s14+$0x0], $0xffff  }
0x1ca: {  	v12 =	vor.u32 v18, v21;
	v9 =	vsel vm2, v24, v9;
	vm2 =	vgt.f32 v29, v20;
	v14 =	vld.idx.msk [tilespmem:v14+s15+$0x0], $0xffff  }
0x1cb: {  	v12 =	vadd.s32 v0, v12;
	v9 =	vsel vm2, v11, v9;
	vm2 =	vgt.f32 v31, v19  }
0x1cc: {  	v17 =	vadd.s32 $0x6, v6;
	v11 =	vadd.s32 $0x5, v6;
	v18 =	vsel vm2, v22, v9;
	v16 =	vld.idx.msk [tilespmem:v15+s15+$0x0], $0xffff  }
0x1cd: {  	v10 =	vmax.f32 v10, v22;
	vm2 =	vgt.f32 v23, v26;
	v19 =	vmax.f32 v26, v23;
	v15 =	vld.idx.msk [tilespmem:v15+s14+$0x0], $0xffff  }
0x1ce: {  	v20 =	vand.u32 $0x7F, v11;
	v21 =	vshll.u32 v11, $0x3;
	v22 =	vshll.u32 v17, $0x3;
	v9 =	vld.idx.msk [tilespmem:v13+s14+$0x0], $0xffff  }
0x1cf: {  	v18 =	vsel vm2, v25, v18;
	v11 =	vld.idx.msk [tilespmem:v13+s15+$0x0], $0xffff;
	v13 =	vand.u32 $0xFFFFFC00, v21;
	v21 =	vand.u32 $0xFFFFFC00, v22  }
.Ltmp8:
0x1d0: {  	v10 =	vmax.f32 v10, v25;
	vm2 =	vgt.f32 v14, v19;
	v14 =	vmax.f32 v19, v14;
	(pc) =	sbr.rel @p0 .LBB2_19-.Ltmp8, $4  }
0x1d1: {  	v17 =	vand.u32 $0x7F, v17;
	v10 =	vmax.f32 v10, v27;
	v18 =	vsel vm2, v27, v18  }
0x1d2: {  	v19 =	vor.u32 v20, v13;
	v20 =	vor.u32 v17, v21;
	vm2 =	vgt.f32 v16, v14  }
0x1d3: {  	v14 =	vmax.f32 v14, v16;
	v13 =	vsel vm2, v15, v18;
	v10 =	vmax.f32 v10, v15  }
0x1d4: {  	v17 =	vadd.s32 v0, v19;
	v15 =	vadd.s32 v0, v20;
	v16 =	vmax.f32 v10, v9;
	v10 =	vld.idx.msk [tilespmem:v12+s14+$0x0], $0xffff  }
0x1d5: {  	_ =	sdelay $0x1  }
0x1d6: {  	v18 =	vshll.u32 v8, $0x3  }
0x1d7: {  	v8 =	vand.u32 $0x7F, v8;
	v18 =	vand.u32 $0xFFFFFC00, v18  }
0x1d8: {  	v12 =	vld.idx.msk [tilespmem:v12+s15+$0x0], $0xffff;
	v6 =	vadd.s32 $0x8, v6;
	v8 =	vor.u32 v8, v18  }
0x1d9: {  	v19 =	vld.idx.msk [tilespmem:v15+s15+$0x0], $0xffff;
	v20 =	vshll.u32 v6, $0x3;
	v8 =	vadd.s32 v0, v8  }
0x1da: {  	v6 =	vand.u32 $0x7F, v6;
	v18 =	vld.idx.msk [tilespmem:v17+s14+$0x0], $0xffff;
	v20 =	vand.u32 $0xFFFFFC00, v20  }
0x1db: {  	v17 =	vld.idx.msk [tilespmem:v17+s15+$0x0], $0xffff;
	v6 =	vor.u32 v6, v20  }
0x1dc: {  	v15 =	vld.idx.msk [tilespmem:v15+s14+$0x0], $0xffff;
	vm2 =	vgt.f32 v11, v14;
	v7 =	vadd.s32 $0x9, v7;
	v6 =	vadd.s32 v0, v6  }
0x1dd: {  	v22 =	vmax.f32 v14, v11;
	v9 =	vsel vm2, v9, v13;
	v13 =	vshll.u32 v7, $0x3  }
0x1de: {  	v13 =	vand.u32 $0xFFFFFC00, v13;
	vm2 =	vgt.f32 v12, v22;
	v21 =	vld.idx.msk [tilespmem:v8+s15+$0x0], $0xffff  }
0x1df: {  	v16 =	vmax.f32 v16, v10;
	v20 =	vmax.f32 v22, v12;
	v9 =	vsel vm2, v10, v9  }
0x1e0: {  	v23 =	vmax.f32 v20, v17;
	v11 =	vmax.f32 v16, v18;
	vm2 =	vgt.f32 v17, v20;
	v8 =	vld.idx.msk [tilespmem:v8+s14+$0x0], $0xffff  }
0x1e1: {  	v10 =	vmax.f32 v11, v15;
	v9 =	vsel vm2, v18, v9;
	vm2 =	vgt.f32 v19, v23;
	v11 =	vld.idx.msk [tilespmem:v6+s15+$0x0], $0xffff  }
0x1e2: {  	v14 =	vmax.f32 v23, v19;
	v16 =	vld.idx.msk [tilespmem:v6+s14+$0x0], $0xffff;
	v6 =	vand.u32 $0x7F, v7;
	v9 =	vsel vm2, v15, v9  }
0x1e3: {  	v6 =	vor.u32 v6, v13;
	v13 =	vadd.s32 $0x1, v7;
	v12 =	vmax.f32 v14, v21  }
0x1e4: {  	vm2 =	vgt.f32 v21, v14;
	v14 =	vadd.s32 v0, v6;
	v6 =	vadd.s32 $0xFFFFFEC8, v7  }
0x1e5: {  	v9 =	vsel vm2, v8, v9;
	v8 =	vmax.f32 v10, v8;
	vm2 =	vgt.s32 v13, $0x138  }
0x1e6: {  	vm3 =	vgt.f32 v11, v12;
	v7 =	vmax.f32 v12, v11;
	v10 =	vsel vm2, v6, v13  }
0x1e7: {  	v12 =	vimm.f32 $-Inf;
	v11 =	vmax.f32 v8, v16;
	v8 =	vshll.u32 v10, $0x3  }
0x1e8: {  	v6 =	vsel vm3, v16, v9;
	v13 =	vand.u32 $0x7F, v10;
	v8 =	vand.u32 $0xFFFFFC00, v8  }
0x1e9: {  	vm2 =	vmor vm0, vm2;
	v15 =	vadd.s32 $0x1, v10;
	v8 =	vor.u32 v13, v8  }
0x1ea: {  	v10 =	vadd.s32 $0xFFFFFEC8, v10;
	vm4 =	vgt.s32 v15, $0x138;
	v9 =	vld.idx.msk [tilespmem:v14+s15+$0x0], $0xffff;
	v16 =	vadd.s32 v0, v8  }
0x1eb: {  	vm3 =	vmmov vm2;
	v13 =	vimm.f32 $0.0e+00;
	v14 =	vld.idx.msk [tilespmem:v14+s14+$0x0], $0xffff;
	v8 =	vsel vm4, v10, v15  }
0x1ec: {  	vm2 =	vmor vm2, vm4;
	vm4 =	vmmov vm1;
	v10 =	vshll.u32 v8, $0x3  }
0x1ed: {  	v17 =	vadd.s32 $0x1, v8;
	v15 =	vand.u32 $0x7F, v8;
	v10 =	vand.u32 $0xFFFFFC00, v10  }
0x1ee: {  	v18 =	vadd.s32 $0xFFFFFEC8, v8;
	vm5 =	vgt.s32 v17, $0x138;
	v19 =	vor.u32 v15, v10  }
0x1ef: {  	v15 =	vimm.f32 $-Inf;
	vm7 =	vgt.f32 v9, v12;
	vm6 =	vgt.f32 v9, v7;
	v8 =	vld.idx.msk [tilespmem:v16+s15+$0x0], $0xffff  }
0x1f0: {  	s24 =	simm.s32 $0xD;
	v11 =	vmax.f32 v11, v14;
	vm7 =	vmand vm4, vm7;
	v10 =	vld.idx.msk [tilespmem:v16+s14+$0x0], $0xffff;
	v16 =	vimm.f32 $0.0e+00  }
.LBB2_21:
0x1f1: {  	v20 =	vadd.s32 v0, v19;
	v19 =	vsel vm5, v18, v17  }
0x1f2: {  	p0 =	sne.s32 s24, $0x1;
	s24 =	sadd.s32 $0xFFFFFFFF, s24;
	vm6 =	vmneg vm6;
	vm8 =	vmmov vm3;
	vm3 =	vmmov vm2  }
0x1f3: {  	v15 =	vsel vm7, v9, v15;
	v16 =	vsel vm7, v14, v16;
	vm4 =	vmor vm4, vm6  }
.Ltmp9:
0x1f4: {  	vm2 =	vmor vm2, vm5;
	v7 =	vsel vm4, v7, v9;
	v6 =	vsel vm4, v6, v14;
	(pc) =	sbr.rel @p0 .LBB2_21-.Ltmp9, $4  }
0x1f5: {  	v17 =	vadd.s32 $0x1, v19;
	v18 =	vadd.s32 $0xFFFFFEC8, v19;
	vm4 =	vmmov vm8  }
0x1f6: {  	v22 =	vshll.u32 v19, $0x3;
	vm5 =	vgt.s32 v17, $0x138;
	vm6 =	vgt.f32 v8, v7;
	v9 =	vmovc v8  }
0x1f7: {  	v19 =	vand.u32 $0x7F, v19;
	v21 =	vand.u32 $0xFFFFFC00, v22;
	vm7 =	vgt.f32 v9, v15;
	v14 =	vmovc v10;
	v8 =	vld.idx.msk [tilespmem:v20+s15+$0x0], $0xffff  }
0x1f8: {  	v19 =	vor.u32 v19, v21;
	vm7 =	vmand vm4, vm7;
	v11 =	vmax.f32 v11, v14;
	v10 =	vld.idx.msk [tilespmem:v20+s14+$0x0], $0xffff  }
0x1f9: {  	v17 =	vadd.s32 v0, v19  }
0x1fa: {  	vm5 =	vmneg vm6;
	vm3 =	vmmov vm3;
	vm2 =	vmmov vm2  }
0x1fb: {  	v15 =	vsel vm7, v9, v15;
	v16 =	vsel vm7, v14, v16;
	vm4 =	vmor vm4, vm5  }
0x1fc: {  	vm3 =	vmmov vm3;
	vm2 =	vmmov vm2;
	v7 =	vsel vm4, v7, v9  }
0x1fd: {  	v6 =	vsel vm4, v6, v14;
	vm13 =	vgt.f32 v8, v15;
	vm14 =	vgt.f32 v8, v7  }
0x1fe: {  	vm2 =	vmmov vm2;
	vm5 =	vmand vm3, vm13;
	vm4 =	vmneg vm14;
	v9 =	vld.idx.msk [tilespmem:v17+s15+$0x0], $0xffff  }
0x1ff: {  	v14 =	vld.idx.msk [tilespmem:v17+s14+$0x0], $0xffff;
	v17 =	vmax.f32 v11, v10;
	vm3 =	vmor vm3, vm4;
	v15 =	vsel vm5, v8, v15  }
0x200: {  	v16 =	vsel vm5, v10, v16;
	v11 =	vlaneseq.u32;
	v18 =	vsel vm3, v7, v8  }
0x201: {  	v19 =	vsel vm3, v6, v10;
	v6 =	vshll.u32 v11, $0x3;
	v7 =	vand.u32 $0x7F, v11  }
0x202: {  	v10 =	vadd.s32 $0x1, v11;
	v21 =	vadd.s32 $0x3, v11;
	v6 =	vand.u32 $0xFFFFFC00, v6  }
0x203: {  	v7 =	vor.u32 v7, v6;
	vm3 =	vgt.f32 v9, v18;
	vm15 =	vgt.f32 v9, v15  }
0x204: {  	v8 =	vmax.f32 v17, v14;
	v17 =	vadd.s32 v1, v7;
	vm4 =	vmand vm2, vm15  }
0x205: {  	v7 =	vadd.s32 $0x2, v11;
	v6 =	vsel vm4, v9, v15;
	v15 =	vshll.u32 v10, $0x3  }
0x206: {  	vm3 =	vmneg vm3;
	v10 =	vand.u32 $0x7F, v10;
	v15 =	vand.u32 $0xFFFFFC00, v15  }
0x207: {  	v20 =	vshll.u32 v7, $0x3;
	v7 =	vand.u32 $0x7F, v7;
	v10 =	vor.u32 v10, v15  }
0x208: {  	vm2 =	vmor vm2, vm3;
	v15 =	vadd.s32 v1, v10;
	v10 =	vand.u32 $0xFFFFFC00, v20  }
0x209: {  	v20 =	vadd.s32 $0x4, v11;
	v7 =	vor.u32 v7, v10;
	v10 =	vshll.u32 v21, $0x3  }
0x20a: {  	v22 =	vld.idx.msk [tilespmem:v17+s15+$0x0], $0xffff;
	v21 =	vand.u32 $0x7F, v21;
	v10 =	vand.u32 $0xFFFFFC00, v10;
	v23 =	vadd.s32 v1, v7  }
0x20b: {  	v7 =	vsel vm4, v14, v16;
	v16 =	vshll.u32 v20, $0x3;
	v10 =	vor.u32 v21, v10  }
0x20c: {  	v20 =	vand.u32 $0x7F, v20;
	v16 =	vand.u32 $0xFFFFFC00, v16;
	v21 =	vld.idx.msk [tilespmem:v17+s14+$0x0], $0xffff;
	v24 =	vadd.s32 v1, v10  }
0x20d: {  	v10 =	vsel vm2, v18, v9;
	v9 =	vsel vm2, v19, v14;
	v16 =	vor.u32 v20, v16;
	v18 =	vld.idx.msk [tilespmem:v15+s15+$0x0], $0xffff  }
0x20e: {  	v14 =	vadd.s32 $0x7, v11;
	v19 =	vld.idx.msk [tilespmem:v15+s14+$0x0], $0xffff;
	v17 =	vadd.s32 v1, v16;
	v15 =	vadd.s32 $0x5, v11  }
0x20f: {  	v16 =	vadd.s32 $0x6, v11;
	vm2 =	vgt.f32 v22, v12;
	v22 =	vmax.f32 v12, v22;
	v20 =	vld.idx.msk [tilespmem:v23+s15+$0x0], $0xffff  }
0x210: {  	v25 =	vand.u32 $0x7F, v15;
	v26 =	vshll.u32 v15, $0x3;
	v27 =	vshll.u32 v16, $0x3;
	v23 =	vld.idx.msk [tilespmem:v23+s14+$0x0], $0xffff  }
0x211: {  	v16 =	vand.u32 $0x7F, v16;
	v26 =	vand.u32 $0xFFFFFC00, v26;
	v27 =	vand.u32 $0xFFFFFC00, v27;
	v15 =	vld.idx.msk [tilespmem:v24+s14+$0x0], $0xffff  }
0x212: {  	v13 =	vsel vm2, v21, v13;
	v12 =	vmax.f32 v12, v21;
	v63 =	vor.u32 v16, v27  }
0x213: {  	vm2 =	vgt.f32 v18, v22;
	v18 =	vmax.f32 v22, v18;
	v22 =	vor.u32 v25, v26  }
0x214: {  	v12 =	vmax.f32 v12, v19;
	v13 =	vsel vm2, v19, v13;
	v22 =	vadd.s32 v1, v22  }
0x215: {  	v16 =	vld.idx.msk [tilespmem:v24+s15+$0x0], $0xffff;
	vm2 =	vgt.f32 v20, v18;
	v19 =	vmax.f32 v18, v20;
	v12 =	vmax.f32 v12, v23  }
0x216: {  	s24 =	simm.s32 $0x0;
	v20 =	vadd.s32 v1, v63;
	v18 =	vsel vm2, v23, v13;
	v13 =	vld.idx.msk [tilespmem:v17+s14+$0x0], $0xffff;
	v21 =	vmax.f32 v12, v15  }
.LBB2_23:
0x217: {  	v12 =	vmov v11  }
0x218: {  	s24 =	sadd.s32 $0x8, s24;
	v23 =	vshll.u32 v14, $0x3;
	v11 =	vadd.s32 $0x8, v11  }
0x219: {  	v14 =	vand.u32 $0x7F, v14;
	v24 =	vadd.s32 $0x2, v11;
	p0 =	slt.u32 s24, $0x120;
	v23 =	vand.u32 $0xFFFFFC00, v23  }
0x21a: {  	v26 =	vadd.s32 $0x4, v11;
	v25 =	vshll.u32 v24, $0x3;
	v14 =	vor.u32 v14, v23;
	v17 =	vld.idx.msk [tilespmem:v17+s15+$0x0], $0xffff  }
0x21b: {  	v23 =	vand.u32 $0x7F, v26;
	v26 =	vshll.u32 v26, $0x3;
	v27 =	vadd.s32 v1, v14  }
0x21c: {  	v28 =	vadd.s32 $0x3, v11;
	v14 =	vand.u32 $0x7F, v11;
	v26 =	vand.u32 $0xFFFFFC00, v26;
	v29 =	vld.idx.msk [tilespmem:v22+s14+$0x0], $0xffff  }
0x21d: {  	v30 =	vshll.u32 v11, $0x3;
	v31 =	vadd.s32 $0x1, v11;
	v21 =	vmax.f32 v21, v13  }
0x21e: {  	v33 =	vmax.f32 v19, v16;
	v30 =	vand.u32 $0xFFFFFC00, v30;
	v32 =	vshll.u32 v31, $0x3;
	v22 =	vld.idx.msk [tilespmem:v22+s15+$0x0], $0xffff  }
0x21f: {  	v32 =	vand.u32 $0xFFFFFC00, v32;
	v30 =	vor.u32 v14, v30;
	v14 =	vadd.s32 $0x7, v11;
	v34 =	vld.idx.msk [tilespmem:v20+s15+$0x0], $0xffff  }
0x220: {  	v31 =	vand.u32 $0x7F, v31;
	v30 =	vadd.s32 v1, v30;
	v35 =	vmax.f32 v33, v17;
	v36 =	vld.idx.msk [tilespmem:v27+s15+$0x0], $0xffff  }
0x221: {  	vm2 =	vgt.f32 v16, v19;
	v24 =	vand.u32 $0x7F, v24;
	v31 =	vor.u32 v31, v32;
	v16 =	vld.idx.msk [tilespmem:v20+s14+$0x0], $0xffff  }
0x222: {  	v19 =	vadd.s32 v1, v31;
	v20 =	vand.u32 $0xFFFFFC00, v25;
	v21 =	vmax.f32 v21, v29  }
0x223: {  	v15 =	vsel vm2, v15, v18;
	v20 =	vor.u32 v24, v20;
	v24 =	vshll.u32 v28, $0x3  }
0x224: {  	v18 =	vand.u32 $0x7F, v28;
	v24 =	vand.u32 $0xFFFFFC00, v24;
	v25 =	vmax.f32 v35, v22;
	v27 =	vld.idx.msk [tilespmem:v27+s14+$0x0], $0xffff  }
0x225: {  	v20 =	vadd.s32 v1, v20;
	v18 =	vor.u32 v18, v24;
	v24 =	vmax.f32 v25, v34;
	v28 =	vld.idx.msk [tilespmem:v30+s15+$0x0], $0xffff  }
0x226: {  	vm2 =	vgt.f32 v17, v33;
	v18 =	vadd.s32 v1, v18;
	v31 =	vmax.f32 v24, v36;
	v30 =	vld.idx.msk [tilespmem:v30+s14+$0x0], $0xffff  }
0x227: {  	v13 =	vsel vm2, v13, v15;
	vm2 =	vgt.f32 v22, v35;
	v15 =	vmax.f32 v21, v16;
	v32 =	vld.idx.msk [tilespmem:v19+s14+$0x0], $0xffff  }
0x228: {  	v17 =	vor.u32 v23, v26;
	v13 =	vsel vm2, v29, v13;
	vm2 =	vgt.f32 v34, v25;
	v19 =	vld.idx.msk [tilespmem:v19+s15+$0x0], $0xffff  }
0x229: {  	v17 =	vadd.s32 v1, v17;
	v13 =	vsel vm2, v16, v13;
	vm2 =	vgt.f32 v36, v24  }
0x22a: {  	v22 =	vadd.s32 $0x6, v11;
	v16 =	vadd.s32 $0x5, v11;
	v13 =	vsel vm2, v27, v13;
	v21 =	vld.idx.msk [tilespmem:v20+s15+$0x0], $0xffff  }
0x22b: {  	v24 =	vmax.f32 v15, v27;
	vm2 =	vgt.f32 v28, v31;
	v23 =	vmax.f32 v31, v28;
	v20 =	vld.idx.msk [tilespmem:v20+s14+$0x0], $0xffff  }
0x22c: {  	v25 =	vand.u32 $0x7F, v16;
	v26 =	vshll.u32 v16, $0x3;
	v27 =	vshll.u32 v22, $0x3;
	v15 =	vld.idx.msk [tilespmem:v18+s14+$0x0], $0xffff  }
0x22d: {  	v13 =	vsel vm2, v30, v13;
	v16 =	vld.idx.msk [tilespmem:v18+s15+$0x0], $0xffff;
	v18 =	vand.u32 $0xFFFFFC00, v26;
	v26 =	vand.u32 $0xFFFFFC00, v27  }
.Ltmp10:
0x22e: {  	v24 =	vmax.f32 v24, v30;
	vm2 =	vgt.f32 v19, v23;
	v19 =	vmax.f32 v23, v19;
	(pc) =	sbr.rel @p0 .LBB2_23-.Ltmp10, $4  }
0x22f: {  	v22 =	vand.u32 $0x7F, v22;
	v23 =	vmax.f32 v24, v32;
	v13 =	vsel vm2, v32, v13  }
0x230: {  	v24 =	vor.u32 v25, v18;
	v25 =	vor.u32 v22, v26;
	vm2 =	vgt.f32 v21, v19  }
0x231: {  	v19 =	vmax.f32 v19, v21;
	v18 =	vsel vm2, v20, v13;
	v13 =	vmax.f32 v23, v20  }
0x232: {  	v22 =	vadd.s32 v1, v24;
	v20 =	vadd.s32 v1, v25;
	v21 =	vmax.f32 v13, v15;
	v13 =	vld.idx.msk [tilespmem:v17+s14+$0x0], $0xffff  }
0x233: {  	_ =	sdelay $0x1  }
0x234: {  	v23 =	vshll.u32 v14, $0x3  }
0x235: {  	v14 =	vand.u32 $0x7F, v14;
	v23 =	vand.u32 $0xFFFFFC00, v23  }
0x236: {  	v17 =	vld.idx.msk [tilespmem:v17+s15+$0x0], $0xffff;
	v11 =	vadd.s32 $0x8, v11;
	v14 =	vor.u32 v14, v23  }
0x237: {  	v24 =	vld.idx.msk [tilespmem:v20+s15+$0x0], $0xffff;
	v25 =	vshll.u32 v11, $0x3;
	v14 =	vadd.s32 v1, v14  }
0x238: {  	v11 =	vand.u32 $0x7F, v11;
	v23 =	vld.idx.msk [tilespmem:v22+s14+$0x0], $0xffff;
	v25 =	vand.u32 $0xFFFFFC00, v25  }
0x239: {  	v22 =	vld.idx.msk [tilespmem:v22+s15+$0x0], $0xffff;
	v11 =	vor.u32 v11, v25  }
0x23a: {  	v20 =	vld.idx.msk [tilespmem:v20+s14+$0x0], $0xffff;
	vm2 =	vgt.f32 v16, v19;
	v12 =	vadd.s32 $0x9, v12;
	v11 =	vadd.s32 v1, v11  }
0x23b: {  	v27 =	vmax.f32 v19, v16;
	v15 =	vsel vm2, v15, v18;
	v18 =	vshll.u32 v12, $0x3  }
0x23c: {  	v18 =	vand.u32 $0xFFFFFC00, v18;
	vm2 =	vgt.f32 v17, v27;
	v26 =	vld.idx.msk [tilespmem:v14+s15+$0x0], $0xffff  }
0x23d: {  	v21 =	vmax.f32 v21, v13;
	v25 =	vmax.f32 v27, v17;
	v13 =	vsel vm2, v13, v15  }
0x23e: {  	v28 =	vmax.f32 v25, v22;
	v16 =	vmax.f32 v21, v23;
	vm2 =	vgt.f32 v22, v25;
	v14 =	vld.idx.msk [tilespmem:v14+s14+$0x0], $0xffff  }
0x23f: {  	v15 =	vmax.f32 v16, v20;
	v13 =	vsel vm2, v23, v13;
	vm2 =	vgt.f32 v24, v28;
	v16 =	vld.idx.msk [tilespmem:v11+s15+$0x0], $0xffff  }
0x240: {  	v19 =	vmax.f32 v28, v24;
	v21 =	vld.idx.msk [tilespmem:v11+s14+$0x0], $0xffff;
	v11 =	vand.u32 $0x7F, v12;
	v13 =	vsel vm2, v20, v13  }
0x241: {  	v11 =	vor.u32 v11, v18;
	v18 =	vadd.s32 $0x1, v12;
	v17 =	vmax.f32 v19, v26  }
0x242: {  	vm2 =	vgt.f32 v26, v19;
	v19 =	vadd.s32 v1, v11;
	v11 =	vadd.s32 $0xFFFFFEC8, v12  }
0x243: {  	v13 =	vsel vm2, v14, v13;
	v14 =	vmax.f32 v15, v14;
	vm2 =	vgt.s32 v18, $0x138  }
0x244: {  	vm3 =	vgt.f32 v16, v17;
	v12 =	vmax.f32 v17, v16;
	v15 =	vsel vm2, v11, v18  }
0x245: {  	v17 =	vimm.f32 $-Inf;
	v11 =	vsel vm3, v21, v13;
	v13 =	vshll.u32 v15, $0x3  }
0x246: {  	v16 =	vmax.f32 v14, v21;
	v18 =	vand.u32 $0x7F, v15;
	v13 =	vand.u32 $0xFFFFFC00, v13  }
0x247: {  	vm2 =	vmor vm0, vm2;
	v20 =	vadd.s32 $0x1, v15;
	v13 =	vor.u32 v18, v13  }
0x248: {  	v15 =	vadd.s32 $0xFFFFFEC8, v15;
	vm4 =	vgt.s32 v20, $0x138;
	v14 =	vld.idx.msk [tilespmem:v19+s15+$0x0], $0xffff;
	v21 =	vadd.s32 v1, v13  }
0x249: {  	vm3 =	vmmov vm2;
	v18 =	vimm.f32 $0.0e+00;
	v19 =	vld.idx.msk [tilespmem:v19+s14+$0x0], $0xffff;
	v13 =	vsel vm4, v15, v20  }
0x24a: {  	vm2 =	vmor vm2, vm4;
	vm4 =	vmmov vm1;
	v15 =	vshll.u32 v13, $0x3  }
0x24b: {  	v22 =	vadd.s32 $0x1, v13;
	v20 =	vand.u32 $0x7F, v13;
	v15 =	vand.u32 $0xFFFFFC00, v15  }
0x24c: {  	v23 =	vadd.s32 $0xFFFFFEC8, v13;
	vm5 =	vgt.s32 v22, $0x138;
	v24 =	vor.u32 v20, v15  }
0x24d: {  	v20 =	vimm.f32 $-Inf;
	vm7 =	vgt.f32 v14, v17;
	vm6 =	vgt.f32 v14, v12;
	v13 =	vld.idx.msk [tilespmem:v21+s15+$0x0], $0xffff  }
0x24e: {  	s24 =	simm.s32 $0xD;
	v16 =	vmax.f32 v16, v19;
	vm7 =	vmand vm4, vm7;
	v15 =	vld.idx.msk [tilespmem:v21+s14+$0x0], $0xffff;
	v21 =	vimm.f32 $0.0e+00  }
.LBB2_25:
0x24f: {  	v25 =	vadd.s32 v1, v24;
	v24 =	vsel vm5, v23, v22  }
0x250: {  	p0 =	sne.s32 s24, $0x1;
	s24 =	sadd.s32 $0xFFFFFFFF, s24;
	vm6 =	vmneg vm6;
	vm8 =	vmmov vm3;
	vm3 =	vmmov vm2  }
0x251: {  	v20 =	vsel vm7, v14, v20;
	v21 =	vsel vm7, v19, v21;
	vm4 =	vmor vm4, vm6  }
.Ltmp11:
0x252: {  	vm2 =	vmor vm2, vm5;
	v12 =	vsel vm4, v12, v14;
	v11 =	vsel vm4, v11, v19;
	(pc) =	sbr.rel @p0 .LBB2_25-.Ltmp11, $4  }
0x253: {  	v22 =	vadd.s32 $0x1, v24;
	v23 =	vadd.s32 $0xFFFFFEC8, v24;
	vm4 =	vmmov vm8  }
0x254: {  	v27 =	vshll.u32 v24, $0x3;
	vm5 =	vgt.s32 v22, $0x138;
	vm6 =	vgt.f32 v13, v12;
	v14 =	vmovc v13  }
0x255: {  	v24 =	vand.u32 $0x7F, v24;
	v26 =	vand.u32 $0xFFFFFC00, v27;
	vm7 =	vgt.f32 v14, v20;
	v19 =	vmovc v15;
	v13 =	vld.idx.msk [tilespmem:v25+s15+$0x0], $0xffff  }
0x256: {  	v24 =	vor.u32 v24, v26;
	vm7 =	vmand vm4, vm7;
	v16 =	vmax.f32 v16, v19;
	v15 =	vld.idx.msk [tilespmem:v25+s14+$0x0], $0xffff  }
0x257: {  	v22 =	vadd.s32 v1, v24  }
0x258: {  	vm5 =	vmneg vm6;
	vm3 =	vmmov vm3;
	vm2 =	vmmov vm2  }
0x259: {  	v20 =	vsel vm7, v14, v20;
	v21 =	vsel vm7, v19, v21;
	vm4 =	vmor vm4, vm5  }
0x25a: {  	vm3 =	vmmov vm3;
	vm2 =	vmmov vm2;
	v12 =	vsel vm4, v12, v14  }
0x25b: {  	v11 =	vsel vm4, v11, v19;
	vm13 =	vgt.f32 v13, v20;
	vm14 =	vgt.f32 v13, v12  }
0x25c: {  	vm2 =	vmmov vm2;
	vm5 =	vmand vm3, vm13;
	vm4 =	vmneg vm14;
	v14 =	vld.idx.msk [tilespmem:v22+s15+$0x0], $0xffff  }
0x25d: {  	v19 =	vld.idx.msk [tilespmem:v22+s14+$0x0], $0xffff;
	v22 =	vmax.f32 v16, v15;
	vm3 =	vmor vm3, vm4;
	v20 =	vsel vm5, v13, v20  }
0x25e: {  	v21 =	vsel vm5, v15, v21;
	v16 =	vlaneseq.u32;
	v23 =	vsel vm3, v12, v13  }
0x25f: {  	v24 =	vsel vm3, v11, v15;
	v11 =	vshll.u32 v16, $0x3;
	v12 =	vand.u32 $0x7F, v16  }
0x260: {  	v15 =	vadd.s32 $0x1, v16;
	v26 =	vadd.s32 $0x3, v16;
	v11 =	vand.u32 $0xFFFFFC00, v11  }
0x261: {  	v12 =	vor.u32 v12, v11;
	vm3 =	vgt.f32 v14, v23;
	vm15 =	vgt.f32 v14, v20  }
0x262: {  	v13 =	vmax.f32 v22, v19;
	v22 =	vadd.s32 v2, v12;
	vm4 =	vmand vm2, vm15  }
0x263: {  	v12 =	vadd.s32 $0x2, v16;
	v11 =	vsel vm4, v14, v20;
	v20 =	vshll.u32 v15, $0x3  }
0x264: {  	vm3 =	vmneg vm3;
	v15 =	vand.u32 $0x7F, v15;
	v20 =	vand.u32 $0xFFFFFC00, v20  }
0x265: {  	v25 =	vshll.u32 v12, $0x3;
	v12 =	vand.u32 $0x7F, v12;
	v15 =	vor.u32 v15, v20  }
0x266: {  	vm2 =	vmor vm2, vm3;
	v20 =	vadd.s32 v2, v15;
	v15 =	vand.u32 $0xFFFFFC00, v25  }
0x267: {  	v25 =	vadd.s32 $0x4, v16;
	v12 =	vor.u32 v12, v15;
	v15 =	vshll.u32 v26, $0x3  }
0x268: {  	v27 =	vld.idx.msk [tilespmem:v22+s15+$0x0], $0xffff;
	v26 =	vand.u32 $0x7F, v26;
	v15 =	vand.u32 $0xFFFFFC00, v15;
	v28 =	vadd.s32 v2, v12  }
0x269: {  	v12 =	vsel vm4, v19, v21;
	v21 =	vshll.u32 v25, $0x3;
	v15 =	vor.u32 v26, v15  }
0x26a: {  	v25 =	vand.u32 $0x7F, v25;
	v21 =	vand.u32 $0xFFFFFC00, v21;
	v26 =	vld.idx.msk [tilespmem:v22+s14+$0x0], $0xffff;
	v29 =	vadd.s32 v2, v15  }
0x26b: {  	v15 =	vsel vm2, v23, v14;
	v14 =	vsel vm2, v24, v19;
	v21 =	vor.u32 v25, v21;
	v23 =	vld.idx.msk [tilespmem:v20+s15+$0x0], $0xffff  }
0x26c: {  	v19 =	vadd.s32 $0x7, v16;
	v24 =	vld.idx.msk [tilespmem:v20+s14+$0x0], $0xffff;
	v22 =	vadd.s32 v2, v21;
	v20 =	vadd.s32 $0x5, v16  }
0x26d: {  	v21 =	vadd.s32 $0x6, v16;
	vm2 =	vgt.f32 v27, v17;
	v27 =	vmax.f32 v17, v27;
	v25 =	vld.idx.msk [tilespmem:v28+s15+$0x0], $0xffff  }
0x26e: {  	v30 =	vand.u32 $0x7F, v20;
	v31 =	vshll.u32 v20, $0x3;
	v32 =	vshll.u32 v21, $0x3;
	v28 =	vld.idx.msk [tilespmem:v28+s14+$0x0], $0xffff  }
0x26f: {  	v21 =	vand.u32 $0x7F, v21;
	v31 =	vand.u32 $0xFFFFFC00, v31;
	v32 =	vand.u32 $0xFFFFFC00, v32;
	v20 =	vld.idx.msk [tilespmem:v29+s14+$0x0], $0xffff  }
0x270: {  	v18 =	vsel vm2, v26, v18;
	v17 =	vmax.f32 v17, v26;
	v63 =	vor.u32 v21, v32  }
0x271: {  	vm2 =	vgt.f32 v23, v27;
	v23 =	vmax.f32 v27, v23;
	v27 =	vor.u32 v30, v31  }
0x272: {  	v17 =	vmax.f32 v17, v24;
	v18 =	vsel vm2, v24, v18;
	v27 =	vadd.s32 v2, v27  }
0x273: {  	v21 =	vld.idx.msk [tilespmem:v29+s15+$0x0], $0xffff;
	vm2 =	vgt.f32 v25, v23;
	v24 =	vmax.f32 v23, v25;
	v17 =	vmax.f32 v17, v28  }
0x274: {  	s24 =	simm.s32 $0x0;
	v25 =	vadd.s32 v2, v63;
	v23 =	vsel vm2, v28, v18;
	v18 =	vld.idx.msk [tilespmem:v22+s14+$0x0], $0xffff;
	v26 =	vmax.f32 v17, v20  }
.LBB2_27:
0x275: {  	v17 =	vmov v16  }
0x276: {  	s24 =	sadd.s32 $0x8, s24;
	v28 =	vshll.u32 v19, $0x3;
	v16 =	vadd.s32 $0x8, v16  }
0x277: {  	v19 =	vand.u32 $0x7F, v19;
	v29 =	vadd.s32 $0x2, v16;
	p0 =	slt.u32 s24, $0x120;
	v28 =	vand.u32 $0xFFFFFC00, v28  }
0x278: {  	v31 =	vadd.s32 $0x4, v16;
	v30 =	vshll.u32 v29, $0x3;
	v19 =	vor.u32 v19, v28;
	v22 =	vld.idx.msk [tilespmem:v22+s15+$0x0], $0xffff  }
0x279: {  	v28 =	vand.u32 $0x7F, v31;
	v31 =	vshll.u32 v31, $0x3;
	v32 =	vadd.s32 v2, v19  }
0x27a: {  	v33 =	vadd.s32 $0x3, v16;
	v19 =	vand.u32 $0x7F, v16;
	v31 =	vand.u32 $0xFFFFFC00, v31;
	v34 =	vld.idx.msk [tilespmem:v27+s14+$0x0], $0xffff  }
0x27b: {  	v35 =	vshll.u32 v16, $0x3;
	v36 =	vadd.s32 $0x1, v16;
	v26 =	vmax.f32 v26, v18  }
0x27c: {  	v38 =	vmax.f32 v24, v21;
	v35 =	vand.u32 $0xFFFFFC00, v35;
	v37 =	vshll.u32 v36, $0x3;
	v27 =	vld.idx.msk [tilespmem:v27+s15+$0x0], $0xffff  }
0x27d: {  	v37 =	vand.u32 $0xFFFFFC00, v37;
	v35 =	vor.u32 v19, v35;
	v19 =	vadd.s32 $0x7, v16;
	v39 =	vld.idx.msk [tilespmem:v25+s15+$0x0], $0xffff  }
0x27e: {  	v36 =	vand.u32 $0x7F, v36;
	v35 =	vadd.s32 v2, v35;
	v40 =	vmax.f32 v38, v22;
	v41 =	vld.idx.msk [tilespmem:v32+s15+$0x0], $0xffff  }
0x27f: {  	vm2 =	vgt.f32 v21, v24;
	v29 =	vand.u32 $0x7F, v29;
	v36 =	vor.u32 v36, v37;
	v21 =	vld.idx.msk [tilespmem:v25+s14+$0x0], $0xffff  }
0x280: {  	v24 =	vadd.s32 v2, v36;
	v25 =	vand.u32 $0xFFFFFC00, v30;
	v26 =	vmax.f32 v26, v34  }
0x281: {  	v20 =	vsel vm2, v20, v23;
	v25 =	vor.u32 v29, v25;
	v29 =	vshll.u32 v33, $0x3  }
0x282: {  	v23 =	vand.u32 $0x7F, v33;
	v29 =	vand.u32 $0xFFFFFC00, v29;
	v30 =	vmax.f32 v40, v27;
	v32 =	vld.idx.msk [tilespmem:v32+s14+$0x0], $0xffff  }
0x283: {  	v25 =	vadd.s32 v2, v25;
	v23 =	vor.u32 v23, v29;
	v29 =	vmax.f32 v30, v39;
	v33 =	vld.idx.msk [tilespmem:v35+s15+$0x0], $0xffff  }
0x284: {  	vm2 =	vgt.f32 v22, v38;
	v23 =	vadd.s32 v2, v23;
	v36 =	vmax.f32 v29, v41;
	v35 =	vld.idx.msk [tilespmem:v35+s14+$0x0], $0xffff  }
0x285: {  	v18 =	vsel vm2, v18, v20;
	vm2 =	vgt.f32 v27, v40;
	v20 =	vmax.f32 v26, v21;
	v37 =	vld.idx.msk [tilespmem:v24+s14+$0x0], $0xffff  }
0x286: {  	v22 =	vor.u32 v28, v31;
	v18 =	vsel vm2, v34, v18;
	vm2 =	vgt.f32 v39, v30;
	v24 =	vld.idx.msk [tilespmem:v24+s15+$0x0], $0xffff  }
0x287: {  	v22 =	vadd.s32 v2, v22;
	v18 =	vsel vm2, v21, v18;
	vm2 =	vgt.f32 v41, v29  }
0x288: {  	v27 =	vadd.s32 $0x6, v16;
	v21 =	vadd.s32 $0x5, v16;
	v18 =	vsel vm2, v32, v18;
	v26 =	vld.idx.msk [tilespmem:v25+s15+$0x0], $0xffff  }
0x289: {  	v29 =	vmax.f32 v20, v32;
	vm2 =	vgt.f32 v33, v36;
	v28 =	vmax.f32 v36, v33;
	v25 =	vld.idx.msk [tilespmem:v25+s14+$0x0], $0xffff  }
0x28a: {  	v30 =	vand.u32 $0x7F, v21;
	v31 =	vshll.u32 v21, $0x3;
	v32 =	vshll.u32 v27, $0x3;
	v20 =	vld.idx.msk [tilespmem:v23+s14+$0x0], $0xffff  }
0x28b: {  	v18 =	vsel vm2, v35, v18;
	v21 =	vld.idx.msk [tilespmem:v23+s15+$0x0], $0xffff;
	v23 =	vand.u32 $0xFFFFFC00, v31;
	v31 =	vand.u32 $0xFFFFFC00, v32  }
.Ltmp12:
0x28c: {  	v29 =	vmax.f32 v29, v35;
	vm2 =	vgt.f32 v24, v28;
	v24 =	vmax.f32 v28, v24;
	(pc) =	sbr.rel @p0 .LBB2_27-.Ltmp12, $4  }
0x28d: {  	v27 =	vand.u32 $0x7F, v27;
	v28 =	vmax.f32 v29, v37;
	v18 =	vsel vm2, v37, v18  }
0x28e: {  	v29 =	vor.u32 v30, v23;
	v30 =	vor.u32 v27, v31;
	vm2 =	vgt.f32 v26, v24  }
0x28f: {  	v24 =	vmax.f32 v24, v26;
	v23 =	vsel vm2, v25, v18;
	v18 =	vmax.f32 v28, v25  }
0x290: {  	v27 =	vadd.s32 v2, v29;
	v25 =	vadd.s32 v2, v30;
	v26 =	vmax.f32 v18, v20;
	v18 =	vld.idx.msk [tilespmem:v22+s14+$0x0], $0xffff  }
0x291: {  	_ =	sdelay $0x1  }
0x292: {  	v28 =	vshll.u32 v19, $0x3  }
0x293: {  	v19 =	vand.u32 $0x7F, v19;
	v28 =	vand.u32 $0xFFFFFC00, v28  }
0x294: {  	v22 =	vld.idx.msk [tilespmem:v22+s15+$0x0], $0xffff;
	v16 =	vadd.s32 $0x8, v16;
	v19 =	vor.u32 v19, v28  }
0x295: {  	v29 =	vld.idx.msk [tilespmem:v25+s15+$0x0], $0xffff;
	v30 =	vshll.u32 v16, $0x3;
	v19 =	vadd.s32 v2, v19  }
0x296: {  	v16 =	vand.u32 $0x7F, v16;
	v28 =	vld.idx.msk [tilespmem:v27+s14+$0x0], $0xffff;
	v30 =	vand.u32 $0xFFFFFC00, v30  }
0x297: {  	v27 =	vld.idx.msk [tilespmem:v27+s15+$0x0], $0xffff;
	v16 =	vor.u32 v16, v30  }
0x298: {  	v25 =	vld.idx.msk [tilespmem:v25+s14+$0x0], $0xffff;
	vm2 =	vgt.f32 v21, v24;
	v17 =	vadd.s32 $0x9, v17;
	v16 =	vadd.s32 v2, v16  }
0x299: {  	v32 =	vmax.f32 v24, v21;
	v20 =	vsel vm2, v20, v23;
	v23 =	vshll.u32 v17, $0x3  }
0x29a: {  	v23 =	vand.u32 $0xFFFFFC00, v23;
	vm2 =	vgt.f32 v22, v32;
	v31 =	vld.idx.msk [tilespmem:v19+s15+$0x0], $0xffff  }
0x29b: {  	v26 =	vmax.f32 v26, v18;
	v30 =	vmax.f32 v32, v22;
	v18 =	vsel vm2, v18, v20  }
0x29c: {  	v33 =	vmax.f32 v30, v27;
	v21 =	vmax.f32 v26, v28;
	vm2 =	vgt.f32 v27, v30;
	v19 =	vld.idx.msk [tilespmem:v19+s14+$0x0], $0xffff  }
0x29d: {  	v20 =	vmax.f32 v21, v25;
	v18 =	vsel vm2, v28, v18;
	vm2 =	vgt.f32 v29, v33;
	v21 =	vld.idx.msk [tilespmem:v16+s15+$0x0], $0xffff  }
0x29e: {  	v24 =	vmax.f32 v33, v29;
	v26 =	vld.idx.msk [tilespmem:v16+s14+$0x0], $0xffff;
	v16 =	vand.u32 $0x7F, v17;
	v18 =	vsel vm2, v25, v18  }
0x29f: {  	v16 =	vor.u32 v16, v23;
	v23 =	vadd.s32 $0x1, v17;
	v22 =	vmax.f32 v24, v31  }
0x2a0: {  	vm2 =	vgt.f32 v31, v24;
	v24 =	vadd.s32 v2, v16;
	v16 =	vadd.s32 $0xFFFFFEC8, v17  }
0x2a1: {  	v18 =	vsel vm2, v19, v18;
	v19 =	vmax.f32 v20, v19;
	vm2 =	vgt.s32 v23, $0x138  }
0x2a2: {  	vm3 =	vgt.f32 v21, v22;
	v17 =	vmax.f32 v22, v21;
	v20 =	vsel vm2, v16, v23  }
0x2a3: {  	v22 =	vimm.f32 $-Inf;
	v16 =	vsel vm3, v26, v18;
	v18 =	vshll.u32 v20, $0x3  }
0x2a4: {  	v21 =	vmax.f32 v19, v26;
	v23 =	vand.u32 $0x7F, v20;
	v18 =	vand.u32 $0xFFFFFC00, v18  }
0x2a5: {  	vm2 =	vmor vm0, vm2;
	v25 =	vadd.s32 $0x1, v20;
	v18 =	vor.u32 v23, v18  }
0x2a6: {  	v20 =	vadd.s32 $0xFFFFFEC8, v20;
	vm4 =	vgt.s32 v25, $0x138;
	v19 =	vld.idx.msk [tilespmem:v24+s15+$0x0], $0xffff;
	v26 =	vadd.s32 v2, v18  }
0x2a7: {  	vm3 =	vmmov vm2;
	v23 =	vimm.f32 $0.0e+00;
	v24 =	vld.idx.msk [tilespmem:v24+s14+$0x0], $0xffff;
	v18 =	vsel vm4, v20, v25  }
0x2a8: {  	vm2 =	vmor vm2, vm4;
	vm4 =	vmmov vm1;
	v20 =	vshll.u32 v18, $0x3  }
0x2a9: {  	v27 =	vadd.s32 $0x1, v18;
	v25 =	vand.u32 $0x7F, v18;
	v20 =	vand.u32 $0xFFFFFC00, v20  }
0x2aa: {  	v28 =	vadd.s32 $0xFFFFFEC8, v18;
	vm5 =	vgt.s32 v27, $0x138;
	v29 =	vor.u32 v25, v20  }
0x2ab: {  	v25 =	vimm.f32 $-Inf;
	vm7 =	vgt.f32 v19, v22;
	vm6 =	vgt.f32 v19, v17;
	v18 =	vld.idx.msk [tilespmem:v26+s15+$0x0], $0xffff  }
0x2ac: {  	s24 =	simm.s32 $0xD;
	v21 =	vmax.f32 v21, v24;
	vm7 =	vmand vm4, vm7;
	v20 =	vld.idx.msk [tilespmem:v26+s14+$0x0], $0xffff;
	v26 =	vimm.f32 $0.0e+00  }
.LBB2_29:
0x2ad: {  	v30 =	vadd.s32 v2, v29;
	v29 =	vsel vm5, v28, v27  }
0x2ae: {  	p0 =	sne.s32 s24, $0x1;
	s24 =	sadd.s32 $0xFFFFFFFF, s24;
	vm6 =	vmneg vm6;
	vm8 =	vmmov vm3;
	vm3 =	vmmov vm2  }
0x2af: {  	v25 =	vsel vm7, v19, v25;
	v26 =	vsel vm7, v24, v26;
	vm4 =	vmor vm4, vm6  }
.Ltmp13:
0x2b0: {  	vm2 =	vmor vm2, vm5;
	v17 =	vsel vm4, v17, v19;
	v16 =	vsel vm4, v16, v24;
	(pc) =	sbr.rel @p0 .LBB2_29-.Ltmp13, $4  }
0x2b1: {  	v27 =	vadd.s32 $0x1, v29;
	v28 =	vadd.s32 $0xFFFFFEC8, v29;
	vm4 =	vmmov vm8  }
0x2b2: {  	v32 =	vshll.u32 v29, $0x3;
	vm5 =	vgt.s32 v27, $0x138;
	vm6 =	vgt.f32 v18, v17;
	v19 =	vmovc v18  }
0x2b3: {  	v29 =	vand.u32 $0x7F, v29;
	v31 =	vand.u32 $0xFFFFFC00, v32;
	vm7 =	vgt.f32 v19, v25;
	v24 =	vmovc v20;
	v18 =	vld.idx.msk [tilespmem:v30+s15+$0x0], $0xffff  }
0x2b4: {  	v29 =	vor.u32 v29, v31;
	vm7 =	vmand vm4, vm7;
	v21 =	vmax.f32 v21, v24;
	v20 =	vld.idx.msk [tilespmem:v30+s14+$0x0], $0xffff  }
0x2b5: {  	v27 =	vadd.s32 v2, v29  }
0x2b6: {  	vm5 =	vmneg vm6;
	vm3 =	vmmov vm3;
	vm2 =	vmmov vm2  }
0x2b7: {  	v25 =	vsel vm7, v19, v25;
	v26 =	vsel vm7, v24, v26;
	vm4 =	vmor vm4, vm5  }
0x2b8: {  	vm3 =	vmmov vm3;
	vm2 =	vmmov vm2;
	v17 =	vsel vm4, v17, v19  }
0x2b9: {  	v16 =	vsel vm4, v16, v24;
	vm13 =	vgt.f32 v18, v25;
	vm14 =	vgt.f32 v18, v17  }
0x2ba: {  	vm2 =	vmmov vm2;
	vm5 =	vmand vm3, vm13;
	vm4 =	vmneg vm14;
	v19 =	vld.idx.msk [tilespmem:v27+s15+$0x0], $0xffff  }
0x2bb: {  	v24 =	vld.idx.msk [tilespmem:v27+s14+$0x0], $0xffff;
	v27 =	vmax.f32 v21, v20;
	vm3 =	vmor vm3, vm4;
	v25 =	vsel vm5, v18, v25  }
0x2bc: {  	v26 =	vsel vm5, v20, v26;
	v21 =	vlaneseq.u32;
	v28 =	vsel vm3, v17, v18  }
0x2bd: {  	v29 =	vsel vm3, v16, v20;
	v16 =	vshll.u32 v21, $0x3;
	v17 =	vand.u32 $0x7F, v21  }
0x2be: {  	v20 =	vadd.s32 $0x1, v21;
	v31 =	vadd.s32 $0x3, v21;
	v16 =	vand.u32 $0xFFFFFC00, v16  }
0x2bf: {  	v17 =	vor.u32 v17, v16;
	vm3 =	vgt.f32 v19, v28;
	vm15 =	vgt.f32 v19, v25  }
0x2c0: {  	v18 =	vmax.f32 v27, v24;
	v27 =	vadd.s32 v3, v17;
	vm4 =	vmand vm2, vm15  }
0x2c1: {  	v17 =	vadd.s32 $0x2, v21;
	v16 =	vsel vm4, v19, v25;
	v25 =	vshll.u32 v20, $0x3  }
0x2c2: {  	vm3 =	vmneg vm3;
	v20 =	vand.u32 $0x7F, v20;
	v25 =	vand.u32 $0xFFFFFC00, v25  }
0x2c3: {  	v30 =	vshll.u32 v17, $0x3;
	v17 =	vand.u32 $0x7F, v17;
	v20 =	vor.u32 v20, v25  }
0x2c4: {  	vm2 =	vmor vm2, vm3;
	v25 =	vadd.s32 v3, v20;
	v20 =	vand.u32 $0xFFFFFC00, v30  }
0x2c5: {  	v30 =	vadd.s32 $0x4, v21;
	v17 =	vor.u32 v17, v20;
	v20 =	vshll.u32 v31, $0x3  }
0x2c6: {  	v32 =	vld.idx.msk [tilespmem:v27+s15+$0x0], $0xffff;
	v31 =	vand.u32 $0x7F, v31;
	v20 =	vand.u32 $0xFFFFFC00, v20;
	v33 =	vadd.s32 v3, v17  }
0x2c7: {  	v17 =	vsel vm4, v24, v26;
	v26 =	vshll.u32 v30, $0x3;
	v20 =	vor.u32 v31, v20  }
0x2c8: {  	v30 =	vand.u32 $0x7F, v30;
	v26 =	vand.u32 $0xFFFFFC00, v26;
	v31 =	vld.idx.msk [tilespmem:v27+s14+$0x0], $0xffff;
	v34 =	vadd.s32 v3, v20  }
0x2c9: {  	v20 =	vsel vm2, v28, v19;
	v19 =	vsel vm2, v29, v24;
	v26 =	vor.u32 v30, v26;
	v28 =	vld.idx.msk [tilespmem:v25+s15+$0x0], $0xffff  }
0x2ca: {  	v24 =	vadd.s32 $0x7, v21;
	v29 =	vld.idx.msk [tilespmem:v25+s14+$0x0], $0xffff;
	v27 =	vadd.s32 v3, v26;
	v25 =	vadd.s32 $0x5, v21  }
0x2cb: {  	v26 =	vadd.s32 $0x6, v21;
	vm2 =	vgt.f32 v32, v22;
	v32 =	vmax.f32 v22, v32;
	v30 =	vld.idx.msk [tilespmem:v33+s15+$0x0], $0xffff  }
0x2cc: {  	v35 =	vand.u32 $0x7F, v25;
	v36 =	vshll.u32 v25, $0x3;
	v37 =	vshll.u32 v26, $0x3;
	v33 =	vld.idx.msk [tilespmem:v33+s14+$0x0], $0xffff  }
0x2cd: {  	v26 =	vand.u32 $0x7F, v26;
	v36 =	vand.u32 $0xFFFFFC00, v36;
	v37 =	vand.u32 $0xFFFFFC00, v37;
	v25 =	vld.idx.msk [tilespmem:v34+s14+$0x0], $0xffff  }
0x2ce: {  	v23 =	vsel vm2, v31, v23;
	v22 =	vmax.f32 v22, v31;
	v62 =	vor.u32 v35, v36  }
0x2cf: {  	v63 =	vor.u32 v26, v37;
	vm2 =	vgt.f32 v28, v32;
	v28 =	vmax.f32 v32, v28  }
0x2d0: {  	v22 =	vmax.f32 v22, v29;
	v32 =	vadd.s32 v3, v62;
	v23 =	vsel vm2, v29, v23  }
0x2d1: {  	v26 =	vld.idx.msk [tilespmem:v34+s15+$0x0], $0xffff;
	vm2 =	vgt.f32 v30, v28;
	v29 =	vmax.f32 v28, v30;
	v22 =	vmax.f32 v22, v33  }
0x2d2: {  	s24 =	simm.s32 $0x0;
	v30 =	vadd.s32 v3, v63;
	v28 =	vsel vm2, v33, v23;
	v23 =	vld.idx.msk [tilespmem:v27+s14+$0x0], $0xffff;
	v31 =	vmax.f32 v22, v25  }
.LBB2_31:
0x2d3: {  	v22 =	vmov v21  }
0x2d4: {  	s24 =	sadd.s32 $0x8, s24;
	v33 =	vshll.u32 v24, $0x3;
	v21 =	vadd.s32 $0x8, v21  }
0x2d5: {  	v24 =	vand.u32 $0x7F, v24;
	v34 =	vadd.s32 $0x2, v21;
	p0 =	slt.u32 s24, $0x120;
	v33 =	vand.u32 $0xFFFFFC00, v33  }
0x2d6: {  	v36 =	vadd.s32 $0x4, v21;
	v35 =	vshll.u32 v34, $0x3;
	v24 =	vor.u32 v24, v33;
	v27 =	vld.idx.msk [tilespmem:v27+s15+$0x0], $0xffff  }
0x2d7: {  	v33 =	vand.u32 $0x7F, v36;
	v36 =	vshll.u32 v36, $0x3;
	v37 =	vadd.s32 v3, v24  }
0x2d8: {  	v38 =	vadd.s32 $0x3, v21;
	v24 =	vand.u32 $0x7F, v21;
	v36 =	vand.u32 $0xFFFFFC00, v36;
	v39 =	vld.idx.msk [tilespmem:v32+s14+$0x0], $0xffff  }
0x2d9: {  	v40 =	vshll.u32 v21, $0x3;
	v41 =	vadd.s32 $0x1, v21;
	v31 =	vmax.f32 v31, v23  }
0x2da: {  	v43 =	vmax.f32 v29, v26;
	v40 =	vand.u32 $0xFFFFFC00, v40;
	v42 =	vshll.u32 v41, $0x3;
	v32 =	vld.idx.msk [tilespmem:v32+s15+$0x0], $0xffff  }
0x2db: {  	v42 =	vand.u32 $0xFFFFFC00, v42;
	v40 =	vor.u32 v24, v40;
	v24 =	vadd.s32 $0x7, v21;
	v44 =	vld.idx.msk [tilespmem:v30+s15+$0x0], $0xffff  }
0x2dc: {  	v41 =	vand.u32 $0x7F, v41;
	v40 =	vadd.s32 v3, v40;
	v45 =	vmax.f32 v43, v27;
	v46 =	vld.idx.msk [tilespmem:v37+s15+$0x0], $0xffff  }
0x2dd: {  	vm2 =	vgt.f32 v26, v29;
	v34 =	vand.u32 $0x7F, v34;
	v41 =	vor.u32 v41, v42;
	v26 =	vld.idx.msk [tilespmem:v30+s14+$0x0], $0xffff  }
0x2de: {  	v29 =	vadd.s32 v3, v41;
	v30 =	vand.u32 $0xFFFFFC00, v35;
	v31 =	vmax.f32 v31, v39  }
0x2df: {  	v25 =	vsel vm2, v25, v28;
	v30 =	vor.u32 v34, v30;
	v34 =	vshll.u32 v38, $0x3  }
0x2e0: {  	v28 =	vand.u32 $0x7F, v38;
	v34 =	vand.u32 $0xFFFFFC00, v34;
	v35 =	vmax.f32 v45, v32;
	v37 =	vld.idx.msk [tilespmem:v37+s14+$0x0], $0xffff  }
0x2e1: {  	v30 =	vadd.s32 v3, v30;
	v28 =	vor.u32 v28, v34;
	v34 =	vmax.f32 v35, v44;
	v38 =	vld.idx.msk [tilespmem:v40+s15+$0x0], $0xffff  }
0x2e2: {  	vm2 =	vgt.f32 v27, v43;
	v28 =	vadd.s32 v3, v28;
	v41 =	vmax.f32 v34, v46;
	v40 =	vld.idx.msk [tilespmem:v40+s14+$0x0], $0xffff  }
0x2e3: {  	v23 =	vsel vm2, v23, v25;
	vm2 =	vgt.f32 v32, v45;
	v25 =	vmax.f32 v31, v26;
	v42 =	vld.idx.msk [tilespmem:v29+s14+$0x0], $0xffff  }
0x2e4: {  	v27 =	vor.u32 v33, v36;
	v23 =	vsel vm2, v39, v23;
	vm2 =	vgt.f32 v44, v35;
	v29 =	vld.idx.msk [tilespmem:v29+s15+$0x0], $0xffff  }
0x2e5: {  	v27 =	vadd.s32 v3, v27;
	v23 =	vsel vm2, v26, v23;
	vm2 =	vgt.f32 v46, v34  }
0x2e6: {  	v32 =	vadd.s32 $0x6, v21;
	v26 =	vadd.s32 $0x5, v21;
	v23 =	vsel vm2, v37, v23;
	v31 =	vld.idx.msk [tilespmem:v30+s15+$0x0], $0xffff  }
0x2e7: {  	v34 =	vmax.f32 v25, v37;
	vm2 =	vgt.f32 v38, v41;
	v33 =	vmax.f32 v41, v38;
	v30 =	vld.idx.msk [tilespmem:v30+s14+$0x0], $0xffff  }
0x2e8: {  	v35 =	vand.u32 $0x7F, v26;
	v36 =	vshll.u32 v26, $0x3;
	v37 =	vshll.u32 v32, $0x3;
	v25 =	vld.idx.msk [tilespmem:v28+s14+$0x0], $0xffff  }
0x2e9: {  	v23 =	vsel vm2, v40, v23;
	v26 =	vld.idx.msk [tilespmem:v28+s15+$0x0], $0xffff;
	v28 =	vand.u32 $0xFFFFFC00, v36;
	v36 =	vand.u32 $0xFFFFFC00, v37  }
.Ltmp14:
0x2ea: {  	v34 =	vmax.f32 v34, v40;
	vm2 =	vgt.f32 v29, v33;
	v29 =	vmax.f32 v33, v29;
	(pc) =	sbr.rel @p0 .LBB2_31-.Ltmp14, $4  }
0x2eb: {  	v32 =	vand.u32 $0x7F, v32;
	v33 =	vmax.f32 v34, v42;
	v23 =	vsel vm2, v42, v23  }
0x2ec: {  	v34 =	vor.u32 v35, v28;
	v35 =	vor.u32 v32, v36;
	vm2 =	vgt.f32 v31, v29  }
0x2ed: {  	v29 =	vmax.f32 v29, v31;
	v28 =	vsel vm2, v30, v23;
	v23 =	vmax.f32 v33, v30  }
0x2ee: {  	v32 =	vadd.s32 v3, v34;
	v30 =	vadd.s32 v3, v35;
	v31 =	vmax.f32 v23, v25;
	v23 =	vld.idx.msk [tilespmem:v27+s14+$0x0], $0xffff  }
0x2ef: {  	_ =	sdelay $0x3  }
0x2f0: {  	v33 =	vshll.u32 v24, $0x3;
	v27 =	vld.idx.msk [tilespmem:v27+s15+$0x0], $0xffff  }
0x2f1: {  	v24 =	vand.u32 $0x7F, v24;
	v58 =	vld.idx.msk [tilespmem:v32+s14+$0x0], $0xffff;
	v21 =	vadd.s32 $0x8, v21;
	v33 =	vand.u32 $0xFFFFFC00, v33  }
0x2f2: {  	v59 =	vld.idx.msk [tilespmem:v32+s15+$0x0], $0xffff;
	v35 =	vshll.u32 v21, $0x3;
	v24 =	vor.u32 v24, v33  }
0x2f3: {  	v34 =	vld.idx.msk [tilespmem:v30+s15+$0x0], $0xffff;
	v21 =	vand.u32 $0x7F, v21;
	v35 =	vand.u32 $0xFFFFFC00, v35;
	v24 =	vadd.s32 v3, v24  }
0x2f4: {  	v37 =	vmax.f32 v29, v26;
	v30 =	vld.idx.msk [tilespmem:v30+s14+$0x0], $0xffff;
	v21 =	vor.u32 v21, v35  }
0x2f5: {  	vm2 =	vgt.f32 v26, v29;
	v22 =	vadd.s32 $0x9, v22;
	v21 =	vadd.s32 v3, v21  }
0x2f6: {  	v25 =	vsel vm2, v25, v28;
	v61 =	vand.u32 $0x7F, v22;
	v31 =	vmax.f32 v31, v23  }
0x2f7: {  	v60 =	vmax.f32 v37, v27;
	v29 =	vmax.f32 v31, v58;
	vm2 =	vgt.f32 v27, v37  }
0x2f8: {  	v26 =	vmax.f32 v60, v59;
	v23 =	vsel vm2, v23, v25;
	vm2 =	vgt.f32 v59, v60;
	v36 =	vld.idx.msk [tilespmem:v24+s15+$0x0], $0xffff  }
0x2f9: {  	v25 =	vshll.u32 v22, $0x3;
	v29 =	vmax.f32 v29, v30;
	v28 =	vmax.f32 v26, v34;
	v24 =	vld.idx.msk [tilespmem:v24+s14+$0x0], $0xffff  }
0x2fa: {  	v25 =	vand.u32 $0xFFFFFC00, v25;
	v23 =	vsel vm2, v58, v23;
	vm2 =	vgt.f32 v34, v26;
	v31 =	vld.idx.msk [tilespmem:v21+s15+$0x0], $0xffff  }
0x2fb: {  	v23 =	vsel vm2, v30, v23;
	v26 =	vld.idx.msk [tilespmem:v21+s14+$0x0], $0xffff;
	v21 =	vor.u32 v61, v25;
	v25 =	vadd.s32 $0x1, v22  }
0x2fc: {  	v30 =	vadd.s32 v3, v21;
	v21 =	vadd.s32 $0xFFFFFEC8, v22;
	vm3 =	vgt.s32 v25, $0x138  }
0x2fd: {  	vm1 =	vmmov vm1;
	v25 =	vsel vm3, v21, v25  }
0x2fe: {  	v27 =	vmax.f32 v28, v36;
	vm2 =	vgt.f32 v36, v28;
	v28 =	vand.u32 $0x7F, v25  }
0x2ff: {  	v22 =	vsel vm2, v24, v23;
	v23 =	vmax.f32 v29, v24;
	v24 =	vshll.u32 v25, $0x3  }
0x300: {  	vm2 =	vgt.f32 v31, v27;
	v21 =	vmax.f32 v27, v31;
	v24 =	vand.u32 $0xFFFFFC00, v24  }
0x301: {  	v22 =	vsel vm2, v26, v22;
	v62 =	vmax.f32 v23, v26;
	v26 =	vor.u32 v28, v24  }
0x302: {  	v23 =	vimm.f32 $-Inf;
	v27 =	vld.idx.msk [tilespmem:v30+s15+$0x0], $0xffff;
	v28 =	vadd.s32 $0x1, v25;
	v26 =	vadd.s32 v3, v26  }
0x303: {  	vm2 =	vmor vm0, vm3;
	v29 =	vld.idx.msk [tilespmem:v30+s14+$0x0], $0xffff;
	v25 =	vadd.s32 $0xFFFFFEC8, v25;
	vm4 =	vgt.s32 v28, $0x138  }
0x304: {  	v24 =	vimm.f32 $0.0e+00;
	vm3 =	vmmov vm2;
	v25 =	vsel vm4, v25, v28  }
0x305: {  	vm2 =	vmor vm2, vm4;
	v30 =	vadd.s32 $0x1, v25;
	v31 =	vadd.s32 $0xFFFFFEC8, v25  }
0x306: {  	v28 =	vshll.u32 v25, $0x3;
	v63 =	vand.u32 $0x7F, v25;
	vm4 =	vgt.s32 v30, $0x138  }
0x307: {  	vm5 =	vgt.f32 v27, v21;
	v28 =	vand.u32 $0xFFFFFC00, v28;
	vm6 =	vgt.f32 v27, v23;
	v25 =	vld.idx.msk [tilespmem:v26+s15+$0x0], $0xffff  }
0x308: {  	s24 =	simm.s32 $0xD;
	v32 =	vor.u32 v63, v28;
	vm6 =	vmand vm1, vm6;
	v28 =	vmax.f32 v62, v29;
	v26 =	vld.idx.msk [tilespmem:v26+s14+$0x0], $0xffff  }
.LBB2_33:
0x309: {  	v33 =	vadd.s32 v3, v32;
	v32 =	vsel vm4, v31, v30  }
0x30a: {  	p0 =	sne.s32 s24, $0x1;
	s24 =	sadd.s32 $0xFFFFFFFF, s24;
	vm5 =	vmneg vm5;
	vm7 =	vmmov vm3;
	vm3 =	vmmov vm2  }
0x30b: {  	v23 =	vsel vm6, v27, v23;
	v24 =	vsel vm6, v29, v24;
	vm1 =	vmor vm1, vm5  }
.Ltmp15:
0x30c: {  	vm2 =	vmor vm2, vm4;
	v21 =	vsel vm1, v21, v27;
	v22 =	vsel vm1, v22, v29;
	(pc) =	sbr.rel @p0 .LBB2_33-.Ltmp15, $4  }
0x30d: {  	v30 =	vadd.s32 $0x1, v32;
	v31 =	vadd.s32 $0xFFFFFEC8, v32;
	vm1 =	vmmov vm7  }
0x30e: {  	v35 =	vshll.u32 v32, $0x3;
	vm4 =	vgt.s32 v30, $0x138;
	vm5 =	vgt.f32 v25, v21;
	v27 =	vmovc v25  }
0x30f: {  	v32 =	vand.u32 $0x7F, v32;
	v34 =	vand.u32 $0xFFFFFC00, v35;
	vm6 =	vgt.f32 v27, v23;
	v29 =	vmovc v26;
	v25 =	vld.idx.msk [tilespmem:v33+s15+$0x0], $0xffff  }
0x310: {  	v32 =	vor.u32 v32, v34;
	vm6 =	vmand vm1, vm6;
	v28 =	vmax.f32 v28, v29;
	v26 =	vld.idx.msk [tilespmem:v33+s14+$0x0], $0xffff  }
0x311: {  	v30 =	vadd.s32 v3, v32;
	_ =	sdelay $0x3  }
0x312: {  	vm4 =	vmneg vm5;
	vm3 =	vmmov vm3;
	(erf) = vrcp.f32 v8  }
0x313: {  	vm2 =	vmmov vm2;
	v51 =	vsel vm6, v27, v23;
	v24 =	vsel vm6, v29, v24;
	v52 =	vld.idx.msk [tilespmem:v30+s14+$0x0], $0xffff  }
0x314: {  	vm1 =	vmor vm1, vm4;
	(erf) = vrcp.f32 v13;
	vm2 =	vmmov vm2  }
0x315: {  	v21 =	vsel vm1, v21, v27;
	v22 =	vsel vm1, v22, v29;
	vm1 =	vmmov vm3  }
0x316: {  	(erf) = vrcp.f32 v18;
	vm3 =	vgt.f32 v25, v51;
	vm14 =	vgt.f32 v25, v21;
	v53 =	vld.idx.msk [tilespmem:v30+s15+$0x0], $0xffff  }
0x317: {  	vm3 =	vmand vm1, vm3;
	v54 =	vmax.f32 v28, v26;
	vm4 =	vmneg vm14  }
0x318: {  	vm1 =	vmor vm1, vm4;
	v8 =	vsel vm3, v25, v51;
	v55 =	vmax.f32 v54, v52  }
0x319: {  	v24 =	vsel vm3, v26, v24;
	v21 =	vsel vm1, v21, v25;
	(erf) = vrcp.f32 v55  }
0x31a: {  	v56 =	vsel vm1, v22, v26;
	vm1 =	vmmov vm2;
	vm2 =	vge.f32 v6, v10  }
0x31b: {  	v7 =	vsel vm2, v7, v9;
	v6 =	vpop (erf);
	vm3 =	vgt.f32 v53, v21;
	vm15 =	vgt.f32 v53, v8  }
0x31c: {  	v6 =	vmul.f32 v6, v7;
	vm2 =	vmand vm1, vm15;
	vm3 =	vmneg vm3  }
0x31d: {  	vm1 =	vmor vm1, vm3;
	v7 =	vsel vm2, v53, v8;
	vm3 =	vge.f32 v11, v15  }
0x31e: {  	v57 =	vpop (erf);
	v58 =	vsel vm2, v52, v24;
	v6 =	vsub.f32 $1.000000000e+00, v6;
	v59 =	vsel vm3, v12, v14  }
0x31f: {  	vm2 =	vge.f32 v16, v20;
	v60 =	vsel vm1, v21, v53;
	v8 =	vmul.f32 v57, v59  }
0x320: {  	v61 =	vpop (erf);
	v62 =	vsel vm1, v56, v52;
	v5 =	vadd.f32 v6, v5;
	v6 =	vsel vm2, v17, v19  }
0x321: {  	s23 =	sadd.s32 $0x1, s23;
	vm1 =	vge.f32 v7, v60;
	v6 =	vmul.f32 v61, v6;
	v8 =	vsub.f32 $1.000000000e+00, v8  }
0x322: {  	p0 =	sne.s32 s23, $0x15;
	v7 =	vsel vm1, v58, v62;
	v63 =	vpop (erf)  }
.Ltmp16:
0x323: {  	v6 =	vsub.f32 $1.000000000e+00, v6;
	v5 =	vadd.f32 v8, v5;
	v7 =	vmul.f32 v63, v7;
	(pc) =	sbr.rel @p0 .LBB2_2-.Ltmp16, $3  }
0x324: {  	_ = 	snop  }
0x325: {  	v5 =	vadd.f32 v6, v5;
	v6 =	vsub.f32 $1.000000000e+00, v7;
	_ =	sdelay $0x1  }
0x326: {  	v5 =	vadd.f32 v6, v5  }
0x327: {  	s22 =	sadd.s32 $0x1, s22  }
0x328: {  	p0 =	sne.s32 s22, s12  }
.Ltmp17:
0x329: {  	[tilespmem:$0x18000] =	vst v5;
	(pc) =	sbr.rel @p0 .LBB2_1-.Ltmp17, $4  }
0x32a: {  	[hbm4b:s11+s4] =	stream.linear.scatter [tilespmem:s20], [sflag:$0x5], $0x80, $0x38;
	[tilespmem:$0x18080] =	vst v63  }
0x32b: {  	_ =	swait.ge [sflag:s21], $0x80  }
0x32c: {  	[sflag:s21] =	ssyncset.done $0x0  }
0x32d: {  	[sflag:s21] =	ssyncadd.s32 $0xFFFFFF80  }
0x32e: {  	_ =	sfence.sel $0x180000  }
0x32f: {  	[bflag:$0x0] =	sbarrier.arrive $0xFFFF  }
0x330: {  	p0 =	sne.s32 s0, $0x0;
	_ =	strace $0x90000047  }
0x331: {  	s0 =	sadd.s32 @!p0 $0x100000, s3;
	[bflag:$0x2] =	sbarrier.arrive $0xFFFF  }
0x332: {  	[sflag:s0] =	ssyncadd.tile.s32 @!p0 $0x1;
	_ =	shalt  }
.Lfunc_end2:
_tile_overlayer_lowered:
.L_overlay_start_2:
0x333: {  	(tag) =	ssettag $0x2  }
0x334: {  	s0 =	rddreg [dreg:$0x0];
	s2 =	stileid.u32  }
0x335: {  	s1 =	rddreg [dreg:$0x1];
	p0 =	sne.s32 s2, $0x0  }
0x336: {  	s3 =	rddreg [dreg:$0x2];
	[bflag:$0x3] =	sbarrier.arrive $0xFFFF;
	s2 =	simm.s32 @!p0 $0x1C05  }
0x337: {  	[timem:s3], [sflag:s2] =	dma.local @!p0 [hbm:s0], s1  }
0x338: {  	s0 =	simm.s32 @!p0 $0x5  }
0x339: {  	_ =	swait.ge @!p0 [sflag:s0], s1  }
0x33a: {  	s1 =	ssub.s32 @!p0 $0x0, s1;
	[sflag:s0] =	ssyncset.done @!p0 $0x0  }
0x33b: {  	[sflag:s0] =	ssyncadd.s32 @!p0 s1  }
0x33c: {  	[bflag:$0x3] =	sbarrier.arrive $0xFFFF  }
0x33d: {  	_ =	shalt  }

</sc_bundles>
